<compile_context>
chip_gen: v7x
topology: tpu7x:2x2x1
jax: 0.10.2.dev20260603
libtpu: 0.0.44.dev20260713+nightly
codegen_flags: <defaults>
</compile_context>

<pallas_src>
import functools

import jax
import jax.numpy as jnp
from jax import lax
from jax.experimental import pallas as pl
from jax.experimental.pallas import tpu as pltpu
from jax.experimental.pallas import tpu_sc as plsc

B, L, D = 1024, 200, 128
N = B * L
NC, NS = 2, 16
NW = NC * NS
RPW = N // NW
C = 64
NCHUNK = RPW // C
SEG = D // 16
RING = 4
CSL = C // 16

_mesh = plsc.VectorSubcoreMesh(core_axis_name="c", subcore_axis_name="s")


def _build_tables_body(cnt_ref, val_ref, gas_ref, io_ref, pos_ref,
                       t1_ref, t2_ref):
    cnt = cnt_ref[...]
    val = val_ref[...]
    gas = gas_ref[...]
    t1 = cnt[:, None, None, :] + val[None, :, None, :] + gas[None, None, :, :]
    t1 = t1.reshape(15 * 15 * 15, D)
    t1_ref[...] = jnp.broadcast_to(t1[None], (4, 3375, D)).reshape(13500, D)
    t2 = io_ref[...][:, None, :] + pos_ref[...][None, :, :]
    t2 = t2.reshape(3 * 200, D)
    t2_ref[...] = jnp.broadcast_to(t2[None], (8, 600, D)).reshape(4800, D)


def _build_tables(cnt, val, gas, io, pos):
    return pl.pallas_call(
        _build_tables_body,
        out_shape=(jax.ShapeDtypeStruct((13500, D), jnp.float32),
                   jax.ShapeDtypeStruct((4800, D), jnp.float32)),
    )(cnt, val, gas, io, pos)


@functools.partial(
    pl.kernel,
    mesh=_mesh,
    out_type=jax.ShapeDtypeStruct((N, D), jnp.float32),
    scratch_types=(
        [pltpu.VMEM((6, C), jnp.int32) for _ in range(RING)]
        + [pltpu.VMEM((C, D), jnp.float32) for _ in range(RING)]
        + [pltpu.SemaphoreType.DMA for _ in range(3 * RING)]
    ),
)
def _embed_sum(tok_t, t1_t, t2_t, itok, icnt, ival, iio, ipos, igas, out_hbm,
               *scratch):
    idxs = [itok, icnt, ival, iio, ipos, igas]
    ixb = list(scratch[0:RING])
    acc = list(scratch[RING:2 * RING])
    sG = list(scratch[2 * RING:3 * RING])
    sO = list(scratch[3 * RING:4 * RING])
    sI = list(scratch[4 * RING:5 * RING])
    tables = [tok_t, t1_t, t2_t]

    wid = lax.axis_index("s") * NC + lax.axis_index("c")
    rbase = wid * RPW
    zv = jnp.zeros((16,), jnp.float32)
    lane = lax.iota(jnp.int32, 16)
    r1off = (lane & 3) * 3375
    r2off = (lane & 7) * 600

    def fetch_idx(gg, j):
        for t in range(6):
            pltpu.async_copy(idxs[t].at[pl.ds(rbase + gg * C, C)],
                             ixb[j].at[t], sI[j])

    for j in range(RING - 1):
        fetch_idx(j, j)

    def visit(gg, j):
        @pl.when(gg >= RING)
        def _():
            pltpu.make_async_copy(acc[j], out_hbm.at[pl.ds(0, C)], sO[j]).wait()

        def zrow(r, z):
            for s in range(SEG):
                acc[j][r, pl.ds(s * 16, 16)] = zv
            return z
        lax.fori_loop(0, C, zrow, 0)

        for t in range(6):
            pltpu.make_async_copy(idxs[0].at[pl.ds(0, C)], ixb[j].at[t],
                                  sI[j]).wait()

        for s in range(CSL):
            cs = pl.ds(s * 16, 16)
            cv = ixb[j][1, cs] * 15 + ixb[j][2, cs]
            ixb[j][1, cs] = cv * 15 + ixb[j][5, cs] + r1off
            ixb[j][3, cs] = ixb[j][3, cs] * 200 + ixb[j][4, cs] + r2off

        for t, row in ((0, 0), (1, 1), (2, 3)):
            pltpu.async_copy(tables[t].at[ixb[j].at[row]], acc[j], sG[j],
                             add=True)

        jp = (j - 1) % RING

        @pl.when(gg >= 1)
        def _():
            for _ in range(3):
                pltpu.make_async_copy(out_hbm.at[pl.ds(0, C)], acc[jp],
                                      sG[jp]).wait()
            pltpu.async_copy(acc[jp],
                             out_hbm.at[pl.ds(rbase + (gg - 1) * C, C)],
                             sO[jp])

        @pl.when(gg + RING - 1 < NCHUNK)
        def _():
            fetch_idx(gg + RING - 1, (j + RING - 1) % RING)

    def outer(g4, carry):
        for j in range(RING):
            visit(g4 * RING + j, j)
        return carry

    lax.fori_loop(0, NCHUNK // RING, outer, 0)

    jl = (NCHUNK - 1) % RING
    for _ in range(3):
        pltpu.make_async_copy(out_hbm.at[pl.ds(0, C)], acc[jl], sG[jl]).wait()
    pltpu.async_copy(acc[jl],
                     out_hbm.at[pl.ds(rbase + (NCHUNK - 1) * C, C)], sO[jl])
    for j in range(RING):
        pltpu.make_async_copy(acc[j], out_hbm.at[pl.ds(0, C)], sO[j]).wait()


def kernel(input_ids, counts, values, io_flags, positions, gas_fee,
           token_table, count_table, value_table, position_table,
           io_table, gas_table):
    t1, t2 = _build_tables(count_table, value_table, gas_table,
                           io_table, position_table)
    flat = lambda a: a.reshape(N).astype(jnp.int32)
    out = _embed_sum(token_table, t1, t2,
                     flat(input_ids), flat(counts), flat(values),
                     flat(io_flags), flat(positions), flat(gas_fee))
    return out.reshape(B, L, D)

# --- scband reference (transcript-rebuilt; emitter-appended) ---
"""Pipeline reference for scband-bertembedding-22514218565689 (READ-ONLY COPY).

The authoritative reference and input builder live on the scoring server;
editing this copy changes nothing except your own understanding.
"""

import jax, jax.numpy as jnp
import numpy as np

B, L, D = 1024, 200, 128
VOCAB = 100000
MAX_SEQ = 200


def setup_inputs(seed: int = 0) -> dict:
    key = jax.random.key(seed)
    ks = jax.random.split(key, 12)
    inp = {
        "input_ids": jax.random.randint(ks[0], (B, L), 0, VOCAB, dtype=jnp.int64 if jax.config.jax_enable_x64 else jnp.int32),
        "counts": jax.random.randint(ks[1], (B, L), 0, 15),
        "values": jax.random.randint(ks[2], (B, L), 0, 15),
        "io_flags": jax.random.randint(ks[3], (B, L), 0, 3),
        "positions": jax.random.randint(ks[4], (B, L), 0, MAX_SEQ),
        "gas_fee": jax.random.randint(ks[5], (B, L), 0, 15),
        # learned parameters (TokenEmbedding init: uniform_(-0.02, 0.02))
        "token_table": jax.random.uniform(ks[6], (VOCAB, D), minval=-0.02, maxval=0.02, dtype=jnp.float32),
        "count_table": jax.random.uniform(ks[7], (15, D), minval=-0.02, maxval=0.02, dtype=jnp.float32),
        "value_table": jax.random.uniform(ks[8], (15, D), minval=-0.02, maxval=0.02, dtype=jnp.float32),
        "position_table": jax.random.uniform(ks[9], (MAX_SEQ, D), minval=-0.02, maxval=0.02, dtype=jnp.float32),
        "io_table": jax.random.uniform(ks[10], (3, D), minval=-0.02, maxval=0.02, dtype=jnp.float32),
        "gas_table": jax.random.uniform(ks[11], (15, D), minval=-0.02, maxval=0.02, dtype=jnp.float32),
    }
    return inp


def reference(input_ids, counts, values, io_flags, positions, gas_fee,
              token_table, count_table, value_table, position_table, io_table, gas_table):
    # Sum of six embedding lookups (BERTEmbedding.forward); dropout is identity at eval.
    x = (jnp.take(token_table, input_ids, axis=0)
         + jnp.take(count_table, counts, axis=0)
         + jnp.take(position_table, positions, axis=0)
         + jnp.take(io_table, io_flags, axis=0)
         + jnp.take(value_table, values, axis=0)
         + jnp.take(gas_table, gas_fee, axis=0))
    return x

if __name__ == "__main__":
    import jax
    _d = setup_inputs()
    print(jax.jit(kernel)(*tuple(_d.values())))

</pallas_src>

<mosaic_0001>
#map = affine_map<(d0, d1) -> (0, 0)>
#map1 = affine_map<(d0, d1) -> (0)>
module attributes {stable_mosaic.version = 14 : i64} {
  func.func @_embed_sum(%arg0: i32, %arg1: i32, %arg2: memref<100000x128xf32, #tpu.memory_space<hbm>>, %arg3: memref<13500x128xf32, #tpu.memory_space<hbm>>, %arg4: memref<4800x128xf32, #tpu.memory_space<hbm>>, %arg5: memref<204800xi32, #tpu.memory_space<hbm>>, %arg6: memref<204800xi32, #tpu.memory_space<hbm>>, %arg7: memref<204800xi32, #tpu.memory_space<hbm>>, %arg8: memref<204800xi32, #tpu.memory_space<hbm>>, %arg9: memref<204800xi32, #tpu.memory_space<hbm>>, %arg10: memref<204800xi32, #tpu.memory_space<hbm>>, %arg11: memref<204800x128xf32, #tpu.memory_space<hbm>>, %arg12: memref<6x64xi32, #tpu.memory_space<vmem>>, %arg13: memref<6x64xi32, #tpu.memory_space<vmem>>, %arg14: memref<6x64xi32, #tpu.memory_space<vmem>>, %arg15: memref<6x64xi32, #tpu.memory_space<vmem>>, %arg16: memref<64x128xf32, #tpu.memory_space<vmem>>, %arg17: memref<64x128xf32, #tpu.memory_space<vmem>>, %arg18: memref<64x128xf32, #tpu.memory_space<vmem>>, %arg19: memref<64x128xf32, #tpu.memory_space<vmem>>, %arg20: memref<!tpu.dma_semaphore, #tpu.memory_space<semaphore_mem>>, %arg21: memref<!tpu.dma_semaphore, #tpu.memory_space<semaphore_mem>>, %arg22: memref<!tpu.dma_semaphore, #tpu.memory_space<semaphore_mem>>, %arg23: memref<!tpu.dma_semaphore, #tpu.memory_space<semaphore_mem>>, %arg24: memref<!tpu.dma_semaphore, #tpu.memory_space<semaphore_mem>>, %arg25: memref<!tpu.dma_semaphore, #tpu.memory_space<semaphore_mem>>, %arg26: memref<!tpu.dma_semaphore, #tpu.memory_space<semaphore_mem>>, %arg27: memref<!tpu.dma_semaphore, #tpu.memory_space<semaphore_mem>>, %arg28: memref<!tpu.dma_semaphore, #tpu.memory_space<semaphore_mem>>, %arg29: memref<!tpu.dma_semaphore, #tpu.memory_space<semaphore_mem>>, %arg30: memref<!tpu.dma_semaphore, #tpu.memory_space<semaphore_mem>>, %arg31: memref<!tpu.dma_semaphore, #tpu.memory_space<semaphore_mem>>) attributes {dimension_semantics = [#tpu.dimension_semantics<core_parallel>, #tpu.dimension_semantics<subcore_parallel>], iteration_bounds = array<i64: 2, 16>, scalar_prefetch = 0 : i64, scratch_operands = 20 : i64, tpu.core_type = #tpu.core_type<sc_vector_subcore>, window_params = [{transform_indices = #map}, {transform_indices = #map}, {transform_indices = #map}, {transform_indices = #map1}, {transform_indices = #map1}, {transform_indices = #map1}, {transform_indices = #map1}, {transform_indices = #map1}, {transform_indices = #map1}, {transform_indices = #map}]} {
    %mul3A = arith.constant 2 : i32
    %mul3A_0 = arith.muli %arg1, %mul3A : i32
    %add3A = arith.addi %mul3A_0, %arg0 : i32
    %mul3A_1 = arith.constant 6400 : i32
    %mul3A_2 = arith.muli %add3A, %mul3A_1 : i32
    %broadcast_in_dim3A = arith.constant 0.000000e+00 : f32
    %broadcast_in_dim3A_3 = vector.broadcast %broadcast_in_dim3A : f32 to vector<16xf32>
    %iota3A = tpu.iota {dimensions = array<i32: 0>} : vector<16xi32>
    %and3A = arith.constant 3 : i32
    %and3A_4 = vector.broadcast %and3A : i32 to vector<16xi32>
    %and3A_5 = arith.andi %iota3A, %and3A_4 : vector<16xi32>
    %mul3A_6 = arith.constant 3375 : i32
    %mul3A_7 = vector.broadcast %mul3A_6 : i32 to vector<16xi32>
    %mul3A_8 = arith.muli %and3A_5, %mul3A_7 : vector<16xi32>
    %and3A_9 = arith.constant 7 : i32
    %and3A_10 = vector.broadcast %and3A_9 : i32 to vector<16xi32>
    %and3A_11 = arith.andi %iota3A, %and3A_10 : vector<16xi32>
    %mul3A_12 = arith.constant 600 : i32
    %mul3A_13 = vector.broadcast %mul3A_12 : i32 to vector<16xi32>
    %mul3A_14 = arith.muli %and3A_11, %mul3A_13 : vector<16xi32>
    %add3A_15 = arith.constant 0 : i32
    %add3A_16 = arith.addi %mul3A_2, %add3A_15 : i32
    %dma_start3A = arith.constant 0 : i32
    %dma_start3A_17 = arith.constant 0 : i32
    %dma_start3A_18 = tpu.memref_slice %arg12[%dma_start3A, %dma_start3A_17] : memref<6x64xi32, #tpu.memory_space<vmem>> -> memref<1x64xi32, #tpu.memory_space<vmem>>
    %dma_start3A_19 = tpu.memref_squeeze %dma_start3A_18 : memref<1x64xi32, #tpu.memory_space<vmem>> -> memref<64xi32, #tpu.memory_space<vmem>>
    %dma_start3A_20 = tpu.memref_slice %arg5[%add3A_16] : memref<204800xi32, #tpu.memory_space<hbm>> -> memref<64xi32, #tpu.memory_space<hbm>>
    %dma_start3A_21 = arith.constant 0 : i32
    %dma_start3A_22 = tpu.memref_slice %arg12[%dma_start3A, %dma_start3A_21] : memref<6x64xi32, #tpu.memory_space<vmem>> -> memref<1x64xi32, #tpu.memory_space<vmem>>
    %dma_start3A_23 = tpu.memref_squeeze %dma_start3A_22 : memref<1x64xi32, #tpu.memory_space<vmem>> -> memref<64xi32, #tpu.memory_space<vmem>>
    %dma_start3A_24 = tpu.memref_slice %arg5[%add3A_16] : memref<204800xi32, #tpu.memory_space<hbm>> -> memref<64xi32, #tpu.memory_space<hbm>>
    tpu.enqueue_dma source(%dma_start3A_24 : memref<64xi32, #tpu.memory_space<hbm>>) target(%dma_start3A_23 : memref<64xi32, #tpu.memory_space<vmem>>) target_semaphore(%arg28 : memref<!tpu.dma_semaphore, #tpu.memory_space<semaphore_mem>>)
    %add3A_25 = arith.constant 0 : i32
    %add3A_26 = arith.addi %mul3A_2, %add3A_25 : i32
    %dma_start3A_27 = arith.constant 1 : i32
    %dma_start3A_28 = arith.constant 0 : i32
    %dma_start3A_29 = tpu.memref_slice %arg12[%dma_start3A_27, %dma_start3A_28] : memref<6x64xi32, #tpu.memory_space<vmem>> -> memref<1x64xi32, #tpu.memory_space<vmem>>
    %dma_start3A_30 = tpu.memref_squeeze %dma_start3A_29 : memref<1x64xi32, #tpu.memory_space<vmem>> -> memref<64xi32, #tpu.memory_space<vmem>>
    %dma_start3A_31 = tpu.memref_slice %arg6[%add3A_26] : memref<204800xi32, #tpu.memory_space<hbm>> -> memref<64xi32, #tpu.memory_space<hbm>>
    %dma_start3A_32 = arith.constant 0 : i32
    %dma_start3A_33 = tpu.memref_slice %arg12[%dma_start3A_27, %dma_start3A_32] : memref<6x64xi32, #tpu.memory_space<vmem>> -> memref<1x64xi32, #tpu.memory_space<vmem>>
    %dma_start3A_34 = tpu.memref_squeeze %dma_start3A_33 : memref<1x64xi32, #tpu.memory_space<vmem>> -> memref<64xi32, #tpu.memory_space<vmem>>
    %dma_start3A_35 = tpu.memref_slice %arg6[%add3A_26] : memref<204800xi32, #tpu.memory_space<hbm>> -> memref<64xi32, #tpu.memory_space<hbm>>
    tpu.enqueue_dma source(%dma_start3A_35 : memref<64xi32, #tpu.memory_space<hbm>>) target(%dma_start3A_34 : memref<64xi32, #tpu.memory_space<vmem>>) target_semaphore(%arg28 : memref<!tpu.dma_semaphore, #tpu.memory_space<semaphore_mem>>)
    %add3A_36 = arith.constant 0 : i32
    %add3A_37 = arith.addi %mul3A_2, %add3A_36 : i32
    %dma_start3A_38 = arith.constant 2 : i32
    %dma_start3A_39 = arith.constant 0 : i32
    %dma_start3A_40 = tpu.memref_slice %arg12[%dma_start3A_38, %dma_start3A_39] : memref<6x64xi32, #tpu.memory_space<vmem>> -> memref<1x64xi32, #tpu.memory_space<vmem>>
    %dma_start3A_41 = tpu.memref_squeeze %dma_start3A_40 : memref<1x64xi32, #tpu.memory_space<vmem>> -> memref<64xi32, #tpu.memory_space<vmem>>
    %dma_start3A_42 = tpu.memref_slice %arg7[%add3A_37] : memref<204800xi32, #tpu.memory_space<hbm>> -> memref<64xi32, #tpu.memory_space<hbm>>
    %dma_start3A_43 = arith.constant 0 : i32
    %dma_start3A_44 = tpu.memref_slice %arg12[%dma_start3A_38, %dma_start3A_43] : memref<6x64xi32, #tpu.memory_space<vmem>> -> memref<1x64xi32, #tpu.memory_space<vmem>>
    %dma_start3A_45 = tpu.memref_squeeze %dma_start3A_44 : memref<1x64xi32, #tpu.memory_space<vmem>> -> memref<64xi32, #tpu.memory_space<vmem>>
    %dma_start3A_46 = tpu.memref_slice %arg7[%add3A_37] : memref<204800xi32, #tpu.memory_space<hbm>> -> memref<64xi32, #tpu.memory_space<hbm>>
    tpu.enqueue_dma source(%dma_start3A_46 : memref<64xi32, #tpu.memory_space<hbm>>) target(%dma_start3A_45 : memref<64xi32, #tpu.memory_space<vmem>>) target_semaphore(%arg28 : memref<!tpu.dma_semaphore, #tpu.memory_space<semaphore_mem>>)
    %add3A_47 = arith.constant 0 : i32
    %add3A_48 = arith.addi %mul3A_2, %add3A_47 : i32
    %dma_start3A_49 = arith.constant 3 : i32
    %dma_start3A_50 = arith.constant 0 : i32
    %dma_start3A_51 = tpu.memref_slice %arg12[%dma_start3A_49, %dma_start3A_50] : memref<6x64xi32, #tpu.memory_space<vmem>> -> memref<1x64xi32, #tpu.memory_space<vmem>>
    %dma_start3A_52 = tpu.memref_squeeze %dma_start3A_51 : memref<1x64xi32, #tpu.memory_space<vmem>> -> memref<64xi32, #tpu.memory_space<vmem>>
    %dma_start3A_53 = tpu.memref_slice %arg8[%add3A_48] : memref<204800xi32, #tpu.memory_space<hbm>> -> memref<64xi32, #tpu.memory_space<hbm>>
    %dma_start3A_54 = arith.constant 0 : i32
    %dma_start3A_55 = tpu.memref_slice %arg12[%dma_start3A_49, %dma_start3A_54] : memref<6x64xi32, #tpu.memory_space<vmem>> -> memref<1x64xi32, #tpu.memory_space<vmem>>
    %dma_start3A_56 = tpu.memref_squeeze %dma_start3A_55 : memref<1x64xi32, #tpu.memory_space<vmem>> -> memref<64xi32, #tpu.memory_space<vmem>>
    %dma_start3A_57 = tpu.memref_slice %arg8[%add3A_48] : memref<204800xi32, #tpu.memory_space<hbm>> -> memref<64xi32, #tpu.memory_space<hbm>>
    tpu.enqueue_dma source(%dma_start3A_57 : memref<64xi32, #tpu.memory_space<hbm>>) target(%dma_start3A_56 : memref<64xi32, #tpu.memory_space<vmem>>) target_semaphore(%arg28 : memref<!tpu.dma_semaphore, #tpu.memory_space<semaphore_mem>>)
    %add3A_58 = arith.constant 0 : i32
    %add3A_59 = arith.addi %mul3A_2, %add3A_58 : i32
    %dma_start3A_60 = arith.constant 4 : i32
    %dma_start3A_61 = arith.constant 0 : i32
    %dma_start3A_62 = tpu.memref_slice %arg12[%dma_start3A_60, %dma_start3A_61] : memref<6x64xi32, #tpu.memory_space<vmem>> -> memref<1x64xi32, #tpu.memory_space<vmem>>
    %dma_start3A_63 = tpu.memref_squeeze %dma_start3A_62 : memref<1x64xi32, #tpu.memory_space<vmem>> -> memref<64xi32, #tpu.memory_space<vmem>>
    %dma_start3A_64 = tpu.memref_slice %arg9[%add3A_59] : memref<204800xi32, #tpu.memory_space<hbm>> -> memref<64xi32, #tpu.memory_space<hbm>>
    %dma_start3A_65 = arith.constant 0 : i32
    %dma_start3A_66 = tpu.memref_slice %arg12[%dma_start3A_60, %dma_start3A_65] : memref<6x64xi32, #tpu.memory_space<vmem>> -> memref<1x64xi32, #tpu.memory_space<vmem>>
    %dma_start3A_67 = tpu.memref_squeeze %dma_start3A_66 : memref<1x64xi32, #tpu.memory_space<vmem>> -> memref<64xi32, #tpu.memory_space<vmem>>
    %dma_start3A_68 = tpu.memref_slice %arg9[%add3A_59] : memref<204800xi32, #tpu.memory_space<hbm>> -> memref<64xi32, #tpu.memory_space<hbm>>
    tpu.enqueue_dma source(%dma_start3A_68 : memref<64xi32, #tpu.memory_space<hbm>>) target(%dma_start3A_67 : memref<64xi32, #tpu.memory_space<vmem>>) target_semaphore(%arg28 : memref<!tpu.dma_semaphore, #tpu.memory_space<semaphore_mem>>)
    %add3A_69 = arith.constant 0 : i32
    %add3A_70 = arith.addi %mul3A_2, %add3A_69 : i32
    %dma_start3A_71 = arith.constant 5 : i32
    %dma_start3A_72 = arith.constant 0 : i32
    %dma_start3A_73 = tpu.memref_slice %arg12[%dma_start3A_71, %dma_start3A_72] : memref<6x64xi32, #tpu.memory_space<vmem>> -> memref<1x64xi32, #tpu.memory_space<vmem>>
    %dma_start3A_74 = tpu.memref_squeeze %dma_start3A_73 : memref<1x64xi32, #tpu.memory_space<vmem>> -> memref<64xi32, #tpu.memory_space<vmem>>
    %dma_start3A_75 = tpu.memref_slice %arg10[%add3A_70] : memref<204800xi32, #tpu.memory_space<hbm>> -> memref<64xi32, #tpu.memory_space<hbm>>
    %dma_start3A_76 = arith.constant 0 : i32
    %dma_start3A_77 = tpu.memref_slice %arg12[%dma_start3A_71, %dma_start3A_76] : memref<6x64xi32, #tpu.memory_space<vmem>> -> memref<1x64xi32, #tpu.memory_space<vmem>>
    %dma_start3A_78 = tpu.memref_squeeze %dma_start3A_77 : memref<1x64xi32, #tpu.memory_space<vmem>> -> memref<64xi32, #tpu.memory_space<vmem>>
    %dma_start3A_79 = tpu.memref_slice %arg10[%add3A_70] : memref<204800xi32, #tpu.memory_space<hbm>> -> memref<64xi32, #tpu.memory_space<hbm>>
    tpu.enqueue_dma source(%dma_start3A_79 : memref<64xi32, #tpu.memory_space<hbm>>) target(%dma_start3A_78 : memref<64xi32, #tpu.memory_space<vmem>>) target_semaphore(%arg28 : memref<!tpu.dma_semaphore, #tpu.memory_space<semaphore_mem>>)
    %add3A_80 = arith.constant 64 : i32
    %add3A_81 = arith.addi %mul3A_2, %add3A_80 : i32
    %dma_start3A_82 = arith.constant 0 : i32
    %dma_start3A_83 = arith.constant 0 : i32
    %dma_start3A_84 = tpu.memref_slice %arg13[%dma_start3A_82, %dma_start3A_83] : memref<6x64xi32, #tpu.memory_space<vmem>> -> memref<1x64xi32, #tpu.memory_space<vmem>>
    %dma_start3A_85 = tpu.memref_squeeze %dma_start3A_84 : memref<1x64xi32, #tpu.memory_space<vmem>> -> memref<64xi32, #tpu.memory_space<vmem>>
    %dma_start3A_86 = tpu.memref_slice %arg5[%add3A_81] : memref<204800xi32, #tpu.memory_space<hbm>> -> memref<64xi32, #tpu.memory_space<hbm>>
    %dma_start3A_87 = arith.constant 0 : i32
    %dma_start3A_88 = tpu.memref_slice %arg13[%dma_start3A_82, %dma_start3A_87] : memref<6x64xi32, #tpu.memory_space<vmem>> -> memref<1x64xi32, #tpu.memory_space<vmem>>
    %dma_start3A_89 = tpu.memref_squeeze %dma_start3A_88 : memref<1x64xi32, #tpu.memory_space<vmem>> -> memref<64xi32, #tpu.memory_space<vmem>>
    %dma_start3A_90 = tpu.memref_slice %arg5[%add3A_81] : memref<204800xi32, #tpu.memory_space<hbm>> -> memref<64xi32, #tpu.memory_space<hbm>>
    tpu.enqueue_dma source(%dma_start3A_90 : memref<64xi32, #tpu.memory_space<hbm>>) target(%dma_start3A_89 : memref<64xi32, #tpu.memory_space<vmem>>) target_semaphore(%arg29 : memref<!tpu.dma_semaphore, #tpu.memory_space<semaphore_mem>>)
    %add3A_91 = arith.constant 64 : i32
    %add3A_92 = arith.addi %mul3A_2, %add3A_91 : i32
    %dma_start3A_93 = arith.constant 1 : i32
    %dma_start3A_94 = arith.constant 0 : i32
    %dma_start3A_95 = tpu.memref_slice %arg13[%dma_start3A_93, %dma_start3A_94] : memref<6x64xi32, #tpu.memory_space<vmem>> -> memref<1x64xi32, #tpu.memory_space<vmem>>
    %dma_start3A_96 = tpu.memref_squeeze %dma_start3A_95 : memref<1x64xi32, #tpu.memory_space<vmem>> -> memref<64xi32, #tpu.memory_space<vmem>>
    %dma_start3A_97 = tpu.memref_slice %arg6[%add3A_92] : memref<204800xi32, #tpu.memory_space<hbm>> -> memref<64xi32, #tpu.memory_space<hbm>>
    %dma_start3A_98 = arith.constant 0 : i32
    %dma_start3A_99 = tpu.memref_slice %arg13[%dma_start3A_93, %dma_start3A_98] : memref<6x64xi32, #tpu.memory_space<vmem>> -> memref<1x64xi32, #tpu.memory_space<vmem>>
    %dma_start3A_100 = tpu.memref_squeeze %dma_start3A_99 : memref<1x64xi32, #tpu.memory_space<vmem>> -> memref<64xi32, #tpu.memory_space<vmem>>
    %dma_start3A_101 = tpu.memref_slice %arg6[%add3A_92] : memref<204800xi32, #tpu.memory_space<hbm>> -> memref<64xi32, #tpu.memory_space<hbm>>
    tpu.enqueue_dma source(%dma_start3A_101 : memref<64xi32, #tpu.memory_space<hbm>>) target(%dma_start3A_100 : memref<64xi32, #tpu.memory_space<vmem>>) target_semaphore(%arg29 : memref<!tpu.dma_semaphore, #tpu.memory_space<semaphore_mem>>)
    %add3A_102 = arith.constant 64 : i32
    %add3A_103 = arith.addi %mul3A_2, %add3A_102 : i32
    %dma_start3A_104 = arith.constant 2 : i32
    %dma_start3A_105 = arith.constant 0 : i32
    %dma_start3A_106 = tpu.memref_slice %arg13[%dma_start3A_104, %dma_start3A_105] : memref<6x64xi32, #tpu.memory_space<vmem>> -> memref<1x64xi32, #tpu.memory_space<vmem>>
    %dma_start3A_107 = tpu.memref_squeeze %dma_start3A_106 : memref<1x64xi32, #tpu.memory_space<vmem>> -> memref<64xi32, #tpu.memory_space<vmem>>
    %dma_start3A_108 = tpu.memref_slice %arg7[%add3A_103] : memref<204800xi32, #tpu.memory_space<hbm>> -> memref<64xi32, #tpu.memory_space<hbm>>
    %dma_start3A_109 = arith.constant 0 : i32
    %dma_start3A_110 = tpu.memref_slice %arg13[%dma_start3A_104, %dma_start3A_109] : memref<6x64xi32, #tpu.memory_space<vmem>> -> memref<1x64xi32, #tpu.memory_space<vmem>>
    %dma_start3A_111 = tpu.memref_squeeze %dma_start3A_110 : memref<1x64xi32, #tpu.memory_space<vmem>> -> memref<64xi32, #tpu.memory_space<vmem>>
    %dma_start3A_112 = tpu.memref_slice %arg7[%add3A_103] : memref<204800xi32, #tpu.memory_space<hbm>> -> memref<64xi32, #tpu.memory_space<hbm>>
    tpu.enqueue_dma source(%dma_start3A_112 : memref<64xi32, #tpu.memory_space<hbm>>) target(%dma_start3A_111 : memref<64xi32, #tpu.memory_space<vmem>>) target_semaphore(%arg29 : memref<!tpu.dma_semaphore, #tpu.memory_space<semaphore_mem>>)
    %add3A_113 = arith.constant 64 : i32
    %add3A_114 = arith.addi %mul3A_2, %add3A_113 : i32
    %dma_start3A_115 = arith.constant 3 : i32
    %dma_start3A_116 = arith.constant 0 : i32
    %dma_start3A_117 = tpu.memref_slice %arg13[%dma_start3A_115, %dma_start3A_116] : memref<6x64xi32, #tpu.memory_space<vmem>> -> memref<1x64xi32, #tpu.memory_space<vmem>>
    %dma_start3A_118 = tpu.memref_squeeze %dma_start3A_117 : memref<1x64xi32, #tpu.memory_space<vmem>> -> memref<64xi32, #tpu.memory_space<vmem>>
    %dma_start3A_119 = tpu.memref_slice %arg8[%add3A_114] : memref<204800xi32, #tpu.memory_space<hbm>> -> memref<64xi32, #tpu.memory_space<hbm>>
    %dma_start3A_120 = arith.constant 0 : i32
    %dma_start3A_121 = tpu.memref_slice %arg13[%dma_start3A_115, %dma_start3A_120] : memref<6x64xi32, #tpu.memory_space<vmem>> -> memref<1x64xi32, #tpu.memory_space<vmem>>
    %dma_start3A_122 = tpu.memref_squeeze %dma_start3A_121 : memref<1x64xi32, #tpu.memory_space<vmem>> -> memref<64xi32, #tpu.memory_space<vmem>>
    %dma_start3A_123 = tpu.memref_slice %arg8[%add3A_114] : memref<204800xi32, #tpu.memory_space<hbm>> -> memref<64xi32, #tpu.memory_space<hbm>>
    tpu.enqueue_dma source(%dma_start3A_123 : memref<64xi32, #tpu.memory_space<hbm>>) target(%dma_start3A_122 : memref<64xi32, #tpu.memory_space<vmem>>) target_semaphore(%arg29 : memref<!tpu.dma_semaphore, #tpu.memory_space<semaphore_mem>>)
    %add3A_124 = arith.constant 64 : i32
    %add3A_125 = arith.addi %mul3A_2, %add3A_124 : i32
    %dma_start3A_126 = arith.constant 4 : i32
    %dma_start3A_127 = arith.constant 0 : i32
    %dma_start3A_128 = tpu.memref_slice %arg13[%dma_start3A_126, %dma_start3A_127] : memref<6x64xi32, #tpu.memory_space<vmem>> -> memref<1x64xi32, #tpu.memory_space<vmem>>
    %dma_start3A_129 = tpu.memref_squeeze %dma_start3A_128 : memref<1x64xi32, #tpu.memory_space<vmem>> -> memref<64xi32, #tpu.memory_space<vmem>>
    %dma_start3A_130 = tpu.memref_slice %arg9[%add3A_125] : memref<204800xi32, #tpu.memory_space<hbm>> -> memref<64xi32, #tpu.memory_space<hbm>>
    %dma_start3A_131 = arith.constant 0 : i32
    %dma_start3A_132 = tpu.memref_slice %arg13[%dma_start3A_126, %dma_start3A_131] : memref<6x64xi32, #tpu.memory_space<vmem>> -> memref<1x64xi32, #tpu.memory_space<vmem>>
    %dma_start3A_133 = tpu.memref_squeeze %dma_start3A_132 : memref<1x64xi32, #tpu.memory_space<vmem>> -> memref<64xi32, #tpu.memory_space<vmem>>
    %dma_start3A_134 = tpu.memref_slice %arg9[%add3A_125] : memref<204800xi32, #tpu.memory_space<hbm>> -> memref<64xi32, #tpu.memory_space<hbm>>
    tpu.enqueue_dma source(%dma_start3A_134 : memref<64xi32, #tpu.memory_space<hbm>>) target(%dma_start3A_133 : memref<64xi32, #tpu.memory_space<vmem>>) target_semaphore(%arg29 : memref<!tpu.dma_semaphore, #tpu.memory_space<semaphore_mem>>)
    %add3A_135 = arith.constant 64 : i32
    %add3A_136 = arith.addi %mul3A_2, %add3A_135 : i32
    %dma_start3A_137 = arith.constant 5 : i32
    %dma_start3A_138 = arith.constant 0 : i32
    %dma_start3A_139 = tpu.memref_slice %arg13[%dma_start3A_137, %dma_start3A_138] : memref<6x64xi32, #tpu.memory_space<vmem>> -> memref<1x64xi32, #tpu.memory_space<vmem>>
    %dma_start3A_140 = tpu.memref_squeeze %dma_start3A_139 : memref<1x64xi32, #tpu.memory_space<vmem>> -> memref<64xi32, #tpu.memory_space<vmem>>
    %dma_start3A_141 = tpu.memref_slice %arg10[%add3A_136] : memref<204800xi32, #tpu.memory_space<hbm>> -> memref<64xi32, #tpu.memory_space<hbm>>
    %dma_start3A_142 = arith.constant 0 : i32
    %dma_start3A_143 = tpu.memref_slice %arg13[%dma_start3A_137, %dma_start3A_142] : memref<6x64xi32, #tpu.memory_space<vmem>> -> memref<1x64xi32, #tpu.memory_space<vmem>>
    %dma_start3A_144 = tpu.memref_squeeze %dma_start3A_143 : memref<1x64xi32, #tpu.memory_space<vmem>> -> memref<64xi32, #tpu.memory_space<vmem>>
    %dma_start3A_145 = tpu.memref_slice %arg10[%add3A_136] : memref<204800xi32, #tpu.memory_space<hbm>> -> memref<64xi32, #tpu.memory_space<hbm>>
    tpu.enqueue_dma source(%dma_start3A_145 : memref<64xi32, #tpu.memory_space<hbm>>) target(%dma_start3A_144 : memref<64xi32, #tpu.memory_space<vmem>>) target_semaphore(%arg29 : memref<!tpu.dma_semaphore, #tpu.memory_space<semaphore_mem>>)
    %add3A_146 = arith.constant 128 : i32
    %add3A_147 = arith.addi %mul3A_2, %add3A_146 : i32
    %dma_start3A_148 = arith.constant 0 : i32
    %dma_start3A_149 = arith.constant 0 : i32
    %dma_start3A_150 = tpu.memref_slice %arg14[%dma_start3A_148, %dma_start3A_149] : memref<6x64xi32, #tpu.memory_space<vmem>> -> memref<1x64xi32, #tpu.memory_space<vmem>>
    %dma_start3A_151 = tpu.memref_squeeze %dma_start3A_150 : memref<1x64xi32, #tpu.memory_space<vmem>> -> memref<64xi32, #tpu.memory_space<vmem>>
    %dma_start3A_152 = tpu.memref_slice %arg5[%add3A_147] : memref<204800xi32, #tpu.memory_space<hbm>> -> memref<64xi32, #tpu.memory_space<hbm>>
    %dma_start3A_153 = arith.constant 0 : i32
    %dma_start3A_154 = tpu.memref_slice %arg14[%dma_start3A_148, %dma_start3A_153] : memref<6x64xi32, #tpu.memory_space<vmem>> -> memref<1x64xi32, #tpu.memory_space<vmem>>
    %dma_start3A_155 = tpu.memref_squeeze %dma_start3A_154 : memref<1x64xi32, #tpu.memory_space<vmem>> -> memref<64xi32, #tpu.memory_space<vmem>>
    %dma_start3A_156 = tpu.memref_slice %arg5[%add3A_147] : memref<204800xi32, #tpu.memory_space<hbm>> -> memref<64xi32, #tpu.memory_space<hbm>>
    tpu.enqueue_dma source(%dma_start3A_156 : memref<64xi32, #tpu.memory_space<hbm>>) target(%dma_start3A_155 : memref<64xi32, #tpu.memory_space<vmem>>) target_semaphore(%arg30 : memref<!tpu.dma_semaphore, #tpu.memory_space<semaphore_mem>>)
    %add3A_157 = arith.constant 128 : i32
    %add3A_158 = arith.addi %mul3A_2, %add3A_157 : i32
    %dma_start3A_159 = arith.constant 1 : i32
    %dma_start3A_160 = arith.constant 0 : i32
    %dma_start3A_161 = tpu.memref_slice %arg14[%dma_start3A_159, %dma_start3A_160] : memref<6x64xi32, #tpu.memory_space<vmem>> -> memref<1x64xi32, #tpu.memory_space<vmem>>
    %dma_start3A_162 = tpu.memref_squeeze %dma_start3A_161 : memref<1x64xi32, #tpu.memory_space<vmem>> -> memref<64xi32, #tpu.memory_space<vmem>>
    %dma_start3A_163 = tpu.memref_slice %arg6[%add3A_158] : memref<204800xi32, #tpu.memory_space<hbm>> -> memref<64xi32, #tpu.memory_space<hbm>>
    %dma_start3A_164 = arith.constant 0 : i32
    %dma_start3A_165 = tpu.memref_slice %arg14[%dma_start3A_159, %dma_start3A_164] : memref<6x64xi32, #tpu.memory_space<vmem>> -> memref<1x64xi32, #tpu.memory_space<vmem>>
    %dma_start3A_166 = tpu.memref_squeeze %dma_start3A_165 : memref<1x64xi32, #tpu.memory_space<vmem>> -> memref<64xi32, #tpu.memory_space<vmem>>
    %dma_start3A_167 = tpu.memref_slice %arg6[%add3A_158] : memref<204800xi32, #tpu.memory_space<hbm>> -> memref<64xi32, #tpu.memory_space<hbm>>
    tpu.enqueue_dma source(%dma_start3A_167 : memref<64xi32, #tpu.memory_space<hbm>>) target(%dma_start3A_166 : memref<64xi32, #tpu.memory_space<vmem>>) target_semaphore(%arg30 : memref<!tpu.dma_semaphore, #tpu.memory_space<semaphore_mem>>)
    %add3A_168 = arith.constant 128 : i32
    %add3A_169 = arith.addi %mul3A_2, %add3A_168 : i32
    %dma_start3A_170 = arith.constant 2 : i32
    %dma_start3A_171 = arith.constant 0 : i32
    %dma_start3A_172 = tpu.memref_slice %arg14[%dma_start3A_170, %dma_start3A_171] : memref<6x64xi32, #tpu.memory_space<vmem>> -> memref<1x64xi32, #tpu.memory_space<vmem>>
    %dma_start3A_173 = tpu.memref_squeeze %dma_start3A_172 : memref<1x64xi32, #tpu.memory_space<vmem>> -> memref<64xi32, #tpu.memory_space<vmem>>
    %dma_start3A_174 = tpu.memref_slice %arg7[%add3A_169] : memref<204800xi32, #tpu.memory_space<hbm>> -> memref<64xi32, #tpu.memory_space<hbm>>
    %dma_start3A_175 = arith.constant 0 : i32
    %dma_start3A_176 = tpu.memref_slice %arg14[%dma_start3A_170, %dma_start3A_175] : memref<6x64xi32, #tpu.memory_space<vmem>> -> memref<1x64xi32, #tpu.memory_space<vmem>>
    %dma_start3A_177 = tpu.memref_squeeze %dma_start3A_176 : memref<1x64xi32, #tpu.memory_space<vmem>> -> memref<64xi32, #tpu.memory_space<vmem>>
    %dma_start3A_178 = tpu.memref_slice %arg7[%add3A_169] : memref<204800xi32, #tpu.memory_space<hbm>> -> memref<64xi32, #tpu.memory_space<hbm>>
    tpu.enqueue_dma source(%dma_start3A_178 : memref<64xi32, #tpu.memory_space<hbm>>) target(%dma_start3A_177 : memref<64xi32, #tpu.memory_space<vmem>>) target_semaphore(%arg30 : memref<!tpu.dma_semaphore, #tpu.memory_space<semaphore_mem>>)
    %add3A_179 = arith.constant 128 : i32
    %add3A_180 = arith.addi %mul3A_2, %add3A_179 : i32
    %dma_start3A_181 = arith.constant 3 : i32
    %dma_start3A_182 = arith.constant 0 : i32
    %dma_start3A_183 = tpu.memref_slice %arg14[%dma_start3A_181, %dma_start3A_182] : memref<6x64xi32, #tpu.memory_space<vmem>> -> memref<1x64xi32, #tpu.memory_space<vmem>>
    %dma_start3A_184 = tpu.memref_squeeze %dma_start3A_183 : memref<1x64xi32, #tpu.memory_space<vmem>> -> memref<64xi32, #tpu.memory_space<vmem>>
    %dma_start3A_185 = tpu.memref_slice %arg8[%add3A_180] : memref<204800xi32, #tpu.memory_space<hbm>> -> memref<64xi32, #tpu.memory_space<hbm>>
    %dma_start3A_186 = arith.constant 0 : i32
    %dma_start3A_187 = tpu.memref_slice %arg14[%dma_start3A_181, %dma_start3A_186] : memref<6x64xi32, #tpu.memory_space<vmem>> -> memref<1x64xi32, #tpu.memory_space<vmem>>
    %dma_start3A_188 = tpu.memref_squeeze %dma_start3A_187 : memref<1x64xi32, #tpu.memory_space<vmem>> -> memref<64xi32, #tpu.memory_space<vmem>>
    %dma_start3A_189 = tpu.memref_slice %arg8[%add3A_180] : memref<204800xi32, #tpu.memory_space<hbm>> -> memref<64xi32, #tpu.memory_space<hbm>>
    tpu.enqueue_dma source(%dma_start3A_189 : memref<64xi32, #tpu.memory_space<hbm>>) target(%dma_start3A_188 : memref<64xi32, #tpu.memory_space<vmem>>) target_semaphore(%arg30 : memref<!tpu.dma_semaphore, #tpu.memory_space<semaphore_mem>>)
    %add3A_190 = arith.constant 128 : i32
    %add3A_191 = arith.addi %mul3A_2, %add3A_190 : i32
    %dma_start3A_192 = arith.constant 4 : i32
    %dma_start3A_193 = arith.constant 0 : i32
    %dma_start3A_194 = tpu.memref_slice %arg14[%dma_start3A_192, %dma_start3A_193] : memref<6x64xi32, #tpu.memory_space<vmem>> -> memref<1x64xi32, #tpu.memory_space<vmem>>
    %dma_start3A_195 = tpu.memref_squeeze %dma_start3A_194 : memref<1x64xi32, #tpu.memory_space<vmem>> -> memref<64xi32, #tpu.memory_space<vmem>>
    %dma_start3A_196 = tpu.memref_slice %arg9[%add3A_191] : memref<204800xi32, #tpu.memory_space<hbm>> -> memref<64xi32, #tpu.memory_space<hbm>>
    %dma_start3A_197 = arith.constant 0 : i32
    %dma_start3A_198 = tpu.memref_slice %arg14[%dma_start3A_192, %dma_start3A_197] : memref<6x64xi32, #tpu.memory_space<vmem>> -> memref<1x64xi32, #tpu.memory_space<vmem>>
    %dma_start3A_199 = tpu.memref_squeeze %dma_start3A_198 : memref<1x64xi32, #tpu.memory_space<vmem>> -> memref<64xi32, #tpu.memory_space<vmem>>
    %dma_start3A_200 = tpu.memref_slice %arg9[%add3A_191] : memref<204800xi32, #tpu.memory_space<hbm>> -> memref<64xi32, #tpu.memory_space<hbm>>
    tpu.enqueue_dma source(%dma_start3A_200 : memref<64xi32, #tpu.memory_space<hbm>>) target(%dma_start3A_199 : memref<64xi32, #tpu.memory_space<vmem>>) target_semaphore(%arg30 : memref<!tpu.dma_semaphore, #tpu.memory_space<semaphore_mem>>)
    %add3A_201 = arith.constant 128 : i32
    %add3A_202 = arith.addi %mul3A_2, %add3A_201 : i32
    %dma_start3A_203 = arith.constant 5 : i32
    %dma_start3A_204 = arith.constant 0 : i32
    %dma_start3A_205 = tpu.memref_slice %arg14[%dma_start3A_203, %dma_start3A_204] : memref<6x64xi32, #tpu.memory_space<vmem>> -> memref<1x64xi32, #tpu.memory_space<vmem>>
    %dma_start3A_206 = tpu.memref_squeeze %dma_start3A_205 : memref<1x64xi32, #tpu.memory_space<vmem>> -> memref<64xi32, #tpu.memory_space<vmem>>
    %dma_start3A_207 = tpu.memref_slice %arg10[%add3A_202] : memref<204800xi32, #tpu.memory_space<hbm>> -> memref<64xi32, #tpu.memory_space<hbm>>
    %dma_start3A_208 = arith.constant 0 : i32
    %dma_start3A_209 = tpu.memref_slice %arg14[%dma_start3A_203, %dma_start3A_208] : memref<6x64xi32, #tpu.memory_space<vmem>> -> memref<1x64xi32, #tpu.memory_space<vmem>>
    %dma_start3A_210 = tpu.memref_squeeze %dma_start3A_209 : memref<1x64xi32, #tpu.memory_space<vmem>> -> memref<64xi32, #tpu.memory_space<vmem>>
    %dma_start3A_211 = tpu.memref_slice %arg10[%add3A_202] : memref<204800xi32, #tpu.memory_space<hbm>> -> memref<64xi32, #tpu.memory_space<hbm>>
    tpu.enqueue_dma source(%dma_start3A_211 : memref<64xi32, #tpu.memory_space<hbm>>) target(%dma_start3A_210 : memref<64xi32, #tpu.memory_space<vmem>>) target_semaphore(%arg30 : memref<!tpu.dma_semaphore, #tpu.memory_space<semaphore_mem>>)
    %scan3A = arith.constant 0 : i32
    %scan3A_212 = arith.constant 0 : i32
    %scan3A_213 = arith.constant 25 : i32
    %scan3A_214 = arith.addi %scan3A_212, %scan3A_213 : i32
    %scan3A_215 = arith.constant 1 : i32
    scf.for %scan3A_264 = %scan3A_212 to %scan3A_214 step %scan3A_215  : i32 {
      %mul3A_265 = arith.constant 4 : i32
      %mul3A_266 = arith.muli %scan3A_264, %mul3A_265 : i32
      %add3A_267 = arith.constant 0 : i32
      %add3A_268 = arith.addi %mul3A_266, %add3A_267 : i32
      %ge3A = arith.constant 4 : i32
      %ge3A_269 = arith.cmpi sge, %add3A_268, %ge3A : i32
      %convert_element_type3A = arith.extui %ge3A_269 : i1 to i32
      %cond3A = arith.constant 0 : i32
      %cond3A_270 = arith.cmpi ne, %convert_element_type3A, %cond3A : i32
      scf.if %cond3A_270 {
        %dma_wait3A_1538 = arith.constant 0 : i32
        %dma_wait3A_1539 = arith.constant 0 : i32
        %dma_wait3A_1540 = tpu.memref_slice %arg11[%dma_wait3A_1538, %dma_wait3A_1539] : memref<204800x128xf32, #tpu.memory_space<hbm>> -> memref<64x128xf32, #tpu.memory_space<hbm>>
        %dma_wait3A_1541 = arith.constant 0 : i32
        %dma_wait3A_1542 = arith.constant 0 : i32
        %dma_wait3A_1543 = tpu.memref_slice %arg11[%dma_wait3A_1541, %dma_wait3A_1542] : memref<204800x128xf32, #tpu.memory_space<hbm>> -> memref<64x128xf32, #tpu.memory_space<hbm>>
        tpu.wait_dma2 semaphore(%arg24 : memref<!tpu.dma_semaphore, #tpu.memory_space<semaphore_mem>>) src(%arg16 : memref<64x128xf32, #tpu.memory_space<vmem>>) dst(%dma_wait3A_1543 : memref<64x128xf32, #tpu.memory_space<hbm>>)
      } else {
      }
      %scan3A_271 = arith.constant 0 : i32
      %scan3A_272 = arith.constant 0 : i32
      %scan3A_273 = arith.constant 64 : i32
      %scan3A_274 = arith.addi %scan3A_272, %scan3A_273 : i32
      %scan3A_275 = arith.constant 1 : i32
      scf.for %scan3A_1538 = %scan3A_272 to %scan3A_274 step %scan3A_275  : i32 {
        %swap3A_1539 = arith.index_cast %scan3A_1538 : i32 to index
        %swap3A_1540 = arith.constant 0 : index
        %swap3A_1541 = tpu.vector_load %arg16[%swap3A_1539, %swap3A_1540] {strides = array<i32>} : memref<64x128xf32, #tpu.memory_space<vmem>>, vector<1x16xf32>,
        %swap3A_1542 = vector.shape_cast %swap3A_1541 : vector<1x16xf32> to vector<16xf32>
        %swap3A_1543 = vector.shape_cast %broadcast_in_dim3A_3 : vector<16xf32> to vector<1x16xf32>
        tpu.vector_store %arg16[%swap3A_1539, %swap3A_1540], %swap3A_1543 {strides = array<i32>} : memref<64x128xf32, #tpu.memory_space<vmem>>, vector<1x16xf32>,
        %swap3A_1544 = arith.index_cast %scan3A_1538 : i32 to index
        %swap3A_1545 = arith.constant 16 : index
        %swap3A_1546 = tpu.vector_load %arg16[%swap3A_1544, %swap3A_1545] {strides = array<i32>} : memref<64x128xf32, #tpu.memory_space<vmem>>, vector<1x16xf32>,
        %swap3A_1547 = vector.shape_cast %swap3A_1546 : vector<1x16xf32> to vector<16xf32>
        %swap3A_1548 = vector.shape_cast %broadcast_in_dim3A_3 : vector<16xf32> to vector<1x16xf32>
        tpu.vector_store %arg16[%swap3A_1544, %swap3A_1545], %swap3A_1548 {strides = array<i32>} : memref<64x128xf32, #tpu.memory_space<vmem>>, vector<1x16xf32>,
        %swap3A_1549 = arith.index_cast %scan3A_1538 : i32 to index
        %swap3A_1550 = arith.constant 32 : index
        %swap3A_1551 = tpu.vector_load %arg16[%swap3A_1549, %swap3A_1550] {strides = array<i32>} : memref<64x128xf32, #tpu.memory_space<vmem>>, vector<1x16xf32>,
        %swap3A_1552 = vector.shape_cast %swap3A_1551 : vector<1x16xf32> to vector<16xf32>
        %swap3A_1553 = vector.shape_cast %broadcast_in_dim3A_3 : vector<16xf32> to vector<1x16xf32>
        tpu.vector_store %arg16[%swap3A_1549, %swap3A_1550], %swap3A_1553 {strides = array<i32>} : memref<64x128xf32, #tpu.memory_space<vmem>>, vector<1x16xf32>,
        %swap3A_1554 = arith.index_cast %scan3A_1538 : i32 to index
        %swap3A_1555 = arith.constant 48 : index
        %swap3A_1556 = tpu.vector_load %arg16[%swap3A_1554, %swap3A_1555] {strides = array<i32>} : memref<64x128xf32, #tpu.memory_space<vmem>>, vector<1x16xf32>,
        %swap3A_1557 = vector.shape_cast %swap3A_1556 : vector<1x16xf32> to vector<16xf32>
        %swap3A_1558 = vector.shape_cast %broadcast_in_dim3A_3 : vector<16xf32> to vector<1x16xf32>
        tpu.vector_store %arg16[%swap3A_1554, %swap3A_1555], %swap3A_1558 {strides = array<i32>} : memref<64x128xf32, #tpu.memory_space<vmem>>, vector<1x16xf32>,
        %swap3A_1559 = arith.index_cast %scan3A_1538 : i32 to index
        %swap3A_1560 = arith.constant 64 : index
        %swap3A_1561 = tpu.vector_load %arg16[%swap3A_1559, %swap3A_1560] {strides = array<i32>} : memref<64x128xf32, #tpu.memory_space<vmem>>, vector<1x16xf32>,
        %swap3A_1562 = vector.shape_cast %swap3A_1561 : vector<1x16xf32> to vector<16xf32>
        %swap3A_1563 = vector.shape_cast %broadcast_in_dim3A_3 : vector<16xf32> to vector<1x16xf32>
        tpu.vector_store %arg16[%swap3A_1559, %swap3A_1560], %swap3A_1563 {strides = array<i32>} : memref<64x128xf32, #tpu.memory_space<vmem>>, vector<1x16xf32>,
        %swap3A_1564 = arith.index_cast %scan3A_1538 : i32 to index
        %swap3A_1565 = arith.constant 80 : index
        %swap3A_1566 = tpu.vector_load %arg16[%swap3A_1564, %swap3A_1565] {strides = array<i32>} : memref<64x128xf32, #tpu.memory_space<vmem>>, vector<1x16xf32>,
        %swap3A_1567 = vector.shape_cast %swap3A_1566 : vector<1x16xf32> to vector<16xf32>
        %swap3A_1568 = vector.shape_cast %broadcast_in_dim3A_3 : vector<16xf32> to vector<1x16xf32>
        tpu.vector_store %arg16[%swap3A_1564, %swap3A_1565], %swap3A_1568 {strides = array<i32>} : memref<64x128xf32, #tpu.memory_space<vmem>>, vector<1x16xf32>,
        %swap3A_1569 = arith.index_cast %scan3A_1538 : i32 to index
        %swap3A_1570 = arith.constant 96 : index
        %swap3A_1571 = tpu.vector_load %arg16[%swap3A_1569, %swap3A_1570] {strides = array<i32>} : memref<64x128xf32, #tpu.memory_space<vmem>>, vector<1x16xf32>,
        %swap3A_1572 = vector.shape_cast %swap3A_1571 : vector<1x16xf32> to vector<16xf32>
        %swap3A_1573 = vector.shape_cast %broadcast_in_dim3A_3 : vector<16xf32> to vector<1x16xf32>
        tpu.vector_store %arg16[%swap3A_1569, %swap3A_1570], %swap3A_1573 {strides = array<i32>} : memref<64x128xf32, #tpu.memory_space<vmem>>, vector<1x16xf32>,
        %swap3A_1574 = arith.index_cast %scan3A_1538 : i32 to index
        %swap3A_1575 = arith.constant 112 : index
        %swap3A_1576 = tpu.vector_load %arg16[%swap3A_1574, %swap3A_1575] {strides = array<i32>} : memref<64x128xf32, #tpu.memory_space<vmem>>, vector<1x16xf32>,
        %swap3A_1577 = vector.shape_cast %swap3A_1576 : vector<1x16xf32> to vector<16xf32>
        %swap3A_1578 = vector.shape_cast %broadcast_in_dim3A_3 : vector<16xf32> to vector<1x16xf32>
        tpu.vector_store %arg16[%swap3A_1574, %swap3A_1575], %swap3A_1578 {strides = array<i32>} : memref<64x128xf32, #tpu.memory_space<vmem>>, vector<1x16xf32>,
      }
      %scan3A_276 = arith.constant 64 : i32
      %dma_wait3A_277 = arith.constant 0 : i32
      %dma_wait3A_278 = arith.constant 0 : i32
      %dma_wait3A_279 = tpu.memref_slice %arg12[%dma_wait3A_277, %dma_wait3A_278] : memref<6x64xi32, #tpu.memory_space<vmem>> -> memref<1x64xi32, #tpu.memory_space<vmem>>
      %dma_wait3A_280 = tpu.memref_squeeze %dma_wait3A_279 : memref<1x64xi32, #tpu.memory_space<vmem>> -> memref<64xi32, #tpu.memory_space<vmem>>
      %dma_wait3A_281 = arith.constant 0 : i32
      %dma_wait3A_282 = tpu.memref_slice %arg5[%dma_wait3A_281] : memref<204800xi32, #tpu.memory_space<hbm>> -> memref<64xi32, #tpu.memory_space<hbm>>
      %dma_wait3A_283 = arith.constant 0 : i32
      %dma_wait3A_284 = tpu.memref_slice %arg12[%dma_wait3A_277, %dma_wait3A_283] : memref<6x64xi32, #tpu.memory_space<vmem>> -> memref<1x64xi32, #tpu.memory_space<vmem>>
      %dma_wait3A_285 = tpu.memref_squeeze %dma_wait3A_284 : memref<1x64xi32, #tpu.memory_space<vmem>> -> memref<64xi32, #tpu.memory_space<vmem>>
      %dma_wait3A_286 = arith.constant 0 : i32
      %dma_wait3A_287 = tpu.memref_slice %arg5[%dma_wait3A_286] : memref<204800xi32, #tpu.memory_space<hbm>> -> memref<64xi32, #tpu.memory_space<hbm>>
      tpu.wait_dma2 semaphore(%arg28 : memref<!tpu.dma_semaphore, #tpu.memory_space<semaphore_mem>>) src(%dma_wait3A_287 : memref<64xi32, #tpu.memory_space<hbm>>) dst(%dma_wait3A_285 : memref<64xi32, #tpu.memory_space<vmem>>)
      %dma_wait3A_288 = arith.constant 1 : i32
      %dma_wait3A_289 = arith.constant 0 : i32
      %dma_wait3A_290 = tpu.memref_slice %arg12[%dma_wait3A_288, %dma_wait3A_289] : memref<6x64xi32, #tpu.memory_space<vmem>> -> memref<1x64xi32, #tpu.memory_space<vmem>>
      %dma_wait3A_291 = tpu.memref_squeeze %dma_wait3A_290 : memref<1x64xi32, #tpu.memory_space<vmem>> -> memref<64xi32, #tpu.memory_space<vmem>>
      %dma_wait3A_292 = arith.constant 0 : i32
      %dma_wait3A_293 = tpu.memref_slice %arg5[%dma_wait3A_292] : memref<204800xi32, #tpu.memory_space<hbm>> -> memref<64xi32, #tpu.memory_space<hbm>>
      %dma_wait3A_294 = arith.constant 0 : i32
      %dma_wait3A_295 = tpu.memref_slice %arg12[%dma_wait3A_288, %dma_wait3A_294] : memref<6x64xi32, #tpu.memory_space<vmem>> -> memref<1x64xi32, #tpu.memory_space<vmem>>
      %dma_wait3A_296 = tpu.memref_squeeze %dma_wait3A_295 : memref<1x64xi32, #tpu.memory_space<vmem>> -> memref<64xi32, #tpu.memory_space<vmem>>
      %dma_wait3A_297 = arith.constant 0 : i32
      %dma_wait3A_298 = tpu.memref_slice %arg5[%dma_wait3A_297] : memref<204800xi32, #tpu.memory_space<hbm>> -> memref<64xi32, #tpu.memory_space<hbm>>
      tpu.wait_dma2 semaphore(%arg28 : memref<!tpu.dma_semaphore, #tpu.memory_space<semaphore_mem>>) src(%dma_wait3A_298 : memref<64xi32, #tpu.memory_space<hbm>>) dst(%dma_wait3A_296 : memref<64xi32, #tpu.memory_space<vmem>>)
      %dma_wait3A_299 = arith.constant 2 : i32
      %dma_wait3A_300 = arith.constant 0 : i32
      %dma_wait3A_301 = tpu.memref_slice %arg12[%dma_wait3A_299, %dma_wait3A_300] : memref<6x64xi32, #tpu.memory_space<vmem>> -> memref<1x64xi32, #tpu.memory_space<vmem>>
      %dma_wait3A_302 = tpu.memref_squeeze %dma_wait3A_301 : memref<1x64xi32, #tpu.memory_space<vmem>> -> memref<64xi32, #tpu.memory_space<vmem>>
      %dma_wait3A_303 = arith.constant 0 : i32
      %dma_wait3A_304 = tpu.memref_slice %arg5[%dma_wait3A_303] : memref<204800xi32, #tpu.memory_space<hbm>> -> memref<64xi32, #tpu.memory_space<hbm>>
      %dma_wait3A_305 = arith.constant 0 : i32
      %dma_wait3A_306 = tpu.memref_slice %arg12[%dma_wait3A_299, %dma_wait3A_305] : memref<6x64xi32, #tpu.memory_space<vmem>> -> memref<1x64xi32, #tpu.memory_space<vmem>>
      %dma_wait3A_307 = tpu.memref_squeeze %dma_wait3A_306 : memref<1x64xi32, #tpu.memory_space<vmem>> -> memref<64xi32, #tpu.memory_space<vmem>>
      %dma_wait3A_308 = arith.constant 0 : i32
      %dma_wait3A_309 = tpu.memref_slice %arg5[%dma_wait3A_308] : memref<204800xi32, #tpu.memory_space<hbm>> -> memref<64xi32, #tpu.memory_space<hbm>>
      tpu.wait_dma2 semaphore(%arg28 : memref<!tpu.dma_semaphore, #tpu.memory_space<semaphore_mem>>) src(%dma_wait3A_309 : memref<64xi32, #tpu.memory_space<hbm>>) dst(%dma_wait3A_307 : memref<64xi32, #tpu.memory_space<vmem>>)
      %dma_wait3A_310 = arith.constant 3 : i32
      %dma_wait3A_311 = arith.constant 0 : i32
      %dma_wait3A_312 = tpu.memref_slice %arg12[%dma_wait3A_310, %dma_wait3A_311] : memref<6x64xi32, #tpu.memory_space<vmem>> -> memref<1x64xi32, #tpu.memory_space<vmem>>
      %dma_wait3A_313 = tpu.memref_squeeze %dma_wait3A_312 : memref<1x64xi32, #tpu.memory_space<vmem>> -> memref<64xi32, #tpu.memory_space<vmem>>
      %dma_wait3A_314 = arith.constant 0 : i32
      %dma_wait3A_315 = tpu.memref_slice %arg5[%dma_wait3A_314] : memref<204800xi32, #tpu.memory_space<hbm>> -> memref<64xi32, #tpu.memory_space<hbm>>
      %dma_wait3A_316 = arith.constant 0 : i32
      %dma_wait3A_317 = tpu.memref_slice %arg12[%dma_wait3A_310, %dma_wait3A_316] : memref<6x64xi32, #tpu.memory_space<vmem>> -> memref<1x64xi32, #tpu.memory_space<vmem>>
      %dma_wait3A_318 = tpu.memref_squeeze %dma_wait3A_317 : memref<1x64xi32, #tpu.memory_space<vmem>> -> memref<64xi32, #tpu.memory_space<vmem>>
      %dma_wait3A_319 = arith.constant 0 : i32
      %dma_wait3A_320 = tpu.memref_slice %arg5[%dma_wait3A_319] : memref<204800xi32, #tpu.memory_space<hbm>> -> memref<64xi32, #tpu.memory_space<hbm>>
      tpu.wait_dma2 semaphore(%arg28 : memref<!tpu.dma_semaphore, #tpu.memory_space<semaphore_mem>>) src(%dma_wait3A_320 : memref<64xi32, #tpu.memory_space<hbm>>) dst(%dma_wait3A_318 : memref<64xi32, #tpu.memory_space<vmem>>)
      %dma_wait3A_321 = arith.constant 4 : i32
      %dma_wait3A_322 = arith.constant 0 : i32
      %dma_wait3A_323 = tpu.memref_slice %arg12[%dma_wait3A_321, %dma_wait3A_322] : memref<6x64xi32, #tpu.memory_space<vmem>> -> memref<1x64xi32, #tpu.memory_space<vmem>>
      %dma_wait3A_324 = tpu.memref_squeeze %dma_wait3A_323 : memref<1x64xi32, #tpu.memory_space<vmem>> -> memref<64xi32, #tpu.memory_space<vmem>>
      %dma_wait3A_325 = arith.constant 0 : i32
      %dma_wait3A_326 = tpu.memref_slice %arg5[%dma_wait3A_325] : memref<204800xi32, #tpu.memory_space<hbm>> -> memref<64xi32, #tpu.memory_space<hbm>>
      %dma_wait3A_327 = arith.constant 0 : i32
      %dma_wait3A_328 = tpu.memref_slice %arg12[%dma_wait3A_321, %dma_wait3A_327] : memref<6x64xi32, #tpu.memory_space<vmem>> -> memref<1x64xi32, #tpu.memory_space<vmem>>
      %dma_wait3A_329 = tpu.memref_squeeze %dma_wait3A_328 : memref<1x64xi32, #tpu.memory_space<vmem>> -> memref<64xi32, #tpu.memory_space<vmem>>
      %dma_wait3A_330 = arith.constant 0 : i32
      %dma_wait3A_331 = tpu.memref_slice %arg5[%dma_wait3A_330] : memref<204800xi32, #tpu.memory_space<hbm>> -> memref<64xi32, #tpu.memory_space<hbm>>
      tpu.wait_dma2 semaphore(%arg28 : memref<!tpu.dma_semaphore, #tpu.memory_space<semaphore_mem>>) src(%dma_wait3A_331 : memref<64xi32, #tpu.memory_space<hbm>>) dst(%dma_wait3A_329 : memref<64xi32, #tpu.memory_space<vmem>>)
      %dma_wait3A_332 = arith.constant 5 : i32
      %dma_wait3A_333 = arith.constant 0 : i32
      %dma_wait3A_334 = tpu.memref_slice %arg12[%dma_wait3A_332, %dma_wait3A_333] : memref<6x64xi32, #tpu.memory_space<vmem>> -> memref<1x64xi32, #tpu.memory_space<vmem>>
      %dma_wait3A_335 = tpu.memref_squeeze %dma_wait3A_334 : memref<1x64xi32, #tpu.memory_space<vmem>> -> memref<64xi32, #tpu.memory_space<vmem>>
      %dma_wait3A_336 = arith.constant 0 : i32
      %dma_wait3A_337 = tpu.memref_slice %arg5[%dma_wait3A_336] : memref<204800xi32, #tpu.memory_space<hbm>> -> memref<64xi32, #tpu.memory_space<hbm>>
      %dma_wait3A_338 = arith.constant 0 : i32
      %dma_wait3A_339 = tpu.memref_slice %arg12[%dma_wait3A_332, %dma_wait3A_338] : memref<6x64xi32, #tpu.memory_space<vmem>> -> memref<1x64xi32, #tpu.memory_space<vmem>>
      %dma_wait3A_340 = tpu.memref_squeeze %dma_wait3A_339 : memref<1x64xi32, #tpu.memory_space<vmem>> -> memref<64xi32, #tpu.memory_space<vmem>>
      %dma_wait3A_341 = arith.constant 0 : i32
      %dma_wait3A_342 = tpu.memref_slice %arg5[%dma_wait3A_341] : memref<204800xi32, #tpu.memory_space<hbm>> -> memref<64xi32, #tpu.memory_space<hbm>>
      tpu.wait_dma2 semaphore(%arg28 : memref<!tpu.dma_semaphore, #tpu.memory_space<semaphore_mem>>) src(%dma_wait3A_342 : memref<64xi32, #tpu.memory_space<hbm>>) dst(%dma_wait3A_340 : memref<64xi32, #tpu.memory_space<vmem>>)
      %get3A = arith.constant 1 : i32
      %get3A_343 = arith.index_cast %get3A : i32 to index
      %get3A_344 = arith.constant 0 : index
      %get3A_345 = tpu.vector_load %arg12[%get3A_343, %get3A_344] {strides = array<i32>} : memref<6x64xi32, #tpu.memory_space<vmem>>, vector<1x16xi32>,
      %get3A_346 = vector.shape_cast %get3A_345 : vector<1x16xi32> to vector<16xi32>
      %mul3A_347 = arith.constant 15 : i32
      %mul3A_348 = vector.broadcast %mul3A_347 : i32 to vector<16xi32>
      %mul3A_349 = arith.muli %get3A_346, %mul3A_348 : vector<16xi32>
      %get3A_350 = arith.constant 2 : i32
      %get3A_351 = arith.index_cast %get3A_350 : i32 to index
      %get3A_352 = arith.constant 0 : index
      %get3A_353 = tpu.vector_load %arg12[%get3A_351, %get3A_352] {strides = array<i32>} : memref<6x64xi32, #tpu.memory_space<vmem>>, vector<1x16xi32>,
      %get3A_354 = vector.shape_cast %get3A_353 : vector<1x16xi32> to vector<16xi32>
      %add3A_355 = arith.addi %mul3A_349, %get3A_354 : vector<16xi32>
      %mul3A_356 = arith.constant 15 : i32
      %mul3A_357 = vector.broadcast %mul3A_356 : i32 to vector<16xi32>
      %mul3A_358 = arith.muli %add3A_355, %mul3A_357 : vector<16xi32>
      %get3A_359 = arith.constant 5 : i32
      %get3A_360 = arith.index_cast %get3A_359 : i32 to index
      %get3A_361 = arith.constant 0 : index
      %get3A_362 = tpu.vector_load %arg12[%get3A_360, %get3A_361] {strides = array<i32>} : memref<6x64xi32, #tpu.memory_space<vmem>>, vector<1x16xi32>,
      %get3A_363 = vector.shape_cast %get3A_362 : vector<1x16xi32> to vector<16xi32>
      %add3A_364 = arith.addi %mul3A_358, %get3A_363 : vector<16xi32>
      %add3A_365 = arith.addi %add3A_364, %mul3A_8 : vector<16xi32>
      %swap3A = arith.constant 1 : i32
      %swap3A_366 = arith.index_cast %swap3A : i32 to index
      %swap3A_367 = arith.constant 0 : index
      %swap3A_368 = tpu.vector_load %arg12[%swap3A_366, %swap3A_367] {strides = array<i32>} : memref<6x64xi32, #tpu.memory_space<vmem>>, vector<1x16xi32>,
      %swap3A_369 = vector.shape_cast %swap3A_368 : vector<1x16xi32> to vector<16xi32>
      %swap3A_370 = vector.shape_cast %add3A_365 : vector<16xi32> to vector<1x16xi32>
      tpu.vector_store %arg12[%swap3A_366, %swap3A_367], %swap3A_370 {strides = array<i32>} : memref<6x64xi32, #tpu.memory_space<vmem>>, vector<1x16xi32>,
      %get3A_371 = arith.constant 3 : i32
      %get3A_372 = arith.index_cast %get3A_371 : i32 to index
      %get3A_373 = arith.constant 0 : index
      %get3A_374 = tpu.vector_load %arg12[%get3A_372, %get3A_373] {strides = array<i32>} : memref<6x64xi32, #tpu.memory_space<vmem>>, vector<1x16xi32>,
      %get3A_375 = vector.shape_cast %get3A_374 : vector<1x16xi32> to vector<16xi32>
      %mul3A_376 = arith.constant 200 : i32
      %mul3A_377 = vector.broadcast %mul3A_376 : i32 to vector<16xi32>
      %mul3A_378 = arith.muli %get3A_375, %mul3A_377 : vector<16xi32>
      %get3A_379 = arith.constant 4 : i32
      %get3A_380 = arith.index_cast %get3A_379 : i32 to index
      %get3A_381 = arith.constant 0 : index
      %get3A_382 = tpu.vector_load %arg12[%get3A_380, %get3A_381] {strides = array<i32>} : memref<6x64xi32, #tpu.memory_space<vmem>>, vector<1x16xi32>,
      %get3A_383 = vector.shape_cast %get3A_382 : vector<1x16xi32> to vector<16xi32>
      %add3A_384 = arith.addi %mul3A_378, %get3A_383 : vector<16xi32>
      %add3A_385 = arith.addi %add3A_384, %mul3A_14 : vector<16xi32>
      %swap3A_386 = arith.constant 3 : i32
      %swap3A_387 = arith.index_cast %swap3A_386 : i32 to index
      %swap3A_388 = arith.constant 0 : index
      %swap3A_389 = tpu.vector_load %arg12[%swap3A_387, %swap3A_388] {strides = array<i32>} : memref<6x64xi32, #tpu.memory_space<vmem>>, vector<1x16xi32>,
      %swap3A_390 = vector.shape_cast %swap3A_389 : vector<1x16xi32> to vector<16xi32>
      %swap3A_391 = vector.shape_cast %add3A_385 : vector<16xi32> to vector<1x16xi32>
      tpu.vector_store %arg12[%swap3A_387, %swap3A_388], %swap3A_391 {strides = array<i32>} : memref<6x64xi32, #tpu.memory_space<vmem>>, vector<1x16xi32>,
      %get3A_392 = arith.constant 1 : i32
      %get3A_393 = arith.index_cast %get3A_392 : i32 to index
      %get3A_394 = arith.constant 16 : index
      %get3A_395 = tpu.vector_load %arg12[%get3A_393, %get3A_394] {strides = array<i32>} : memref<6x64xi32, #tpu.memory_space<vmem>>, vector<1x16xi32>,
      %get3A_396 = vector.shape_cast %get3A_395 : vector<1x16xi32> to vector<16xi32>
      %mul3A_397 = arith.constant 15 : i32
      %mul3A_398 = vector.broadcast %mul3A_397 : i32 to vector<16xi32>
      %mul3A_399 = arith.muli %get3A_396, %mul3A_398 : vector<16xi32>
      %get3A_400 = arith.constant 2 : i32
      %get3A_401 = arith.index_cast %get3A_400 : i32 to index
      %get3A_402 = arith.constant 16 : index
      %get3A_403 = tpu.vector_load %arg12[%get3A_401, %get3A_402] {strides = array<i32>} : memref<6x64xi32, #tpu.memory_space<vmem>>, vector<1x16xi32>,
      %get3A_404 = vector.shape_cast %get3A_403 : vector<1x16xi32> to vector<16xi32>
      %add3A_405 = arith.addi %mul3A_399, %get3A_404 : vector<16xi32>
      %mul3A_406 = arith.constant 15 : i32
      %mul3A_407 = vector.broadcast %mul3A_406 : i32 to vector<16xi32>
      %mul3A_408 = arith.muli %add3A_405, %mul3A_407 : vector<16xi32>
      %get3A_409 = arith.constant 5 : i32
      %get3A_410 = arith.index_cast %get3A_409 : i32 to index
      %get3A_411 = arith.constant 16 : index
      %get3A_412 = tpu.vector_load %arg12[%get3A_410, %get3A_411] {strides = array<i32>} : memref<6x64xi32, #tpu.memory_space<vmem>>, vector<1x16xi32>,
      %get3A_413 = vector.shape_cast %get3A_412 : vector<1x16xi32> to vector<16xi32>
      %add3A_414 = arith.addi %mul3A_408, %get3A_413 : vector<16xi32>
      %add3A_415 = arith.addi %add3A_414, %mul3A_8 : vector<16xi32>
      %swap3A_416 = arith.constant 1 : i32
      %swap3A_417 = arith.index_cast %swap3A_416 : i32 to index
      %swap3A_418 = arith.constant 16 : index
      %swap3A_419 = tpu.vector_load %arg12[%swap3A_417, %swap3A_418] {strides = array<i32>} : memref<6x64xi32, #tpu.memory_space<vmem>>, vector<1x16xi32>,
      %swap3A_420 = vector.shape_cast %swap3A_419 : vector<1x16xi32> to vector<16xi32>
      %swap3A_421 = vector.shape_cast %add3A_415 : vector<16xi32> to vector<1x16xi32>
      tpu.vector_store %arg12[%swap3A_417, %swap3A_418], %swap3A_421 {strides = array<i32>} : memref<6x64xi32, #tpu.memory_space<vmem>>, vector<1x16xi32>,
      %get3A_422 = arith.constant 3 : i32
      %get3A_423 = arith.index_cast %get3A_422 : i32 to index
      %get3A_424 = arith.constant 16 : index
      %get3A_425 = tpu.vector_load %arg12[%get3A_423, %get3A_424] {strides = array<i32>} : memref<6x64xi32, #tpu.memory_space<vmem>>, vector<1x16xi32>,
      %get3A_426 = vector.shape_cast %get3A_425 : vector<1x16xi32> to vector<16xi32>
      %mul3A_427 = arith.constant 200 : i32
      %mul3A_428 = vector.broadcast %mul3A_427 : i32 to vector<16xi32>
      %mul3A_429 = arith.muli %get3A_426, %mul3A_428 : vector<16xi32>
      %get3A_430 = arith.constant 4 : i32
      %get3A_431 = arith.index_cast %get3A_430 : i32 to index
      %get3A_432 = arith.constant 16 : index
      %get3A_433 = tpu.vector_load %arg12[%get3A_431, %get3A_432] {strides = array<i32>} : memref<6x64xi32, #tpu.memory_space<vmem>>, vector<1x16xi32>,
      %get3A_434 = vector.shape_cast %get3A_433 : vector<1x16xi32> to vector<16xi32>
      %add3A_435 = arith.addi %mul3A_429, %get3A_434 : vector<16xi32>
      %add3A_436 = arith.addi %add3A_435, %mul3A_14 : vector<16xi32>
      %swap3A_437 = arith.constant 3 : i32
      %swap3A_438 = arith.index_cast %swap3A_437 : i32 to index
      %swap3A_439 = arith.constant 16 : index
      %swap3A_440 = tpu.vector_load %arg12[%swap3A_438, %swap3A_439] {strides = array<i32>} : memref<6x64xi32, #tpu.memory_space<vmem>>, vector<1x16xi32>,
      %swap3A_441 = vector.shape_cast %swap3A_440 : vector<1x16xi32> to vector<16xi32>
      %swap3A_442 = vector.shape_cast %add3A_436 : vector<16xi32> to vector<1x16xi32>
      tpu.vector_store %arg12[%swap3A_438, %swap3A_439], %swap3A_442 {strides = array<i32>} : memref<6x64xi32, #tpu.memory_space<vmem>>, vector<1x16xi32>,
      %get3A_443 = arith.constant 1 : i32
      %get3A_444 = arith.index_cast %get3A_443 : i32 to index
      %get3A_445 = arith.constant 32 : index
      %get3A_446 = tpu.vector_load %arg12[%get3A_444, %get3A_445] {strides = array<i32>} : memref<6x64xi32, #tpu.memory_space<vmem>>, vector<1x16xi32>,
      %get3A_447 = vector.shape_cast %get3A_446 : vector<1x16xi32> to vector<16xi32>
      %mul3A_448 = arith.constant 15 : i32
      %mul3A_449 = vector.broadcast %mul3A_448 : i32 to vector<16xi32>
      %mul3A_450 = arith.muli %get3A_447, %mul3A_449 : vector<16xi32>
      %get3A_451 = arith.constant 2 : i32
      %get3A_452 = arith.index_cast %get3A_451 : i32 to index
      %get3A_453 = arith.constant 32 : index
      %get3A_454 = tpu.vector_load %arg12[%get3A_452, %get3A_453] {strides = array<i32>} : memref<6x64xi32, #tpu.memory_space<vmem>>, vector<1x16xi32>,
      %get3A_455 = vector.shape_cast %get3A_454 : vector<1x16xi32> to vector<16xi32>
      %add3A_456 = arith.addi %mul3A_450, %get3A_455 : vector<16xi32>
      %mul3A_457 = arith.constant 15 : i32
      %mul3A_458 = vector.broadcast %mul3A_457 : i32 to vector<16xi32>
      %mul3A_459 = arith.muli %add3A_456, %mul3A_458 : vector<16xi32>
      %get3A_460 = arith.constant 5 : i32
      %get3A_461 = arith.index_cast %get3A_460 : i32 to index
      %get3A_462 = arith.constant 32 : index
      %get3A_463 = tpu.vector_load %arg12[%get3A_461, %get3A_462] {strides = array<i32>} : memref<6x64xi32, #tpu.memory_space<vmem>>, vector<1x16xi32>,
      %get3A_464 = vector.shape_cast %get3A_463 : vector<1x16xi32> to vector<16xi32>
      %add3A_465 = arith.addi %mul3A_459, %get3A_464 : vector<16xi32>
      %add3A_466 = arith.addi %add3A_465, %mul3A_8 : vector<16xi32>
      %swap3A_467 = arith.constant 1 : i32
      %swap3A_468 = arith.index_cast %swap3A_467 : i32 to index
      %swap3A_469 = arith.constant 32 : index
      %swap3A_470 = tpu.vector_load %arg12[%swap3A_468, %swap3A_469] {strides = array<i32>} : memref<6x64xi32, #tpu.memory_space<vmem>>, vector<1x16xi32>,
      %swap3A_471 = vector.shape_cast %swap3A_470 : vector<1x16xi32> to vector<16xi32>
      %swap3A_472 = vector.shape_cast %add3A_466 : vector<16xi32> to vector<1x16xi32>
      tpu.vector_store %arg12[%swap3A_468, %swap3A_469], %swap3A_472 {strides = array<i32>} : memref<6x64xi32, #tpu.memory_space<vmem>>, vector<1x16xi32>,
      %get3A_473 = arith.constant 3 : i32
      %get3A_474 = arith.index_cast %get3A_473 : i32 to index
      %get3A_475 = arith.constant 32 : index
      %get3A_476 = tpu.vector_load %arg12[%get3A_474, %get3A_475] {strides = array<i32>} : memref<6x64xi32, #tpu.memory_space<vmem>>, vector<1x16xi32>,
      %get3A_477 = vector.shape_cast %get3A_476 : vector<1x16xi32> to vector<16xi32>
      %mul3A_478 = arith.constant 200 : i32
      %mul3A_479 = vector.broadcast %mul3A_478 : i32 to vector<16xi32>
      %mul3A_480 = arith.muli %get3A_477, %mul3A_479 : vector<16xi32>
      %get3A_481 = arith.constant 4 : i32
      %get3A_482 = arith.index_cast %get3A_481 : i32 to index
      %get3A_483 = arith.constant 32 : index
      %get3A_484 = tpu.vector_load %arg12[%get3A_482, %get3A_483] {strides = array<i32>} : memref<6x64xi32, #tpu.memory_space<vmem>>, vector<1x16xi32>,
      %get3A_485 = vector.shape_cast %get3A_484 : vector<1x16xi32> to vector<16xi32>
      %add3A_486 = arith.addi %mul3A_480, %get3A_485 : vector<16xi32>
      %add3A_487 = arith.addi %add3A_486, %mul3A_14 : vector<16xi32>
      %swap3A_488 = arith.constant 3 : i32
      %swap3A_489 = arith.index_cast %swap3A_488 : i32 to index
      %swap3A_490 = arith.constant 32 : index
      %swap3A_491 = tpu.vector_load %arg12[%swap3A_489, %swap3A_490] {strides = array<i32>} : memref<6x64xi32, #tpu.memory_space<vmem>>, vector<1x16xi32>,
      %swap3A_492 = vector.shape_cast %swap3A_491 : vector<1x16xi32> to vector<16xi32>
      %swap3A_493 = vector.shape_cast %add3A_487 : vector<16xi32> to vector<1x16xi32>
      tpu.vector_store %arg12[%swap3A_489, %swap3A_490], %swap3A_493 {strides = array<i32>} : memref<6x64xi32, #tpu.memory_space<vmem>>, vector<1x16xi32>,
      %get3A_494 = arith.constant 1 : i32
      %get3A_495 = arith.index_cast %get3A_494 : i32 to index
      %get3A_496 = arith.constant 48 : index
      %get3A_497 = tpu.vector_load %arg12[%get3A_495, %get3A_496] {strides = array<i32>} : memref<6x64xi32, #tpu.memory_space<vmem>>, vector<1x16xi32>,
      %get3A_498 = vector.shape_cast %get3A_497 : vector<1x16xi32> to vector<16xi32>
      %mul3A_499 = arith.constant 15 : i32
      %mul3A_500 = vector.broadcast %mul3A_499 : i32 to vector<16xi32>
      %mul3A_501 = arith.muli %get3A_498, %mul3A_500 : vector<16xi32>
      %get3A_502 = arith.constant 2 : i32
      %get3A_503 = arith.index_cast %get3A_502 : i32 to index
      %get3A_504 = arith.constant 48 : index
      %get3A_505 = tpu.vector_load %arg12[%get3A_503, %get3A_504] {strides = array<i32>} : memref<6x64xi32, #tpu.memory_space<vmem>>, vector<1x16xi32>,
      %get3A_506 = vector.shape_cast %get3A_505 : vector<1x16xi32> to vector<16xi32>
      %add3A_507 = arith.addi %mul3A_501, %get3A_506 : vector<16xi32>
      %mul3A_508 = arith.constant 15 : i32
      %mul3A_509 = vector.broadcast %mul3A_508 : i32 to vector<16xi32>
      %mul3A_510 = arith.muli %add3A_507, %mul3A_509 : vector<16xi32>
      %get3A_511 = arith.constant 5 : i32
      %get3A_512 = arith.index_cast %get3A_511 : i32 to index
      %get3A_513 = arith.constant 48 : index
      %get3A_514 = tpu.vector_load %arg12[%get3A_512, %get3A_513] {strides = array<i32>} : memref<6x64xi32, #tpu.memory_space<vmem>>, vector<1x16xi32>,
      %get3A_515 = vector.shape_cast %get3A_514 : vector<1x16xi32> to vector<16xi32>
      %add3A_516 = arith.addi %mul3A_510, %get3A_515 : vector<16xi32>
      %add3A_517 = arith.addi %add3A_516, %mul3A_8 : vector<16xi32>
      %swap3A_518 = arith.constant 1 : i32
      %swap3A_519 = arith.index_cast %swap3A_518 : i32 to index
      %swap3A_520 = arith.constant 48 : index
      %swap3A_521 = tpu.vector_load %arg12[%swap3A_519, %swap3A_520] {strides = array<i32>} : memref<6x64xi32, #tpu.memory_space<vmem>>, vector<1x16xi32>,
      %swap3A_522 = vector.shape_cast %swap3A_521 : vector<1x16xi32> to vector<16xi32>
      %swap3A_523 = vector.shape_cast %add3A_517 : vector<16xi32> to vector<1x16xi32>
      tpu.vector_store %arg12[%swap3A_519, %swap3A_520], %swap3A_523 {strides = array<i32>} : memref<6x64xi32, #tpu.memory_space<vmem>>, vector<1x16xi32>,
      %get3A_524 = arith.constant 3 : i32
      %get3A_525 = arith.index_cast %get3A_524 : i32 to index
      %get3A_526 = arith.constant 48 : index
      %get3A_527 = tpu.vector_load %arg12[%get3A_525, %get3A_526] {strides = array<i32>} : memref<6x64xi32, #tpu.memory_space<vmem>>, vector<1x16xi32>,
      %get3A_528 = vector.shape_cast %get3A_527 : vector<1x16xi32> to vector<16xi32>
      %mul3A_529 = arith.constant 200 : i32
      %mul3A_530 = vector.broadcast %mul3A_529 : i32 to vector<16xi32>
      %mul3A_531 = arith.muli %get3A_528, %mul3A_530 : vector<16xi32>
      %get3A_532 = arith.constant 4 : i32
      %get3A_533 = arith.index_cast %get3A_532 : i32 to index
      %get3A_534 = arith.constant 48 : index
      %get3A_535 = tpu.vector_load %arg12[%get3A_533, %get3A_534] {strides = array<i32>} : memref<6x64xi32, #tpu.memory_space<vmem>>, vector<1x16xi32>,
      %get3A_536 = vector.shape_cast %get3A_535 : vector<1x16xi32> to vector<16xi32>
      %add3A_537 = arith.addi %mul3A_531, %get3A_536 : vector<16xi32>
      %add3A_538 = arith.addi %add3A_537, %mul3A_14 : vector<16xi32>
      %swap3A_539 = arith.constant 3 : i32
      %swap3A_540 = arith.index_cast %swap3A_539 : i32 to index
      %swap3A_541 = arith.constant 48 : index
      %swap3A_542 = tpu.vector_load %arg12[%swap3A_540, %swap3A_541] {strides = array<i32>} : memref<6x64xi32, #tpu.memory_space<vmem>>, vector<1x16xi32>,
      %swap3A_543 = vector.shape_cast %swap3A_542 : vector<1x16xi32> to vector<16xi32>
      %swap3A_544 = vector.shape_cast %add3A_538 : vector<16xi32> to vector<1x16xi32>
      tpu.vector_store %arg12[%swap3A_540, %swap3A_541], %swap3A_544 {strides = array<i32>} : memref<6x64xi32, #tpu.memory_space<vmem>>, vector<1x16xi32>,
      %dma_start3A_545 = arith.constant 0 : i32
      %dma_start3A_546 = arith.constant 0 : i32
      %dma_start3A_547 = tpu.memref_slice %arg12[%dma_start3A_545, %dma_start3A_546] : memref<6x64xi32, #tpu.memory_space<vmem>> -> memref<1x64xi32, #tpu.memory_space<vmem>>
      %dma_start3A_548 = tpu.memref_squeeze %dma_start3A_547 : memref<1x64xi32, #tpu.memory_space<vmem>> -> memref<64xi32, #tpu.memory_space<vmem>>
      %dma_start3A_549 = arith.constant 0 : i32
      %dma_start3A_550 = arith.constant 0 : i32
      %dma_start3A_551 = tpu.memref_slice %arg2[%dma_start3A_549, %dma_start3A_550] : memref<100000x128xf32, #tpu.memory_space<hbm>> -> memref<100000x128xf32, #tpu.memory_space<hbm>>
      tpu.enqueue_indirect_dma source(%dma_start3A_551 : memref<100000x128xf32, #tpu.memory_space<hbm>>) target(%arg16 : memref<64x128xf32, #tpu.memory_space<vmem>>) offsets(%dma_start3A_548 : memref<64xi32, #tpu.memory_space<vmem>>) semaphore(%arg20 : memref<!tpu.dma_semaphore, #tpu.memory_space<semaphore_mem>>) {add = true}
      %dma_start3A_552 = arith.constant 1 : i32
      %dma_start3A_553 = arith.constant 0 : i32
      %dma_start3A_554 = tpu.memref_slice %arg12[%dma_start3A_552, %dma_start3A_553] : memref<6x64xi32, #tpu.memory_space<vmem>> -> memref<1x64xi32, #tpu.memory_space<vmem>>
      %dma_start3A_555 = tpu.memref_squeeze %dma_start3A_554 : memref<1x64xi32, #tpu.memory_space<vmem>> -> memref<64xi32, #tpu.memory_space<vmem>>
      %dma_start3A_556 = arith.constant 0 : i32
      %dma_start3A_557 = arith.constant 0 : i32
      %dma_start3A_558 = tpu.memref_slice %arg3[%dma_start3A_556, %dma_start3A_557] : memref<13500x128xf32, #tpu.memory_space<hbm>> -> memref<13500x128xf32, #tpu.memory_space<hbm>>
      tpu.enqueue_indirect_dma source(%dma_start3A_558 : memref<13500x128xf32, #tpu.memory_space<hbm>>) target(%arg16 : memref<64x128xf32, #tpu.memory_space<vmem>>) offsets(%dma_start3A_555 : memref<64xi32, #tpu.memory_space<vmem>>) semaphore(%arg20 : memref<!tpu.dma_semaphore, #tpu.memory_space<semaphore_mem>>) {add = true}
      %dma_start3A_559 = arith.constant 3 : i32
      %dma_start3A_560 = arith.constant 0 : i32
      %dma_start3A_561 = tpu.memref_slice %arg12[%dma_start3A_559, %dma_start3A_560] : memref<6x64xi32, #tpu.memory_space<vmem>> -> memref<1x64xi32, #tpu.memory_space<vmem>>
      %dma_start3A_562 = tpu.memref_squeeze %dma_start3A_561 : memref<1x64xi32, #tpu.memory_space<vmem>> -> memref<64xi32, #tpu.memory_space<vmem>>
      %dma_start3A_563 = arith.constant 0 : i32
      %dma_start3A_564 = arith.constant 0 : i32
      %dma_start3A_565 = tpu.memref_slice %arg4[%dma_start3A_563, %dma_start3A_564] : memref<4800x128xf32, #tpu.memory_space<hbm>> -> memref<4800x128xf32, #tpu.memory_space<hbm>>
      tpu.enqueue_indirect_dma source(%dma_start3A_565 : memref<4800x128xf32, #tpu.memory_space<hbm>>) target(%arg16 : memref<64x128xf32, #tpu.memory_space<vmem>>) offsets(%dma_start3A_562 : memref<64xi32, #tpu.memory_space<vmem>>) semaphore(%arg20 : memref<!tpu.dma_semaphore, #tpu.memory_space<semaphore_mem>>) {add = true}
      %ge3A_566 = arith.constant 1 : i32
      %ge3A_567 = arith.cmpi sge, %add3A_268, %ge3A_566 : i32
      %convert_element_type3A_568 = arith.extui %ge3A_567 : i1 to i32
      %cond3A_569 = arith.constant 0 : i32
      %cond3A_570 = arith.cmpi ne, %convert_element_type3A_568, %cond3A_569 : i32
      scf.if %cond3A_570 {
        %dma_wait3A_1538 = arith.constant 0 : i32
        %dma_wait3A_1539 = arith.constant 0 : i32
        %dma_wait3A_1540 = tpu.memref_slice %arg11[%dma_wait3A_1538, %dma_wait3A_1539] : memref<204800x128xf32, #tpu.memory_space<hbm>> -> memref<64x128xf32, #tpu.memory_space<hbm>>
        %dma_wait3A_1541 = arith.constant 0 : i32
        %dma_wait3A_1542 = arith.constant 0 : i32
        %dma_wait3A_1543 = tpu.memref_slice %arg11[%dma_wait3A_1541, %dma_wait3A_1542] : memref<204800x128xf32, #tpu.memory_space<hbm>> -> memref<64x128xf32, #tpu.memory_space<hbm>>
        tpu.wait_dma2 semaphore(%arg23 : memref<!tpu.dma_semaphore, #tpu.memory_space<semaphore_mem>>) src(%dma_wait3A_1543 : memref<64x128xf32, #tpu.memory_space<hbm>>) dst(%arg19 : memref<64x128xf32, #tpu.memory_space<vmem>>)
        %dma_wait3A_1544 = arith.constant 0 : i32
        %dma_wait3A_1545 = arith.constant 0 : i32
        %dma_wait3A_1546 = tpu.memref_slice %arg11[%dma_wait3A_1544, %dma_wait3A_1545] : memref<204800x128xf32, #tpu.memory_space<hbm>> -> memref<64x128xf32, #tpu.memory_space<hbm>>
        %dma_wait3A_1547 = arith.constant 0 : i32
        %dma_wait3A_1548 = arith.constant 0 : i32
        %dma_wait3A_1549 = tpu.memref_slice %arg11[%dma_wait3A_1547, %dma_wait3A_1548] : memref<204800x128xf32, #tpu.memory_space<hbm>> -> memref<64x128xf32, #tpu.memory_space<hbm>>
        tpu.wait_dma2 semaphore(%arg23 : memref<!tpu.dma_semaphore, #tpu.memory_space<semaphore_mem>>) src(%dma_wait3A_1549 : memref<64x128xf32, #tpu.memory_space<hbm>>) dst(%arg19 : memref<64x128xf32, #tpu.memory_space<vmem>>)
        %dma_wait3A_1550 = arith.constant 0 : i32
        %dma_wait3A_1551 = arith.constant 0 : i32
        %dma_wait3A_1552 = tpu.memref_slice %arg11[%dma_wait3A_1550, %dma_wait3A_1551] : memref<204800x128xf32, #tpu.memory_space<hbm>> -> memref<64x128xf32, #tpu.memory_space<hbm>>
        %dma_wait3A_1553 = arith.constant 0 : i32
        %dma_wait3A_1554 = arith.constant 0 : i32
        %dma_wait3A_1555 = tpu.memref_slice %arg11[%dma_wait3A_1553, %dma_wait3A_1554] : memref<204800x128xf32, #tpu.memory_space<hbm>> -> memref<64x128xf32, #tpu.memory_space<hbm>>
        tpu.wait_dma2 semaphore(%arg23 : memref<!tpu.dma_semaphore, #tpu.memory_space<semaphore_mem>>) src(%dma_wait3A_1555 : memref<64x128xf32, #tpu.memory_space<hbm>>) dst(%arg19 : memref<64x128xf32, #tpu.memory_space<vmem>>)
        %sub3A_1556 = arith.constant 1 : i32
        %sub3A_1557 = arith.subi %add3A_268, %sub3A_1556 : i32
        %mul3A_1558 = arith.constant 64 : i32
        %mul3A_1559 = arith.muli %sub3A_1557, %mul3A_1558 : i32
        %add3A_1560 = arith.addi %mul3A_2, %mul3A_1559 : i32
        %dma_start3A_1561 = arith.constant 0 : i32
        %dma_start3A_1562 = tpu.memref_slice %arg11[%add3A_1560, %dma_start3A_1561] : memref<204800x128xf32, #tpu.memory_space<hbm>> -> memref<64x128xf32, #tpu.memory_space<hbm>>
        %dma_start3A_1563 = arith.constant 0 : i32
        %dma_start3A_1564 = tpu.memref_slice %arg11[%add3A_1560, %dma_start3A_1563] : memref<204800x128xf32, #tpu.memory_space<hbm>> -> memref<64x128xf32, #tpu.memory_space<hbm>>
        tpu.enqueue_dma source(%arg19 : memref<64x128xf32, #tpu.memory_space<vmem>>) target(%dma_start3A_1564 : memref<64x128xf32, #tpu.memory_space<hbm>>) target_semaphore(%arg27 : memref<!tpu.dma_semaphore, #tpu.memory_space<semaphore_mem>>)
      } else {
      }
      %add3A_571 = arith.constant 4 : i32
      %add3A_572 = arith.addi %add3A_268, %add3A_571 : i32
      %sub3A = arith.constant 1 : i32
      %sub3A_573 = arith.subi %add3A_572, %sub3A : i32
      %lt3A = arith.constant 100 : i32
      %lt3A_574 = arith.cmpi slt, %sub3A_573, %lt3A : i32
      %convert_element_type3A_575 = arith.extui %lt3A_574 : i1 to i32
      %cond3A_576 = arith.constant 0 : i32
      %cond3A_577 = arith.cmpi ne, %convert_element_type3A_575, %cond3A_576 : i32
      scf.if %cond3A_577 {
        %add3A_1538 = arith.constant 4 : i32
        %add3A_1539 = arith.addi %add3A_268, %add3A_1538 : i32
        %sub3A_1540 = arith.constant 1 : i32
        %sub3A_1541 = arith.subi %add3A_1539, %sub3A_1540 : i32
        %mul3A_1542 = arith.constant 64 : i32
        %mul3A_1543 = arith.muli %sub3A_1541, %mul3A_1542 : i32
        %add3A_1544 = arith.addi %mul3A_2, %mul3A_1543 : i32
        %dma_start3A_1545 = arith.constant 0 : i32
        %dma_start3A_1546 = arith.constant 0 : i32
        %dma_start3A_1547 = tpu.memref_slice %arg15[%dma_start3A_1545, %dma_start3A_1546] : memref<6x64xi32, #tpu.memory_space<vmem>> -> memref<1x64xi32, #tpu.memory_space<vmem>>
        %dma_start3A_1548 = tpu.memref_squeeze %dma_start3A_1547 : memref<1x64xi32, #tpu.memory_space<vmem>> -> memref<64xi32, #tpu.memory_space<vmem>>
        %dma_start3A_1549 = tpu.memref_slice %arg5[%add3A_1544] : memref<204800xi32, #tpu.memory_space<hbm>> -> memref<64xi32, #tpu.memory_space<hbm>>
        %dma_start3A_1550 = arith.constant 0 : i32
        %dma_start3A_1551 = tpu.memref_slice %arg15[%dma_start3A_1545, %dma_start3A_1550] : memref<6x64xi32, #tpu.memory_space<vmem>> -> memref<1x64xi32, #tpu.memory_space<vmem>>
        %dma_start3A_1552 = tpu.memref_squeeze %dma_start3A_1551 : memref<1x64xi32, #tpu.memory_space<vmem>> -> memref<64xi32, #tpu.memory_space<vmem>>
        %dma_start3A_1553 = tpu.memref_slice %arg5[%add3A_1544] : memref<204800xi32, #tpu.memory_space<hbm>> -> memref<64xi32, #tpu.memory_space<hbm>>
        tpu.enqueue_dma source(%dma_start3A_1553 : memref<64xi32, #tpu.memory_space<hbm>>) target(%dma_start3A_1552 : memref<64xi32, #tpu.memory_space<vmem>>) target_semaphore(%arg31 : memref<!tpu.dma_semaphore, #tpu.memory_space<semaphore_mem>>)
        %mul3A_1554 = arith.constant 64 : i32
        %mul3A_1555 = arith.muli %sub3A_1541, %mul3A_1554 : i32
        %add3A_1556 = arith.addi %mul3A_2, %mul3A_1555 : i32
        %dma_start3A_1557 = arith.constant 1 : i32
        %dma_start3A_1558 = arith.constant 0 : i32
        %dma_start3A_1559 = tpu.memref_slice %arg15[%dma_start3A_1557, %dma_start3A_1558] : memref<6x64xi32, #tpu.memory_space<vmem>> -> memref<1x64xi32, #tpu.memory_space<vmem>>
        %dma_start3A_1560 = tpu.memref_squeeze %dma_start3A_1559 : memref<1x64xi32, #tpu.memory_space<vmem>> -> memref<64xi32, #tpu.memory_space<vmem>>
        %dma_start3A_1561 = tpu.memref_slice %arg6[%add3A_1556] : memref<204800xi32, #tpu.memory_space<hbm>> -> memref<64xi32, #tpu.memory_space<hbm>>
        %dma_start3A_1562 = arith.constant 0 : i32
        %dma_start3A_1563 = tpu.memref_slice %arg15[%dma_start3A_1557, %dma_start3A_1562] : memref<6x64xi32, #tpu.memory_space<vmem>> -> memref<1x64xi32, #tpu.memory_space<vmem>>
        %dma_start3A_1564 = tpu.memref_squeeze %dma_start3A_1563 : memref<1x64xi32, #tpu.memory_space<vmem>> -> memref<64xi32, #tpu.memory_space<vmem>>
        %dma_start3A_1565 = tpu.memref_slice %arg6[%add3A_1556] : memref<204800xi32, #tpu.memory_space<hbm>> -> memref<64xi32, #tpu.memory_space<hbm>>
        tpu.enqueue_dma source(%dma_start3A_1565 : memref<64xi32, #tpu.memory_space<hbm>>) target(%dma_start3A_1564 : memref<64xi32, #tpu.memory_space<vmem>>) target_semaphore(%arg31 : memref<!tpu.dma_semaphore, #tpu.memory_space<semaphore_mem>>)
        %mul3A_1566 = arith.constant 64 : i32
        %mul3A_1567 = arith.muli %sub3A_1541, %mul3A_1566 : i32
        %add3A_1568 = arith.addi %mul3A_2, %mul3A_1567 : i32
        %dma_start3A_1569 = arith.constant 2 : i32
        %dma_start3A_1570 = arith.constant 0 : i32
        %dma_start3A_1571 = tpu.memref_slice %arg15[%dma_start3A_1569, %dma_start3A_1570] : memref<6x64xi32, #tpu.memory_space<vmem>> -> memref<1x64xi32, #tpu.memory_space<vmem>>
        %dma_start3A_1572 = tpu.memref_squeeze %dma_start3A_1571 : memref<1x64xi32, #tpu.memory_space<vmem>> -> memref<64xi32, #tpu.memory_space<vmem>>
        %dma_start3A_1573 = tpu.memref_slice %arg7[%add3A_1568] : memref<204800xi32, #tpu.memory_space<hbm>> -> memref<64xi32, #tpu.memory_space<hbm>>
        %dma_start3A_1574 = arith.constant 0 : i32
        %dma_start3A_1575 = tpu.memref_slice %arg15[%dma_start3A_1569, %dma_start3A_1574] : memref<6x64xi32, #tpu.memory_space<vmem>> -> memref<1x64xi32, #tpu.memory_space<vmem>>
        %dma_start3A_1576 = tpu.memref_squeeze %dma_start3A_1575 : memref<1x64xi32, #tpu.memory_space<vmem>> -> memref<64xi32, #tpu.memory_space<vmem>>
        %dma_start3A_1577 = tpu.memref_slice %arg7[%add3A_1568] : memref<204800xi32, #tpu.memory_space<hbm>> -> memref<64xi32, #tpu.memory_space<hbm>>
        tpu.enqueue_dma source(%dma_start3A_1577 : memref<64xi32, #tpu.memory_space<hbm>>) target(%dma_start3A_1576 : memref<64xi32, #tpu.memory_space<vmem>>) target_semaphore(%arg31 : memref<!tpu.dma_semaphore, #tpu.memory_space<semaphore_mem>>)
        %mul3A_1578 = arith.constant 64 : i32
        %mul3A_1579 = arith.muli %sub3A_1541, %mul3A_1578 : i32
        %add3A_1580 = arith.addi %mul3A_2, %mul3A_1579 : i32
        %dma_start3A_1581 = arith.constant 3 : i32
        %dma_start3A_1582 = arith.constant 0 : i32
        %dma_start3A_1583 = tpu.memref_slice %arg15[%dma_start3A_1581, %dma_start3A_1582] : memref<6x64xi32, #tpu.memory_space<vmem>> -> memref<1x64xi32, #tpu.memory_space<vmem>>
        %dma_start3A_1584 = tpu.memref_squeeze %dma_start3A_1583 : memref<1x64xi32, #tpu.memory_space<vmem>> -> memref<64xi32, #tpu.memory_space<vmem>>
        %dma_start3A_1585 = tpu.memref_slice %arg8[%add3A_1580] : memref<204800xi32, #tpu.memory_space<hbm>> -> memref<64xi32, #tpu.memory_space<hbm>>
        %dma_start3A_1586 = arith.constant 0 : i32
        %dma_start3A_1587 = tpu.memref_slice %arg15[%dma_start3A_1581, %dma_start3A_1586] : memref<6x64xi32, #tpu.memory_space<vmem>> -> memref<1x64xi32, #tpu.memory_space<vmem>>
        %dma_start3A_1588 = tpu.memref_squeeze %dma_start3A_1587 : memref<1x64xi32, #tpu.memory_space<vmem>> -> memref<64xi32, #tpu.memory_space<vmem>>
        %dma_start3A_1589 = tpu.memref_slice %arg8[%add3A_1580] : memref<204800xi32, #tpu.memory_space<hbm>> -> memref<64xi32, #tpu.memory_space<hbm>>
        tpu.enqueue_dma source(%dma_start3A_1589 : memref<64xi32, #tpu.memory_space<hbm>>) target(%dma_start3A_1588 : memref<64xi32, #tpu.memory_space<vmem>>) target_semaphore(%arg31 : memref<!tpu.dma_semaphore, #tpu.memory_space<semaphore_mem>>)
        %mul3A_1590 = arith.constant 64 : i32
        %mul3A_1591 = arith.muli %sub3A_1541, %mul3A_1590 : i32
        %add3A_1592 = arith.addi %mul3A_2, %mul3A_1591 : i32
        %dma_start3A_1593 = arith.constant 4 : i32
        %dma_start3A_1594 = arith.constant 0 : i32
        %dma_start3A_1595 = tpu.memref_slice %arg15[%dma_start3A_1593, %dma_start3A_1594] : memref<6x64xi32, #tpu.memory_space<vmem>> -> memref<1x64xi32, #tpu.memory_space<vmem>>
        %dma_start3A_1596 = tpu.memref_squeeze %dma_start3A_1595 : memref<1x64xi32, #tpu.memory_space<vmem>> -> memref<64xi32, #tpu.memory_space<vmem>>
        %dma_start3A_1597 = tpu.memref_slice %arg9[%add3A_1592] : memref<204800xi32, #tpu.memory_space<hbm>> -> memref<64xi32, #tpu.memory_space<hbm>>
        %dma_start3A_1598 = arith.constant 0 : i32
        %dma_start3A_1599 = tpu.memref_slice %arg15[%dma_start3A_1593, %dma_start3A_1598] : memref<6x64xi32, #tpu.memory_space<vmem>> -> memref<1x64xi32, #tpu.memory_space<vmem>>
        %dma_start3A_1600 = tpu.memref_squeeze %dma_start3A_1599 : memref<1x64xi32, #tpu.memory_space<vmem>> -> memref<64xi32, #tpu.memory_space<vmem>>
        %dma_start3A_1601 = tpu.memref_slice %arg9[%add3A_1592] : memref<204800xi32, #tpu.memory_space<hbm>> -> memref<64xi32, #tpu.memory_space<hbm>>
        tpu.enqueue_dma source(%dma_start3A_1601 : memref<64xi32, #tpu.memory_space<hbm>>) target(%dma_start3A_1600 : memref<64xi32, #tpu.memory_space<vmem>>) target_semaphore(%arg31 : memref<!tpu.dma_semaphore, #tpu.memory_space<semaphore_mem>>)
        %mul3A_1602 = arith.constant 64 : i32
        %mul3A_1603 = arith.muli %sub3A_1541, %mul3A_1602 : i32
        %add3A_1604 = arith.addi %mul3A_2, %mul3A_1603 : i32
        %dma_start3A_1605 = arith.constant 5 : i32
        %dma_start3A_1606 = arith.constant 0 : i32
        %dma_start3A_1607 = tpu.memref_slice %arg15[%dma_start3A_1605, %dma_start3A_1606] : memref<6x64xi32, #tpu.memory_space<vmem>> -> memref<1x64xi32, #tpu.memory_space<vmem>>
        %dma_start3A_1608 = tpu.memref_squeeze %dma_start3A_1607 : memref<1x64xi32, #tpu.memory_space<vmem>> -> memref<64xi32, #tpu.memory_space<vmem>>
        %dma_start3A_1609 = tpu.memref_slice %arg10[%add3A_1604] : memref<204800xi32, #tpu.memory_space<hbm>> -> memref<64xi32, #tpu.memory_space<hbm>>
        %dma_start3A_1610 = arith.constant 0 : i32
        %dma_start3A_1611 = tpu.memref_slice %arg15[%dma_start3A_1605, %dma_start3A_1610] : memref<6x64xi32, #tpu.memory_space<vmem>> -> memref<1x64xi32, #tpu.memory_space<vmem>>
        %dma_start3A_1612 = tpu.memref_squeeze %dma_start3A_1611 : memref<1x64xi32, #tpu.memory_space<vmem>> -> memref<64xi32, #tpu.memory_space<vmem>>
        %dma_start3A_1613 = tpu.memref_slice %arg10[%add3A_1604] : memref<204800xi32, #tpu.memory_space<hbm>> -> memref<64xi32, #tpu.memory_space<hbm>>
        tpu.enqueue_dma source(%dma_start3A_1613 : memref<64xi32, #tpu.memory_space<hbm>>) target(%dma_start3A_1612 : memref<64xi32, #tpu.memory_space<vmem>>) target_semaphore(%arg31 : memref<!tpu.dma_semaphore, #tpu.memory_space<semaphore_mem>>)
      } else {
      }
      %mul3A_578 = arith.constant 4 : i32
      %mul3A_579 = arith.muli %scan3A_264, %mul3A_578 : i32
      %add3A_580 = arith.constant 1 : i32
      %add3A_581 = arith.addi %mul3A_579, %add3A_580 : i32
      %ge3A_582 = arith.constant 4 : i32
      %ge3A_583 = arith.cmpi sge, %add3A_581, %ge3A_582 : i32
      %convert_element_type3A_584 = arith.extui %ge3A_583 : i1 to i32
      %cond3A_585 = arith.constant 0 : i32
      %cond3A_586 = arith.cmpi ne, %convert_element_type3A_584, %cond3A_585 : i32
      scf.if %cond3A_586 {
        %dma_wait3A_1538 = arith.constant 0 : i32
        %dma_wait3A_1539 = arith.constant 0 : i32
        %dma_wait3A_1540 = tpu.memref_slice %arg11[%dma_wait3A_1538, %dma_wait3A_1539] : memref<204800x128xf32, #tpu.memory_space<hbm>> -> memref<64x128xf32, #tpu.memory_space<hbm>>
        %dma_wait3A_1541 = arith.constant 0 : i32
        %dma_wait3A_1542 = arith.constant 0 : i32
        %dma_wait3A_1543 = tpu.memref_slice %arg11[%dma_wait3A_1541, %dma_wait3A_1542] : memref<204800x128xf32, #tpu.memory_space<hbm>> -> memref<64x128xf32, #tpu.memory_space<hbm>>
        tpu.wait_dma2 semaphore(%arg25 : memref<!tpu.dma_semaphore, #tpu.memory_space<semaphore_mem>>) src(%arg17 : memref<64x128xf32, #tpu.memory_space<vmem>>) dst(%dma_wait3A_1543 : memref<64x128xf32, #tpu.memory_space<hbm>>)
      } else {
      }
      %scan3A_587 = arith.constant 0 : i32
      %scan3A_588 = arith.constant 0 : i32
      %scan3A_589 = arith.constant 64 : i32
      %scan3A_590 = arith.addi %scan3A_588, %scan3A_589 : i32
      %scan3A_591 = arith.constant 1 : i32
      scf.for %scan3A_1538 = %scan3A_588 to %scan3A_590 step %scan3A_591  : i32 {
        %swap3A_1539 = arith.index_cast %scan3A_1538 : i32 to index
        %swap3A_1540 = arith.constant 0 : index
        %swap3A_1541 = tpu.vector_load %arg17[%swap3A_1539, %swap3A_1540] {strides = array<i32>} : memref<64x128xf32, #tpu.memory_space<vmem>>, vector<1x16xf32>,
        %swap3A_1542 = vector.shape_cast %swap3A_1541 : vector<1x16xf32> to vector<16xf32>
        %swap3A_1543 = vector.shape_cast %broadcast_in_dim3A_3 : vector<16xf32> to vector<1x16xf32>
        tpu.vector_store %arg17[%swap3A_1539, %swap3A_1540], %swap3A_1543 {strides = array<i32>} : memref<64x128xf32, #tpu.memory_space<vmem>>, vector<1x16xf32>,
        %swap3A_1544 = arith.index_cast %scan3A_1538 : i32 to index
        %swap3A_1545 = arith.constant 16 : index
        %swap3A_1546 = tpu.vector_load %arg17[%swap3A_1544, %swap3A_1545] {strides = array<i32>} : memref<64x128xf32, #tpu.memory_space<vmem>>, vector<1x16xf32>,
        %swap3A_1547 = vector.shape_cast %swap3A_1546 : vector<1x16xf32> to vector<16xf32>
        %swap3A_1548 = vector.shape_cast %broadcast_in_dim3A_3 : vector<16xf32> to vector<1x16xf32>
        tpu.vector_store %arg17[%swap3A_1544, %swap3A_1545], %swap3A_1548 {strides = array<i32>} : memref<64x128xf32, #tpu.memory_space<vmem>>, vector<1x16xf32>,
        %swap3A_1549 = arith.index_cast %scan3A_1538 : i32 to index
        %swap3A_1550 = arith.constant 32 : index
        %swap3A_1551 = tpu.vector_load %arg17[%swap3A_1549, %swap3A_1550] {strides = array<i32>} : memref<64x128xf32, #tpu.memory_space<vmem>>, vector<1x16xf32>,
        %swap3A_1552 = vector.shape_cast %swap3A_1551 : vector<1x16xf32> to vector<16xf32>
        %swap3A_1553 = vector.shape_cast %broadcast_in_dim3A_3 : vector<16xf32> to vector<1x16xf32>
        tpu.vector_store %arg17[%swap3A_1549, %swap3A_1550], %swap3A_1553 {strides = array<i32>} : memref<64x128xf32, #tpu.memory_space<vmem>>, vector<1x16xf32>,
        %swap3A_1554 = arith.index_cast %scan3A_1538 : i32 to index
        %swap3A_1555 = arith.constant 48 : index
        %swap3A_1556 = tpu.vector_load %arg17[%swap3A_1554, %swap3A_1555] {strides = array<i32>} : memref<64x128xf32, #tpu.memory_space<vmem>>, vector<1x16xf32>,
        %swap3A_1557 = vector.shape_cast %swap3A_1556 : vector<1x16xf32> to vector<16xf32>
        %swap3A_1558 = vector.shape_cast %broadcast_in_dim3A_3 : vector<16xf32> to vector<1x16xf32>
        tpu.vector_store %arg17[%swap3A_1554, %swap3A_1555], %swap3A_1558 {strides = array<i32>} : memref<64x128xf32, #tpu.memory_space<vmem>>, vector<1x16xf32>,
        %swap3A_1559 = arith.index_cast %scan3A_1538 : i32 to index
        %swap3A_1560 = arith.constant 64 : index
        %swap3A_1561 = tpu.vector_load %arg17[%swap3A_1559, %swap3A_1560] {strides = array<i32>} : memref<64x128xf32, #tpu.memory_space<vmem>>, vector<1x16xf32>,
        %swap3A_1562 = vector.shape_cast %swap3A_1561 : vector<1x16xf32> to vector<16xf32>
        %swap3A_1563 = vector.shape_cast %broadcast_in_dim3A_3 : vector<16xf32> to vector<1x16xf32>
        tpu.vector_store %arg17[%swap3A_1559, %swap3A_1560], %swap3A_1563 {strides = array<i32>} : memref<64x128xf32, #tpu.memory_space<vmem>>, vector<1x16xf32>,
        %swap3A_1564 = arith.index_cast %scan3A_1538 : i32 to index
        %swap3A_1565 = arith.constant 80 : index
        %swap3A_1566 = tpu.vector_load %arg17[%swap3A_1564, %swap3A_1565] {strides = array<i32>} : memref<64x128xf32, #tpu.memory_space<vmem>>, vector<1x16xf32>,
        %swap3A_1567 = vector.shape_cast %swap3A_1566 : vector<1x16xf32> to vector<16xf32>
        %swap3A_1568 = vector.shape_cast %broadcast_in_dim3A_3 : vector<16xf32> to vector<1x16xf32>
        tpu.vector_store %arg17[%swap3A_1564, %swap3A_1565], %swap3A_1568 {strides = array<i32>} : memref<64x128xf32, #tpu.memory_space<vmem>>, vector<1x16xf32>,
        %swap3A_1569 = arith.index_cast %scan3A_1538 : i32 to index
        %swap3A_1570 = arith.constant 96 : index
        %swap3A_1571 = tpu.vector_load %arg17[%swap3A_1569, %swap3A_1570] {strides = array<i32>} : memref<64x128xf32, #tpu.memory_space<vmem>>, vector<1x16xf32>,
        %swap3A_1572 = vector.shape_cast %swap3A_1571 : vector<1x16xf32> to vector<16xf32>
        %swap3A_1573 = vector.shape_cast %broadcast_in_dim3A_3 : vector<16xf32> to vector<1x16xf32>
        tpu.vector_store %arg17[%swap3A_1569, %swap3A_1570], %swap3A_1573 {strides = array<i32>} : memref<64x128xf32, #tpu.memory_space<vmem>>, vector<1x16xf32>,
        %swap3A_1574 = arith.index_cast %scan3A_1538 : i32 to index
        %swap3A_1575 = arith.constant 112 : index
        %swap3A_1576 = tpu.vector_load %arg17[%swap3A_1574, %swap3A_1575] {strides = array<i32>} : memref<64x128xf32, #tpu.memory_space<vmem>>, vector<1x16xf32>,
        %swap3A_1577 = vector.shape_cast %swap3A_1576 : vector<1x16xf32> to vector<16xf32>
        %swap3A_1578 = vector.shape_cast %broadcast_in_dim3A_3 : vector<16xf32> to vector<1x16xf32>
        tpu.vector_store %arg17[%swap3A_1574, %swap3A_1575], %swap3A_1578 {strides = array<i32>} : memref<64x128xf32, #tpu.memory_space<vmem>>, vector<1x16xf32>,
      }
      %scan3A_592 = arith.constant 64 : i32
      %dma_wait3A_593 = arith.constant 0 : i32
      %dma_wait3A_594 = arith.constant 0 : i32
      %dma_wait3A_595 = tpu.memref_slice %arg13[%dma_wait3A_593, %dma_wait3A_594] : memref<6x64xi32, #tpu.memory_space<vmem>> -> memref<1x64xi32, #tpu.memory_space<vmem>>
      %dma_wait3A_596 = tpu.memref_squeeze %dma_wait3A_595 : memref<1x64xi32, #tpu.memory_space<vmem>> -> memref<64xi32, #tpu.memory_space<vmem>>
      %dma_wait3A_597 = arith.constant 0 : i32
      %dma_wait3A_598 = tpu.memref_slice %arg5[%dma_wait3A_597] : memref<204800xi32, #tpu.memory_space<hbm>> -> memref<64xi32, #tpu.memory_space<hbm>>
      %dma_wait3A_599 = arith.constant 0 : i32
      %dma_wait3A_600 = tpu.memref_slice %arg13[%dma_wait3A_593, %dma_wait3A_599] : memref<6x64xi32, #tpu.memory_space<vmem>> -> memref<1x64xi32, #tpu.memory_space<vmem>>
      %dma_wait3A_601 = tpu.memref_squeeze %dma_wait3A_600 : memref<1x64xi32, #tpu.memory_space<vmem>> -> memref<64xi32, #tpu.memory_space<vmem>>
      %dma_wait3A_602 = arith.constant 0 : i32
      %dma_wait3A_603 = tpu.memref_slice %arg5[%dma_wait3A_602] : memref<204800xi32, #tpu.memory_space<hbm>> -> memref<64xi32, #tpu.memory_space<hbm>>
      tpu.wait_dma2 semaphore(%arg29 : memref<!tpu.dma_semaphore, #tpu.memory_space<semaphore_mem>>) src(%dma_wait3A_603 : memref<64xi32, #tpu.memory_space<hbm>>) dst(%dma_wait3A_601 : memref<64xi32, #tpu.memory_space<vmem>>)
      %dma_wait3A_604 = arith.constant 1 : i32
      %dma_wait3A_605 = arith.constant 0 : i32
      %dma_wait3A_606 = tpu.memref_slice %arg13[%dma_wait3A_604, %dma_wait3A_605] : memref<6x64xi32, #tpu.memory_space<vmem>> -> memref<1x64xi32, #tpu.memory_space<vmem>>
      %dma_wait3A_607 = tpu.memref_squeeze %dma_wait3A_606 : memref<1x64xi32, #tpu.memory_space<vmem>> -> memref<64xi32, #tpu.memory_space<vmem>>
      %dma_wait3A_608 = arith.constant 0 : i32
      %dma_wait3A_609 = tpu.memref_slice %arg5[%dma_wait3A_608] : memref<204800xi32, #tpu.memory_space<hbm>> -> memref<64xi32, #tpu.memory_space<hbm>>
      %dma_wait3A_610 = arith.constant 0 : i32
      %dma_wait3A_611 = tpu.memref_slice %arg13[%dma_wait3A_604, %dma_wait3A_610] : memref<6x64xi32, #tpu.memory_space<vmem>> -> memref<1x64xi32, #tpu.memory_space<vmem>>
      %dma_wait3A_612 = tpu.memref_squeeze %dma_wait3A_611 : memref<1x64xi32, #tpu.memory_space<vmem>> -> memref<64xi32, #tpu.memory_space<vmem>>
      %dma_wait3A_613 = arith.constant 0 : i32
      %dma_wait3A_614 = tpu.memref_slice %arg5[%dma_wait3A_613] : memref<204800xi32, #tpu.memory_space<hbm>> -> memref<64xi32, #tpu.memory_space<hbm>>
      tpu.wait_dma2 semaphore(%arg29 : memref<!tpu.dma_semaphore, #tpu.memory_space<semaphore_mem>>) src(%dma_wait3A_614 : memref<64xi32, #tpu.memory_space<hbm>>) dst(%dma_wait3A_612 : memref<64xi32, #tpu.memory_space<vmem>>)
      %dma_wait3A_615 = arith.constant 2 : i32
      %dma_wait3A_616 = arith.constant 0 : i32
      %dma_wait3A_617 = tpu.memref_slice %arg13[%dma_wait3A_615, %dma_wait3A_616] : memref<6x64xi32, #tpu.memory_space<vmem>> -> memref<1x64xi32, #tpu.memory_space<vmem>>
      %dma_wait3A_618 = tpu.memref_squeeze %dma_wait3A_617 : memref<1x64xi32, #tpu.memory_space<vmem>> -> memref<64xi32, #tpu.memory_space<vmem>>
      %dma_wait3A_619 = arith.constant 0 : i32
      %dma_wait3A_620 = tpu.memref_slice %arg5[%dma_wait3A_619] : memref<204800xi32, #tpu.memory_space<hbm>> -> memref<64xi32, #tpu.memory_space<hbm>>
      %dma_wait3A_621 = arith.constant 0 : i32
      %dma_wait3A_622 = tpu.memref_slice %arg13[%dma_wait3A_615, %dma_wait3A_621] : memref<6x64xi32, #tpu.memory_space<vmem>> -> memref<1x64xi32, #tpu.memory_space<vmem>>
      %dma_wait3A_623 = tpu.memref_squeeze %dma_wait3A_622 : memref<1x64xi32, #tpu.memory_space<vmem>> -> memref<64xi32, #tpu.memory_space<vmem>>
      %dma_wait3A_624 = arith.constant 0 : i32
      %dma_wait3A_625 = tpu.memref_slice %arg5[%dma_wait3A_624] : memref<204800xi32, #tpu.memory_space<hbm>> -> memref<64xi32, #tpu.memory_space<hbm>>
      tpu.wait_dma2 semaphore(%arg29 : memref<!tpu.dma_semaphore, #tpu.memory_space<semaphore_mem>>) src(%dma_wait3A_625 : memref<64xi32, #tpu.memory_space<hbm>>) dst(%dma_wait3A_623 : memref<64xi32, #tpu.memory_space<vmem>>)
      %dma_wait3A_626 = arith.constant 3 : i32
      %dma_wait3A_627 = arith.constant 0 : i32
      %dma_wait3A_628 = tpu.memref_slice %arg13[%dma_wait3A_626, %dma_wait3A_627] : memref<6x64xi32, #tpu.memory_space<vmem>> -> memref<1x64xi32, #tpu.memory_space<vmem>>
      %dma_wait3A_629 = tpu.memref_squeeze %dma_wait3A_628 : memref<1x64xi32, #tpu.memory_space<vmem>> -> memref<64xi32, #tpu.memory_space<vmem>>
      %dma_wait3A_630 = arith.constant 0 : i32
      %dma_wait3A_631 = tpu.memref_slice %arg5[%dma_wait3A_630] : memref<204800xi32, #tpu.memory_space<hbm>> -> memref<64xi32, #tpu.memory_space<hbm>>
      %dma_wait3A_632 = arith.constant 0 : i32
      %dma_wait3A_633 = tpu.memref_slice %arg13[%dma_wait3A_626, %dma_wait3A_632] : memref<6x64xi32, #tpu.memory_space<vmem>> -> memref<1x64xi32, #tpu.memory_space<vmem>>
      %dma_wait3A_634 = tpu.memref_squeeze %dma_wait3A_633 : memref<1x64xi32, #tpu.memory_space<vmem>> -> memref<64xi32, #tpu.memory_space<vmem>>
      %dma_wait3A_635 = arith.constant 0 : i32
      %dma_wait3A_636 = tpu.memref_slice %arg5[%dma_wait3A_635] : memref<204800xi32, #tpu.memory_space<hbm>> -> memref<64xi32, #tpu.memory_space<hbm>>
      tpu.wait_dma2 semaphore(%arg29 : memref<!tpu.dma_semaphore, #tpu.memory_space<semaphore_mem>>) src(%dma_wait3A_636 : memref<64xi32, #tpu.memory_space<hbm>>) dst(%dma_wait3A_634 : memref<64xi32, #tpu.memory_space<vmem>>)
      %dma_wait3A_637 = arith.constant 4 : i32
      %dma_wait3A_638 = arith.constant 0 : i32
      %dma_wait3A_639 = tpu.memref_slice %arg13[%dma_wait3A_637, %dma_wait3A_638] : memref<6x64xi32, #tpu.memory_space<vmem>> -> memref<1x64xi32, #tpu.memory_space<vmem>>
      %dma_wait3A_640 = tpu.memref_squeeze %dma_wait3A_639 : memref<1x64xi32, #tpu.memory_space<vmem>> -> memref<64xi32, #tpu.memory_space<vmem>>
      %dma_wait3A_641 = arith.constant 0 : i32
      %dma_wait3A_642 = tpu.memref_slice %arg5[%dma_wait3A_641] : memref<204800xi32, #tpu.memory_space<hbm>> -> memref<64xi32, #tpu.memory_space<hbm>>
      %dma_wait3A_643 = arith.constant 0 : i32
      %dma_wait3A_644 = tpu.memref_slice %arg13[%dma_wait3A_637, %dma_wait3A_643] : memref<6x64xi32, #tpu.memory_space<vmem>> -> memref<1x64xi32, #tpu.memory_space<vmem>>
      %dma_wait3A_645 = tpu.memref_squeeze %dma_wait3A_644 : memref<1x64xi32, #tpu.memory_space<vmem>> -> memref<64xi32, #tpu.memory_space<vmem>>
      %dma_wait3A_646 = arith.constant 0 : i32
      %dma_wait3A_647 = tpu.memref_slice %arg5[%dma_wait3A_646] : memref<204800xi32, #tpu.memory_space<hbm>> -> memref<64xi32, #tpu.memory_space<hbm>>
      tpu.wait_dma2 semaphore(%arg29 : memref<!tpu.dma_semaphore, #tpu.memory_space<semaphore_mem>>) src(%dma_wait3A_647 : memref<64xi32, #tpu.memory_space<hbm>>) dst(%dma_wait3A_645 : memref<64xi32, #tpu.memory_space<vmem>>)
      %dma_wait3A_648 = arith.constant 5 : i32
      %dma_wait3A_649 = arith.constant 0 : i32
      %dma_wait3A_650 = tpu.memref_slice %arg13[%dma_wait3A_648, %dma_wait3A_649] : memref<6x64xi32, #tpu.memory_space<vmem>> -> memref<1x64xi32, #tpu.memory_space<vmem>>
      %dma_wait3A_651 = tpu.memref_squeeze %dma_wait3A_650 : memref<1x64xi32, #tpu.memory_space<vmem>> -> memref<64xi32, #tpu.memory_space<vmem>>
      %dma_wait3A_652 = arith.constant 0 : i32
      %dma_wait3A_653 = tpu.memref_slice %arg5[%dma_wait3A_652] : memref<204800xi32, #tpu.memory_space<hbm>> -> memref<64xi32, #tpu.memory_space<hbm>>
      %dma_wait3A_654 = arith.constant 0 : i32
      %dma_wait3A_655 = tpu.memref_slice %arg13[%dma_wait3A_648, %dma_wait3A_654] : memref<6x64xi32, #tpu.memory_space<vmem>> -> memref<1x64xi32, #tpu.memory_space<vmem>>
      %dma_wait3A_656 = tpu.memref_squeeze %dma_wait3A_655 : memref<1x64xi32, #tpu.memory_space<vmem>> -> memref<64xi32, #tpu.memory_space<vmem>>
      %dma_wait3A_657 = arith.constant 0 : i32
      %dma_wait3A_658 = tpu.memref_slice %arg5[%dma_wait3A_657] : memref<204800xi32, #tpu.memory_space<hbm>> -> memref<64xi32, #tpu.memory_space<hbm>>
      tpu.wait_dma2 semaphore(%arg29 : memref<!tpu.dma_semaphore, #tpu.memory_space<semaphore_mem>>) src(%dma_wait3A_658 : memref<64xi32, #tpu.memory_space<hbm>>) dst(%dma_wait3A_656 : memref<64xi32, #tpu.memory_space<vmem>>)
      %get3A_659 = arith.constant 1 : i32
      %get3A_660 = arith.index_cast %get3A_659 : i32 to index
      %get3A_661 = arith.constant 0 : index
      %get3A_662 = tpu.vector_load %arg13[%get3A_660, %get3A_661] {strides = array<i32>} : memref<6x64xi32, #tpu.memory_space<vmem>>, vector<1x16xi32>,
      %get3A_663 = vector.shape_cast %get3A_662 : vector<1x16xi32> to vector<16xi32>
      %mul3A_664 = arith.constant 15 : i32
      %mul3A_665 = vector.broadcast %mul3A_664 : i32 to vector<16xi32>
      %mul3A_666 = arith.muli %get3A_663, %mul3A_665 : vector<16xi32>
      %get3A_667 = arith.constant 2 : i32
      %get3A_668 = arith.index_cast %get3A_667 : i32 to index
      %get3A_669 = arith.constant 0 : index
      %get3A_670 = tpu.vector_load %arg13[%get3A_668, %get3A_669] {strides = array<i32>} : memref<6x64xi32, #tpu.memory_space<vmem>>, vector<1x16xi32>,
      %get3A_671 = vector.shape_cast %get3A_670 : vector<1x16xi32> to vector<16xi32>
      %add3A_672 = arith.addi %mul3A_666, %get3A_671 : vector<16xi32>
      %mul3A_673 = arith.constant 15 : i32
      %mul3A_674 = vector.broadcast %mul3A_673 : i32 to vector<16xi32>
      %mul3A_675 = arith.muli %add3A_672, %mul3A_674 : vector<16xi32>
      %get3A_676 = arith.constant 5 : i32
      %get3A_677 = arith.index_cast %get3A_676 : i32 to index
      %get3A_678 = arith.constant 0 : index
      %get3A_679 = tpu.vector_load %arg13[%get3A_677, %get3A_678] {strides = array<i32>} : memref<6x64xi32, #tpu.memory_space<vmem>>, vector<1x16xi32>,
      %get3A_680 = vector.shape_cast %get3A_679 : vector<1x16xi32> to vector<16xi32>
      %add3A_681 = arith.addi %mul3A_675, %get3A_680 : vector<16xi32>
      %add3A_682 = arith.addi %add3A_681, %mul3A_8 : vector<16xi32>
      %swap3A_683 = arith.constant 1 : i32
      %swap3A_684 = arith.index_cast %swap3A_683 : i32 to index
      %swap3A_685 = arith.constant 0 : index
      %swap3A_686 = tpu.vector_load %arg13[%swap3A_684, %swap3A_685] {strides = array<i32>} : memref<6x64xi32, #tpu.memory_space<vmem>>, vector<1x16xi32>,
      %swap3A_687 = vector.shape_cast %swap3A_686 : vector<1x16xi32> to vector<16xi32>
      %swap3A_688 = vector.shape_cast %add3A_682 : vector<16xi32> to vector<1x16xi32>
      tpu.vector_store %arg13[%swap3A_684, %swap3A_685], %swap3A_688 {strides = array<i32>} : memref<6x64xi32, #tpu.memory_space<vmem>>, vector<1x16xi32>,
      %get3A_689 = arith.constant 3 : i32
      %get3A_690 = arith.index_cast %get3A_689 : i32 to index
      %get3A_691 = arith.constant 0 : index
      %get3A_692 = tpu.vector_load %arg13[%get3A_690, %get3A_691] {strides = array<i32>} : memref<6x64xi32, #tpu.memory_space<vmem>>, vector<1x16xi32>,
      %get3A_693 = vector.shape_cast %get3A_692 : vector<1x16xi32> to vector<16xi32>
      %mul3A_694 = arith.constant 200 : i32
      %mul3A_695 = vector.broadcast %mul3A_694 : i32 to vector<16xi32>
      %mul3A_696 = arith.muli %get3A_693, %mul3A_695 : vector<16xi32>
      %get3A_697 = arith.constant 4 : i32
      %get3A_698 = arith.index_cast %get3A_697 : i32 to index
      %get3A_699 = arith.constant 0 : index
      %get3A_700 = tpu.vector_load %arg13[%get3A_698, %get3A_699] {strides = array<i32>} : memref<6x64xi32, #tpu.memory_space<vmem>>, vector<1x16xi32>,
      %get3A_701 = vector.shape_cast %get3A_700 : vector<1x16xi32> to vector<16xi32>
      %add3A_702 = arith.addi %mul3A_696, %get3A_701 : vector<16xi32>
      %add3A_703 = arith.addi %add3A_702, %mul3A_14 : vector<16xi32>
      %swap3A_704 = arith.constant 3 : i32
      %swap3A_705 = arith.index_cast %swap3A_704 : i32 to index
      %swap3A_706 = arith.constant 0 : index
      %swap3A_707 = tpu.vector_load %arg13[%swap3A_705, %swap3A_706] {strides = array<i32>} : memref<6x64xi32, #tpu.memory_space<vmem>>, vector<1x16xi32>,
      %swap3A_708 = vector.shape_cast %swap3A_707 : vector<1x16xi32> to vector<16xi32>
      %swap3A_709 = vector.shape_cast %add3A_703 : vector<16xi32> to vector<1x16xi32>
      tpu.vector_store %arg13[%swap3A_705, %swap3A_706], %swap3A_709 {strides = array<i32>} : memref<6x64xi32, #tpu.memory_space<vmem>>, vector<1x16xi32>,
      %get3A_710 = arith.constant 1 : i32
      %get3A_711 = arith.index_cast %get3A_710 : i32 to index
      %get3A_712 = arith.constant 16 : index
      %get3A_713 = tpu.vector_load %arg13[%get3A_711, %get3A_712] {strides = array<i32>} : memref<6x64xi32, #tpu.memory_space<vmem>>, vector<1x16xi32>,
      %get3A_714 = vector.shape_cast %get3A_713 : vector<1x16xi32> to vector<16xi32>
      %mul3A_715 = arith.constant 15 : i32
      %mul3A_716 = vector.broadcast %mul3A_715 : i32 to vector<16xi32>
      %mul3A_717 = arith.muli %get3A_714, %mul3A_716 : vector<16xi32>
      %get3A_718 = arith.constant 2 : i32
      %get3A_719 = arith.index_cast %get3A_718 : i32 to index
      %get3A_720 = arith.constant 16 : index
      %get3A_721 = tpu.vector_load %arg13[%get3A_719, %get3A_720] {strides = array<i32>} : memref<6x64xi32, #tpu.memory_space<vmem>>, vector<1x16xi32>,
      %get3A_722 = vector.shape_cast %get3A_721 : vector<1x16xi32> to vector<16xi32>
      %add3A_723 = arith.addi %mul3A_717, %get3A_722 : vector<16xi32>
      %mul3A_724 = arith.constant 15 : i32
      %mul3A_725 = vector.broadcast %mul3A_724 : i32 to vector<16xi32>
      %mul3A_726 = arith.muli %add3A_723, %mul3A_725 : vector<16xi32>
      %get3A_727 = arith.constant 5 : i32
      %get3A_728 = arith.index_cast %get3A_727 : i32 to index
      %get3A_729 = arith.constant 16 : index
      %get3A_730 = tpu.vector_load %arg13[%get3A_728, %get3A_729] {strides = array<i32>} : memref<6x64xi32, #tpu.memory_space<vmem>>, vector<1x16xi32>,
      %get3A_731 = vector.shape_cast %get3A_730 : vector<1x16xi32> to vector<16xi32>
      %add3A_732 = arith.addi %mul3A_726, %get3A_731 : vector<16xi32>
      %add3A_733 = arith.addi %add3A_732, %mul3A_8 : vector<16xi32>
      %swap3A_734 = arith.constant 1 : i32
      %swap3A_735 = arith.index_cast %swap3A_734 : i32 to index
      %swap3A_736 = arith.constant 16 : index
      %swap3A_737 = tpu.vector_load %arg13[%swap3A_735, %swap3A_736] {strides = array<i32>} : memref<6x64xi32, #tpu.memory_space<vmem>>, vector<1x16xi32>,
      %swap3A_738 = vector.shape_cast %swap3A_737 : vector<1x16xi32> to vector<16xi32>
      %swap3A_739 = vector.shape_cast %add3A_733 : vector<16xi32> to vector<1x16xi32>
      tpu.vector_store %arg13[%swap3A_735, %swap3A_736], %swap3A_739 {strides = array<i32>} : memref<6x64xi32, #tpu.memory_space<vmem>>, vector<1x16xi32>,
      %get3A_740 = arith.constant 3 : i32
      %get3A_741 = arith.index_cast %get3A_740 : i32 to index
      %get3A_742 = arith.constant 16 : index
      %get3A_743 = tpu.vector_load %arg13[%get3A_741, %get3A_742] {strides = array<i32>} : memref<6x64xi32, #tpu.memory_space<vmem>>, vector<1x16xi32>,
      %get3A_744 = vector.shape_cast %get3A_743 : vector<1x16xi32> to vector<16xi32>
      %mul3A_745 = arith.constant 200 : i32
      %mul3A_746 = vector.broadcast %mul3A_745 : i32 to vector<16xi32>
      %mul3A_747 = arith.muli %get3A_744, %mul3A_746 : vector<16xi32>
      %get3A_748 = arith.constant 4 : i32
      %get3A_749 = arith.index_cast %get3A_748 : i32 to index
      %get3A_750 = arith.constant 16 : index
      %get3A_751 = tpu.vector_load %arg13[%get3A_749, %get3A_750] {strides = array<i32>} : memref<6x64xi32, #tpu.memory_space<vmem>>, vector<1x16xi32>,
      %get3A_752 = vector.shape_cast %get3A_751 : vector<1x16xi32> to vector<16xi32>
      %add3A_753 = arith.addi %mul3A_747, %get3A_752 : vector<16xi32>
      %add3A_754 = arith.addi %add3A_753, %mul3A_14 : vector<16xi32>
      %swap3A_755 = arith.constant 3 : i32
      %swap3A_756 = arith.index_cast %swap3A_755 : i32 to index
      %swap3A_757 = arith.constant 16 : index
      %swap3A_758 = tpu.vector_load %arg13[%swap3A_756, %swap3A_757] {strides = array<i32>} : memref<6x64xi32, #tpu.memory_space<vmem>>, vector<1x16xi32>,
      %swap3A_759 = vector.shape_cast %swap3A_758 : vector<1x16xi32> to vector<16xi32>
      %swap3A_760 = vector.shape_cast %add3A_754 : vector<16xi32> to vector<1x16xi32>
      tpu.vector_store %arg13[%swap3A_756, %swap3A_757], %swap3A_760 {strides = array<i32>} : memref<6x64xi32, #tpu.memory_space<vmem>>, vector<1x16xi32>,
      %get3A_761 = arith.constant 1 : i32
      %get3A_762 = arith.index_cast %get3A_761 : i32 to index
      %get3A_763 = arith.constant 32 : index
      %get3A_764 = tpu.vector_load %arg13[%get3A_762, %get3A_763] {strides = array<i32>} : memref<6x64xi32, #tpu.memory_space<vmem>>, vector<1x16xi32>,
      %get3A_765 = vector.shape_cast %get3A_764 : vector<1x16xi32> to vector<16xi32>
      %mul3A_766 = arith.constant 15 : i32
      %mul3A_767 = vector.broadcast %mul3A_766 : i32 to vector<16xi32>
      %mul3A_768 = arith.muli %get3A_765, %mul3A_767 : vector<16xi32>
      %get3A_769 = arith.constant 2 : i32
      %get3A_770 = arith.index_cast %get3A_769 : i32 to index
      %get3A_771 = arith.constant 32 : index
      %get3A_772 = tpu.vector_load %arg13[%get3A_770, %get3A_771] {strides = array<i32>} : memref<6x64xi32, #tpu.memory_space<vmem>>, vector<1x16xi32>,
      %get3A_773 = vector.shape_cast %get3A_772 : vector<1x16xi32> to vector<16xi32>
      %add3A_774 = arith.addi %mul3A_768, %get3A_773 : vector<16xi32>
      %mul3A_775 = arith.constant 15 : i32
      %mul3A_776 = vector.broadcast %mul3A_775 : i32 to vector<16xi32>
      %mul3A_777 = arith.muli %add3A_774, %mul3A_776 : vector<16xi32>
      %get3A_778 = arith.constant 5 : i32
      %get3A_779 = arith.index_cast %get3A_778 : i32 to index
      %get3A_780 = arith.constant 32 : index
      %get3A_781 = tpu.vector_load %arg13[%get3A_779, %get3A_780] {strides = array<i32>} : memref<6x64xi32, #tpu.memory_space<vmem>>, vector<1x16xi32>,
      %get3A_782 = vector.shape_cast %get3A_781 : vector<1x16xi32> to vector<16xi32>
      %add3A_783 = arith.addi %mul3A_777, %get3A_782 : vector<16xi32>
      %add3A_784 = arith.addi %add3A_783, %mul3A_8 : vector<16xi32>
      %swap3A_785 = arith.constant 1 : i32
      %swap3A_786 = arith.index_cast %swap3A_785 : i32 to index
      %swap3A_787 = arith.constant 32 : index
      %swap3A_788 = tpu.vector_load %arg13[%swap3A_786, %swap3A_787] {strides = array<i32>} : memref<6x64xi32, #tpu.memory_space<vmem>>, vector<1x16xi32>,
      %swap3A_789 = vector.shape_cast %swap3A_788 : vector<1x16xi32> to vector<16xi32>
      %swap3A_790 = vector.shape_cast %add3A_784 : vector<16xi32> to vector<1x16xi32>
      tpu.vector_store %arg13[%swap3A_786, %swap3A_787], %swap3A_790 {strides = array<i32>} : memref<6x64xi32, #tpu.memory_space<vmem>>, vector<1x16xi32>,
      %get3A_791 = arith.constant 3 : i32
      %get3A_792 = arith.index_cast %get3A_791 : i32 to index
      %get3A_793 = arith.constant 32 : index
      %get3A_794 = tpu.vector_load %arg13[%get3A_792, %get3A_793] {strides = array<i32>} : memref<6x64xi32, #tpu.memory_space<vmem>>, vector<1x16xi32>,
      %get3A_795 = vector.shape_cast %get3A_794 : vector<1x16xi32> to vector<16xi32>
      %mul3A_796 = arith.constant 200 : i32
      %mul3A_797 = vector.broadcast %mul3A_796 : i32 to vector<16xi32>
      %mul3A_798 = arith.muli %get3A_795, %mul3A_797 : vector<16xi32>
      %get3A_799 = arith.constant 4 : i32
      %get3A_800 = arith.index_cast %get3A_799 : i32 to index
      %get3A_801 = arith.constant 32 : index
      %get3A_802 = tpu.vector_load %arg13[%get3A_800, %get3A_801] {strides = array<i32>} : memref<6x64xi32, #tpu.memory_space<vmem>>, vector<1x16xi32>,
      %get3A_803 = vector.shape_cast %get3A_802 : vector<1x16xi32> to vector<16xi32>
      %add3A_804 = arith.addi %mul3A_798, %get3A_803 : vector<16xi32>
      %add3A_805 = arith.addi %add3A_804, %mul3A_14 : vector<16xi32>
      %swap3A_806 = arith.constant 3 : i32
      %swap3A_807 = arith.index_cast %swap3A_806 : i32 to index
      %swap3A_808 = arith.constant 32 : index
      %swap3A_809 = tpu.vector_load %arg13[%swap3A_807, %swap3A_808] {strides = array<i32>} : memref<6x64xi32, #tpu.memory_space<vmem>>, vector<1x16xi32>,
      %swap3A_810 = vector.shape_cast %swap3A_809 : vector<1x16xi32> to vector<16xi32>
      %swap3A_811 = vector.shape_cast %add3A_805 : vector<16xi32> to vector<1x16xi32>
      tpu.vector_store %arg13[%swap3A_807, %swap3A_808], %swap3A_811 {strides = array<i32>} : memref<6x64xi32, #tpu.memory_space<vmem>>, vector<1x16xi32>,
      %get3A_812 = arith.constant 1 : i32
      %get3A_813 = arith.index_cast %get3A_812 : i32 to index
      %get3A_814 = arith.constant 48 : index
      %get3A_815 = tpu.vector_load %arg13[%get3A_813, %get3A_814] {strides = array<i32>} : memref<6x64xi32, #tpu.memory_space<vmem>>, vector<1x16xi32>,
      %get3A_816 = vector.shape_cast %get3A_815 : vector<1x16xi32> to vector<16xi32>
      %mul3A_817 = arith.constant 15 : i32
      %mul3A_818 = vector.broadcast %mul3A_817 : i32 to vector<16xi32>
      %mul3A_819 = arith.muli %get3A_816, %mul3A_818 : vector<16xi32>
      %get3A_820 = arith.constant 2 : i32
      %get3A_821 = arith.index_cast %get3A_820 : i32 to index
      %get3A_822 = arith.constant 48 : index
      %get3A_823 = tpu.vector_load %arg13[%get3A_821, %get3A_822] {strides = array<i32>} : memref<6x64xi32, #tpu.memory_space<vmem>>, vector<1x16xi32>,
      %get3A_824 = vector.shape_cast %get3A_823 : vector<1x16xi32> to vector<16xi32>
      %add3A_825 = arith.addi %mul3A_819, %get3A_824 : vector<16xi32>
      %mul3A_826 = arith.constant 15 : i32
      %mul3A_827 = vector.broadcast %mul3A_826 : i32 to vector<16xi32>
      %mul3A_828 = arith.muli %add3A_825, %mul3A_827 : vector<16xi32>
      %get3A_829 = arith.constant 5 : i32
      %get3A_830 = arith.index_cast %get3A_829 : i32 to index
      %get3A_831 = arith.constant 48 : index
      %get3A_832 = tpu.vector_load %arg13[%get3A_830, %get3A_831] {strides = array<i32>} : memref<6x64xi32, #tpu.memory_space<vmem>>, vector<1x16xi32>,
      %get3A_833 = vector.shape_cast %get3A_832 : vector<1x16xi32> to vector<16xi32>
      %add3A_834 = arith.addi %mul3A_828, %get3A_833 : vector<16xi32>
      %add3A_835 = arith.addi %add3A_834, %mul3A_8 : vector<16xi32>
      %swap3A_836 = arith.constant 1 : i32
      %swap3A_837 = arith.index_cast %swap3A_836 : i32 to index
      %swap3A_838 = arith.constant 48 : index
      %swap3A_839 = tpu.vector_load %arg13[%swap3A_837, %swap3A_838] {strides = array<i32>} : memref<6x64xi32, #tpu.memory_space<vmem>>, vector<1x16xi32>,
      %swap3A_840 = vector.shape_cast %swap3A_839 : vector<1x16xi32> to vector<16xi32>
      %swap3A_841 = vector.shape_cast %add3A_835 : vector<16xi32> to vector<1x16xi32>
      tpu.vector_store %arg13[%swap3A_837, %swap3A_838], %swap3A_841 {strides = array<i32>} : memref<6x64xi32, #tpu.memory_space<vmem>>, vector<1x16xi32>,
      %get3A_842 = arith.constant 3 : i32
      %get3A_843 = arith.index_cast %get3A_842 : i32 to index
      %get3A_844 = arith.constant 48 : index
      %get3A_845 = tpu.vector_load %arg13[%get3A_843, %get3A_844] {strides = array<i32>} : memref<6x64xi32, #tpu.memory_space<vmem>>, vector<1x16xi32>,
      %get3A_846 = vector.shape_cast %get3A_845 : vector<1x16xi32> to vector<16xi32>
      %mul3A_847 = arith.constant 200 : i32
      %mul3A_848 = vector.broadcast %mul3A_847 : i32 to vector<16xi32>
      %mul3A_849 = arith.muli %get3A_846, %mul3A_848 : vector<16xi32>
      %get3A_850 = arith.constant 4 : i32
      %get3A_851 = arith.index_cast %get3A_850 : i32 to index
      %get3A_852 = arith.constant 48 : index
      %get3A_853 = tpu.vector_load %arg13[%get3A_851, %get3A_852] {strides = array<i32>} : memref<6x64xi32, #tpu.memory_space<vmem>>, vector<1x16xi32>,
      %get3A_854 = vector.shape_cast %get3A_853 : vector<1x16xi32> to vector<16xi32>
      %add3A_855 = arith.addi %mul3A_849, %get3A_854 : vector<16xi32>
      %add3A_856 = arith.addi %add3A_855, %mul3A_14 : vector<16xi32>
      %swap3A_857 = arith.constant 3 : i32
      %swap3A_858 = arith.index_cast %swap3A_857 : i32 to index
      %swap3A_859 = arith.constant 48 : index
      %swap3A_860 = tpu.vector_load %arg13[%swap3A_858, %swap3A_859] {strides = array<i32>} : memref<6x64xi32, #tpu.memory_space<vmem>>, vector<1x16xi32>,
      %swap3A_861 = vector.shape_cast %swap3A_860 : vector<1x16xi32> to vector<16xi32>
      %swap3A_862 = vector.shape_cast %add3A_856 : vector<16xi32> to vector<1x16xi32>
      tpu.vector_store %arg13[%swap3A_858, %swap3A_859], %swap3A_862 {strides = array<i32>} : memref<6x64xi32, #tpu.memory_space<vmem>>, vector<1x16xi32>,
      %dma_start3A_863 = arith.constant 0 : i32
      %dma_start3A_864 = arith.constant 0 : i32
      %dma_start3A_865 = tpu.memref_slice %arg13[%dma_start3A_863, %dma_start3A_864] : memref<6x64xi32, #tpu.memory_space<vmem>> -> memref<1x64xi32, #tpu.memory_space<vmem>>
      %dma_start3A_866 = tpu.memref_squeeze %dma_start3A_865 : memref<1x64xi32, #tpu.memory_space<vmem>> -> memref<64xi32, #tpu.memory_space<vmem>>
      %dma_start3A_867 = arith.constant 0 : i32
      %dma_start3A_868 = arith.constant 0 : i32
      %dma_start3A_869 = tpu.memref_slice %arg2[%dma_start3A_867, %dma_start3A_868] : memref<100000x128xf32, #tpu.memory_space<hbm>> -> memref<100000x128xf32, #tpu.memory_space<hbm>>
      tpu.enqueue_indirect_dma source(%dma_start3A_869 : memref<100000x128xf32, #tpu.memory_space<hbm>>) target(%arg17 : memref<64x128xf32, #tpu.memory_space<vmem>>) offsets(%dma_start3A_866 : memref<64xi32, #tpu.memory_space<vmem>>) semaphore(%arg21 : memref<!tpu.dma_semaphore, #tpu.memory_space<semaphore_mem>>) {add = true}
      %dma_start3A_870 = arith.constant 1 : i32
      %dma_start3A_871 = arith.constant 0 : i32
      %dma_start3A_872 = tpu.memref_slice %arg13[%dma_start3A_870, %dma_start3A_871] : memref<6x64xi32, #tpu.memory_space<vmem>> -> memref<1x64xi32, #tpu.memory_space<vmem>>
      %dma_start3A_873 = tpu.memref_squeeze %dma_start3A_872 : memref<1x64xi32, #tpu.memory_space<vmem>> -> memref<64xi32, #tpu.memory_space<vmem>>
      %dma_start3A_874 = arith.constant 0 : i32
      %dma_start3A_875 = arith.constant 0 : i32
      %dma_start3A_876 = tpu.memref_slice %arg3[%dma_start3A_874, %dma_start3A_875] : memref<13500x128xf32, #tpu.memory_space<hbm>> -> memref<13500x128xf32, #tpu.memory_space<hbm>>
      tpu.enqueue_indirect_dma source(%dma_start3A_876 : memref<13500x128xf32, #tpu.memory_space<hbm>>) target(%arg17 : memref<64x128xf32, #tpu.memory_space<vmem>>) offsets(%dma_start3A_873 : memref<64xi32, #tpu.memory_space<vmem>>) semaphore(%arg21 : memref<!tpu.dma_semaphore, #tpu.memory_space<semaphore_mem>>) {add = true}
      %dma_start3A_877 = arith.constant 3 : i32
      %dma_start3A_878 = arith.constant 0 : i32
      %dma_start3A_879 = tpu.memref_slice %arg13[%dma_start3A_877, %dma_start3A_878] : memref<6x64xi32, #tpu.memory_space<vmem>> -> memref<1x64xi32, #tpu.memory_space<vmem>>
      %dma_start3A_880 = tpu.memref_squeeze %dma_start3A_879 : memref<1x64xi32, #tpu.memory_space<vmem>> -> memref<64xi32, #tpu.memory_space<vmem>>
      %dma_start3A_881 = arith.constant 0 : i32
      %dma_start3A_882 = arith.constant 0 : i32
      %dma_start3A_883 = tpu.memref_slice %arg4[%dma_start3A_881, %dma_start3A_882] : memref<4800x128xf32, #tpu.memory_space<hbm>> -> memref<4800x128xf32, #tpu.memory_space<hbm>>
      tpu.enqueue_indirect_dma source(%dma_start3A_883 : memref<4800x128xf32, #tpu.memory_space<hbm>>) target(%arg17 : memref<64x128xf32, #tpu.memory_space<vmem>>) offsets(%dma_start3A_880 : memref<64xi32, #tpu.memory_space<vmem>>) semaphore(%arg21 : memref<!tpu.dma_semaphore, #tpu.memory_space<semaphore_mem>>) {add = true}
      %ge3A_884 = arith.constant 1 : i32
      %ge3A_885 = arith.cmpi sge, %add3A_581, %ge3A_884 : i32
      %convert_element_type3A_886 = arith.extui %ge3A_885 : i1 to i32
      %cond3A_887 = arith.constant 0 : i32
      %cond3A_888 = arith.cmpi ne, %convert_element_type3A_886, %cond3A_887 : i32
      scf.if %cond3A_888 {
        %dma_wait3A_1538 = arith.constant 0 : i32
        %dma_wait3A_1539 = arith.constant 0 : i32
        %dma_wait3A_1540 = tpu.memref_slice %arg11[%dma_wait3A_1538, %dma_wait3A_1539] : memref<204800x128xf32, #tpu.memory_space<hbm>> -> memref<64x128xf32, #tpu.memory_space<hbm>>
        %dma_wait3A_1541 = arith.constant 0 : i32
        %dma_wait3A_1542 = arith.constant 0 : i32
        %dma_wait3A_1543 = tpu.memref_slice %arg11[%dma_wait3A_1541, %dma_wait3A_1542] : memref<204800x128xf32, #tpu.memory_space<hbm>> -> memref<64x128xf32, #tpu.memory_space<hbm>>
        tpu.wait_dma2 semaphore(%arg20 : memref<!tpu.dma_semaphore, #tpu.memory_space<semaphore_mem>>) src(%dma_wait3A_1543 : memref<64x128xf32, #tpu.memory_space<hbm>>) dst(%arg16 : memref<64x128xf32, #tpu.memory_space<vmem>>)
        %dma_wait3A_1544 = arith.constant 0 : i32
        %dma_wait3A_1545 = arith.constant 0 : i32
        %dma_wait3A_1546 = tpu.memref_slice %arg11[%dma_wait3A_1544, %dma_wait3A_1545] : memref<204800x128xf32, #tpu.memory_space<hbm>> -> memref<64x128xf32, #tpu.memory_space<hbm>>
        %dma_wait3A_1547 = arith.constant 0 : i32
        %dma_wait3A_1548 = arith.constant 0 : i32
        %dma_wait3A_1549 = tpu.memref_slice %arg11[%dma_wait3A_1547, %dma_wait3A_1548] : memref<204800x128xf32, #tpu.memory_space<hbm>> -> memref<64x128xf32, #tpu.memory_space<hbm>>
        tpu.wait_dma2 semaphore(%arg20 : memref<!tpu.dma_semaphore, #tpu.memory_space<semaphore_mem>>) src(%dma_wait3A_1549 : memref<64x128xf32, #tpu.memory_space<hbm>>) dst(%arg16 : memref<64x128xf32, #tpu.memory_space<vmem>>)
        %dma_wait3A_1550 = arith.constant 0 : i32
        %dma_wait3A_1551 = arith.constant 0 : i32
        %dma_wait3A_1552 = tpu.memref_slice %arg11[%dma_wait3A_1550, %dma_wait3A_1551] : memref<204800x128xf32, #tpu.memory_space<hbm>> -> memref<64x128xf32, #tpu.memory_space<hbm>>
        %dma_wait3A_1553 = arith.constant 0 : i32
        %dma_wait3A_1554 = arith.constant 0 : i32
        %dma_wait3A_1555 = tpu.memref_slice %arg11[%dma_wait3A_1553, %dma_wait3A_1554] : memref<204800x128xf32, #tpu.memory_space<hbm>> -> memref<64x128xf32, #tpu.memory_space<hbm>>
        tpu.wait_dma2 semaphore(%arg20 : memref<!tpu.dma_semaphore, #tpu.memory_space<semaphore_mem>>) src(%dma_wait3A_1555 : memref<64x128xf32, #tpu.memory_space<hbm>>) dst(%arg16 : memref<64x128xf32, #tpu.memory_space<vmem>>)
        %sub3A_1556 = arith.constant 1 : i32
        %sub3A_1557 = arith.subi %add3A_581, %sub3A_1556 : i32
        %mul3A_1558 = arith.constant 64 : i32
        %mul3A_1559 = arith.muli %sub3A_1557, %mul3A_1558 : i32
        %add3A_1560 = arith.addi %mul3A_2, %mul3A_1559 : i32
        %dma_start3A_1561 = arith.constant 0 : i32
        %dma_start3A_1562 = tpu.memref_slice %arg11[%add3A_1560, %dma_start3A_1561] : memref<204800x128xf32, #tpu.memory_space<hbm>> -> memref<64x128xf32, #tpu.memory_space<hbm>>
        %dma_start3A_1563 = arith.constant 0 : i32
        %dma_start3A_1564 = tpu.memref_slice %arg11[%add3A_1560, %dma_start3A_1563] : memref<204800x128xf32, #tpu.memory_space<hbm>> -> memref<64x128xf32, #tpu.memory_space<hbm>>
        tpu.enqueue_dma source(%arg16 : memref<64x128xf32, #tpu.memory_space<vmem>>) target(%dma_start3A_1564 : memref<64x128xf32, #tpu.memory_space<hbm>>) target_semaphore(%arg24 : memref<!tpu.dma_semaphore, #tpu.memory_space<semaphore_mem>>)
      } else {
      }
      %add3A_889 = arith.constant 4 : i32
      %add3A_890 = arith.addi %add3A_581, %add3A_889 : i32
      %sub3A_891 = arith.constant 1 : i32
      %sub3A_892 = arith.subi %add3A_890, %sub3A_891 : i32
      %lt3A_893 = arith.constant 100 : i32
      %lt3A_894 = arith.cmpi slt, %sub3A_892, %lt3A_893 : i32
      %convert_element_type3A_895 = arith.extui %lt3A_894 : i1 to i32
      %cond3A_896 = arith.constant 0 : i32
      %cond3A_897 = arith.cmpi ne, %convert_element_type3A_895, %cond3A_896 : i32
      scf.if %cond3A_897 {
        %add3A_1538 = arith.constant 4 : i32
        %add3A_1539 = arith.addi %add3A_581, %add3A_1538 : i32
        %sub3A_1540 = arith.constant 1 : i32
        %sub3A_1541 = arith.subi %add3A_1539, %sub3A_1540 : i32
        %mul3A_1542 = arith.constant 64 : i32
        %mul3A_1543 = arith.muli %sub3A_1541, %mul3A_1542 : i32
        %add3A_1544 = arith.addi %mul3A_2, %mul3A_1543 : i32
        %dma_start3A_1545 = arith.constant 0 : i32
        %dma_start3A_1546 = arith.constant 0 : i32
        %dma_start3A_1547 = tpu.memref_slice %arg12[%dma_start3A_1545, %dma_start3A_1546] : memref<6x64xi32, #tpu.memory_space<vmem>> -> memref<1x64xi32, #tpu.memory_space<vmem>>
        %dma_start3A_1548 = tpu.memref_squeeze %dma_start3A_1547 : memref<1x64xi32, #tpu.memory_space<vmem>> -> memref<64xi32, #tpu.memory_space<vmem>>
        %dma_start3A_1549 = tpu.memref_slice %arg5[%add3A_1544] : memref<204800xi32, #tpu.memory_space<hbm>> -> memref<64xi32, #tpu.memory_space<hbm>>
        %dma_start3A_1550 = arith.constant 0 : i32
        %dma_start3A_1551 = tpu.memref_slice %arg12[%dma_start3A_1545, %dma_start3A_1550] : memref<6x64xi32, #tpu.memory_space<vmem>> -> memref<1x64xi32, #tpu.memory_space<vmem>>
        %dma_start3A_1552 = tpu.memref_squeeze %dma_start3A_1551 : memref<1x64xi32, #tpu.memory_space<vmem>> -> memref<64xi32, #tpu.memory_space<vmem>>
        %dma_start3A_1553 = tpu.memref_slice %arg5[%add3A_1544] : memref<204800xi32, #tpu.memory_space<hbm>> -> memref<64xi32, #tpu.memory_space<hbm>>
        tpu.enqueue_dma source(%dma_start3A_1553 : memref<64xi32, #tpu.memory_space<hbm>>) target(%dma_start3A_1552 : memref<64xi32, #tpu.memory_space<vmem>>) target_semaphore(%arg28 : memref<!tpu.dma_semaphore, #tpu.memory_space<semaphore_mem>>)
        %mul3A_1554 = arith.constant 64 : i32
        %mul3A_1555 = arith.muli %sub3A_1541, %mul3A_1554 : i32
        %add3A_1556 = arith.addi %mul3A_2, %mul3A_1555 : i32
        %dma_start3A_1557 = arith.constant 1 : i32
        %dma_start3A_1558 = arith.constant 0 : i32
        %dma_start3A_1559 = tpu.memref_slice %arg12[%dma_start3A_1557, %dma_start3A_1558] : memref<6x64xi32, #tpu.memory_space<vmem>> -> memref<1x64xi32, #tpu.memory_space<vmem>>
        %dma_start3A_1560 = tpu.memref_squeeze %dma_start3A_1559 : memref<1x64xi32, #tpu.memory_space<vmem>> -> memref<64xi32, #tpu.memory_space<vmem>>
        %dma_start3A_1561 = tpu.memref_slice %arg6[%add3A_1556] : memref<204800xi32, #tpu.memory_space<hbm>> -> memref<64xi32, #tpu.memory_space<hbm>>
        %dma_start3A_1562 = arith.constant 0 : i32
        %dma_start3A_1563 = tpu.memref_slice %arg12[%dma_start3A_1557, %dma_start3A_1562] : memref<6x64xi32, #tpu.memory_space<vmem>> -> memref<1x64xi32, #tpu.memory_space<vmem>>
        %dma_start3A_1564 = tpu.memref_squeeze %dma_start3A_1563 : memref<1x64xi32, #tpu.memory_space<vmem>> -> memref<64xi32, #tpu.memory_space<vmem>>
        %dma_start3A_1565 = tpu.memref_slice %arg6[%add3A_1556] : memref<204800xi32, #tpu.memory_space<hbm>> -> memref<64xi32, #tpu.memory_space<hbm>>
        tpu.enqueue_dma source(%dma_start3A_1565 : memref<64xi32, #tpu.memory_space<hbm>>) target(%dma_start3A_1564 : memref<64xi32, #tpu.memory_space<vmem>>) target_semaphore(%arg28 : memref<!tpu.dma_semaphore, #tpu.memory_space<semaphore_mem>>)
        %mul3A_1566 = arith.constant 64 : i32
        %mul3A_1567 = arith.muli %sub3A_1541, %mul3A_1566 : i32
        %add3A_1568 = arith.addi %mul3A_2, %mul3A_1567 : i32
        %dma_start3A_1569 = arith.constant 2 : i32
        %dma_start3A_1570 = arith.constant 0 : i32
        %dma_start3A_1571 = tpu.memref_slice %arg12[%dma_start3A_1569, %dma_start3A_1570] : memref<6x64xi32, #tpu.memory_space<vmem>> -> memref<1x64xi32, #tpu.memory_space<vmem>>
        %dma_start3A_1572 = tpu.memref_squeeze %dma_start3A_1571 : memref<1x64xi32, #tpu.memory_space<vmem>> -> memref<64xi32, #tpu.memory_space<vmem>>
        %dma_start3A_1573 = tpu.memref_slice %arg7[%add3A_1568] : memref<204800xi32, #tpu.memory_space<hbm>> -> memref<64xi32, #tpu.memory_space<hbm>>
        %dma_start3A_1574 = arith.constant 0 : i32
        %dma_start3A_1575 = tpu.memref_slice %arg12[%dma_start3A_1569, %dma_start3A_1574] : memref<6x64xi32, #tpu.memory_space<vmem>> -> memref<1x64xi32, #tpu.memory_space<vmem>>
        %dma_start3A_1576 = tpu.memref_squeeze %dma_start3A_1575 : memref<1x64xi32, #tpu.memory_space<vmem>> -> memref<64xi32, #tpu.memory_space<vmem>>
        %dma_start3A_1577 = tpu.memref_slice %arg7[%add3A_1568] : memref<204800xi32, #tpu.memory_space<hbm>> -> memref<64xi32, #tpu.memory_space<hbm>>
        tpu.enqueue_dma source(%dma_start3A_1577 : memref<64xi32, #tpu.memory_space<hbm>>) target(%dma_start3A_1576 : memref<64xi32, #tpu.memory_space<vmem>>) target_semaphore(%arg28 : memref<!tpu.dma_semaphore, #tpu.memory_space<semaphore_mem>>)
        %mul3A_1578 = arith.constant 64 : i32
        %mul3A_1579 = arith.muli %sub3A_1541, %mul3A_1578 : i32
        %add3A_1580 = arith.addi %mul3A_2, %mul3A_1579 : i32
        %dma_start3A_1581 = arith.constant 3 : i32
        %dma_start3A_1582 = arith.constant 0 : i32
        %dma_start3A_1583 = tpu.memref_slice %arg12[%dma_start3A_1581, %dma_start3A_1582] : memref<6x64xi32, #tpu.memory_space<vmem>> -> memref<1x64xi32, #tpu.memory_space<vmem>>
        %dma_start3A_1584 = tpu.memref_squeeze %dma_start3A_1583 : memref<1x64xi32, #tpu.memory_space<vmem>> -> memref<64xi32, #tpu.memory_space<vmem>>
        %dma_start3A_1585 = tpu.memref_slice %arg8[%add3A_1580] : memref<204800xi32, #tpu.memory_space<hbm>> -> memref<64xi32, #tpu.memory_space<hbm>>
        %dma_start3A_1586 = arith.constant 0 : i32
        %dma_start3A_1587 = tpu.memref_slice %arg12[%dma_start3A_1581, %dma_start3A_1586] : memref<6x64xi32, #tpu.memory_space<vmem>> -> memref<1x64xi32, #tpu.memory_space<vmem>>
        %dma_start3A_1588 = tpu.memref_squeeze %dma_start3A_1587 : memref<1x64xi32, #tpu.memory_space<vmem>> -> memref<64xi32, #tpu.memory_space<vmem>>
        %dma_start3A_1589 = tpu.memref_slice %arg8[%add3A_1580] : memref<204800xi32, #tpu.memory_space<hbm>> -> memref<64xi32, #tpu.memory_space<hbm>>
        tpu.enqueue_dma source(%dma_start3A_1589 : memref<64xi32, #tpu.memory_space<hbm>>) target(%dma_start3A_1588 : memref<64xi32, #tpu.memory_space<vmem>>) target_semaphore(%arg28 : memref<!tpu.dma_semaphore, #tpu.memory_space<semaphore_mem>>)
        %mul3A_1590 = arith.constant 64 : i32
        %mul3A_1591 = arith.muli %sub3A_1541, %mul3A_1590 : i32
        %add3A_1592 = arith.addi %mul3A_2, %mul3A_1591 : i32
        %dma_start3A_1593 = arith.constant 4 : i32
        %dma_start3A_1594 = arith.constant 0 : i32
        %dma_start3A_1595 = tpu.memref_slice %arg12[%dma_start3A_1593, %dma_start3A_1594] : memref<6x64xi32, #tpu.memory_space<vmem>> -> memref<1x64xi32, #tpu.memory_space<vmem>>
        %dma_start3A_1596 = tpu.memref_squeeze %dma_start3A_1595 : memref<1x64xi32, #tpu.memory_space<vmem>> -> memref<64xi32, #tpu.memory_space<vmem>>
        %dma_start3A_1597 = tpu.memref_slice %arg9[%add3A_1592] : memref<204800xi32, #tpu.memory_space<hbm>> -> memref<64xi32, #tpu.memory_space<hbm>>
        %dma_start3A_1598 = arith.constant 0 : i32
        %dma_start3A_1599 = tpu.memref_slice %arg12[%dma_start3A_1593, %dma_start3A_1598] : memref<6x64xi32, #tpu.memory_space<vmem>> -> memref<1x64xi32, #tpu.memory_space<vmem>>
        %dma_start3A_1600 = tpu.memref_squeeze %dma_start3A_1599 : memref<1x64xi32, #tpu.memory_space<vmem>> -> memref<64xi32, #tpu.memory_space<vmem>>
        %dma_start3A_1601 = tpu.memref_slice %arg9[%add3A_1592] : memref<204800xi32, #tpu.memory_space<hbm>> -> memref<64xi32, #tpu.memory_space<hbm>>
        tpu.enqueue_dma source(%dma_start3A_1601 : memref<64xi32, #tpu.memory_space<hbm>>) target(%dma_start3A_1600 : memref<64xi32, #tpu.memory_space<vmem>>) target_semaphore(%arg28 : memref<!tpu.dma_semaphore, #tpu.memory_space<semaphore_mem>>)
        %mul3A_1602 = arith.constant 64 : i32
        %mul3A_1603 = arith.muli %sub3A_1541, %mul3A_1602 : i32
        %add3A_1604 = arith.addi %mul3A_2, %mul3A_1603 : i32
        %dma_start3A_1605 = arith.constant 5 : i32
        %dma_start3A_1606 = arith.constant 0 : i32
        %dma_start3A_1607 = tpu.memref_slice %arg12[%dma_start3A_1605, %dma_start3A_1606] : memref<6x64xi32, #tpu.memory_space<vmem>> -> memref<1x64xi32, #tpu.memory_space<vmem>>
        %dma_start3A_1608 = tpu.memref_squeeze %dma_start3A_1607 : memref<1x64xi32, #tpu.memory_space<vmem>> -> memref<64xi32, #tpu.memory_space<vmem>>
        %dma_start3A_1609 = tpu.memref_slice %arg10[%add3A_1604] : memref<204800xi32, #tpu.memory_space<hbm>> -> memref<64xi32, #tpu.memory_space<hbm>>
        %dma_start3A_1610 = arith.constant 0 : i32
        %dma_start3A_1611 = tpu.memref_slice %arg12[%dma_start3A_1605, %dma_start3A_1610] : memref<6x64xi32, #tpu.memory_space<vmem>> -> memref<1x64xi32, #tpu.memory_space<vmem>>
        %dma_start3A_1612 = tpu.memref_squeeze %dma_start3A_1611 : memref<1x64xi32, #tpu.memory_space<vmem>> -> memref<64xi32, #tpu.memory_space<vmem>>
        %dma_start3A_1613 = tpu.memref_slice %arg10[%add3A_1604] : memref<204800xi32, #tpu.memory_space<hbm>> -> memref<64xi32, #tpu.memory_space<hbm>>
        tpu.enqueue_dma source(%dma_start3A_1613 : memref<64xi32, #tpu.memory_space<hbm>>) target(%dma_start3A_1612 : memref<64xi32, #tpu.memory_space<vmem>>) target_semaphore(%arg28 : memref<!tpu.dma_semaphore, #tpu.memory_space<semaphore_mem>>)
      } else {
      }
      %mul3A_898 = arith.constant 4 : i32
      %mul3A_899 = arith.muli %scan3A_264, %mul3A_898 : i32
      %add3A_900 = arith.constant 2 : i32
      %add3A_901 = arith.addi %mul3A_899, %add3A_900 : i32
      %ge3A_902 = arith.constant 4 : i32
      %ge3A_903 = arith.cmpi sge, %add3A_901, %ge3A_902 : i32
      %convert_element_type3A_904 = arith.extui %ge3A_903 : i1 to i32
      %cond3A_905 = arith.constant 0 : i32
      %cond3A_906 = arith.cmpi ne, %convert_element_type3A_904, %cond3A_905 : i32
      scf.if %cond3A_906 {
        %dma_wait3A_1538 = arith.constant 0 : i32
        %dma_wait3A_1539 = arith.constant 0 : i32
        %dma_wait3A_1540 = tpu.memref_slice %arg11[%dma_wait3A_1538, %dma_wait3A_1539] : memref<204800x128xf32, #tpu.memory_space<hbm>> -> memref<64x128xf32, #tpu.memory_space<hbm>>
        %dma_wait3A_1541 = arith.constant 0 : i32
        %dma_wait3A_1542 = arith.constant 0 : i32
        %dma_wait3A_1543 = tpu.memref_slice %arg11[%dma_wait3A_1541, %dma_wait3A_1542] : memref<204800x128xf32, #tpu.memory_space<hbm>> -> memref<64x128xf32, #tpu.memory_space<hbm>>
        tpu.wait_dma2 semaphore(%arg26 : memref<!tpu.dma_semaphore, #tpu.memory_space<semaphore_mem>>) src(%arg18 : memref<64x128xf32, #tpu.memory_space<vmem>>) dst(%dma_wait3A_1543 : memref<64x128xf32, #tpu.memory_space<hbm>>)
      } else {
      }
      %scan3A_907 = arith.constant 0 : i32
      %scan3A_908 = arith.constant 0 : i32
      %scan3A_909 = arith.constant 64 : i32
      %scan3A_910 = arith.addi %scan3A_908, %scan3A_909 : i32
      %scan3A_911 = arith.constant 1 : i32
      scf.for %scan3A_1538 = %scan3A_908 to %scan3A_910 step %scan3A_911  : i32 {
        %swap3A_1539 = arith.index_cast %scan3A_1538 : i32 to index
        %swap3A_1540 = arith.constant 0 : index
        %swap3A_1541 = tpu.vector_load %arg18[%swap3A_1539, %swap3A_1540] {strides = array<i32>} : memref<64x128xf32, #tpu.memory_space<vmem>>, vector<1x16xf32>,
        %swap3A_1542 = vector.shape_cast %swap3A_1541 : vector<1x16xf32> to vector<16xf32>
        %swap3A_1543 = vector.shape_cast %broadcast_in_dim3A_3 : vector<16xf32> to vector<1x16xf32>
        tpu.vector_store %arg18[%swap3A_1539, %swap3A_1540], %swap3A_1543 {strides = array<i32>} : memref<64x128xf32, #tpu.memory_space<vmem>>, vector<1x16xf32>,
        %swap3A_1544 = arith.index_cast %scan3A_1538 : i32 to index
        %swap3A_1545 = arith.constant 16 : index
        %swap3A_1546 = tpu.vector_load %arg18[%swap3A_1544, %swap3A_1545] {strides = array<i32>} : memref<64x128xf32, #tpu.memory_space<vmem>>, vector<1x16xf32>,
        %swap3A_1547 = vector.shape_cast %swap3A_1546 : vector<1x16xf32> to vector<16xf32>
        %swap3A_1548 = vector.shape_cast %broadcast_in_dim3A_3 : vector<16xf32> to vector<1x16xf32>
        tpu.vector_store %arg18[%swap3A_1544, %swap3A_1545], %swap3A_1548 {strides = array<i32>} : memref<64x128xf32, #tpu.memory_space<vmem>>, vector<1x16xf32>,
        %swap3A_1549 = arith.index_cast %scan3A_1538 : i32 to index
        %swap3A_1550 = arith.constant 32 : index
        %swap3A_1551 = tpu.vector_load %arg18[%swap3A_1549, %swap3A_1550] {strides = array<i32>} : memref<64x128xf32, #tpu.memory_space<vmem>>, vector<1x16xf32>,
        %swap3A_1552 = vector.shape_cast %swap3A_1551 : vector<1x16xf32> to vector<16xf32>
        %swap3A_1553 = vector.shape_cast %broadcast_in_dim3A_3 : vector<16xf32> to vector<1x16xf32>
        tpu.vector_store %arg18[%swap3A_1549, %swap3A_1550], %swap3A_1553 {strides = array<i32>} : memref<64x128xf32, #tpu.memory_space<vmem>>, vector<1x16xf32>,
        %swap3A_1554 = arith.index_cast %scan3A_1538 : i32 to index
        %swap3A_1555 = arith.constant 48 : index
        %swap3A_1556 = tpu.vector_load %arg18[%swap3A_1554, %swap3A_1555] {strides = array<i32>} : memref<64x128xf32, #tpu.memory_space<vmem>>, vector<1x16xf32>,
        %swap3A_1557 = vector.shape_cast %swap3A_1556 : vector<1x16xf32> to vector<16xf32>
        %swap3A_1558 = vector.shape_cast %broadcast_in_dim3A_3 : vector<16xf32> to vector<1x16xf32>
        tpu.vector_store %arg18[%swap3A_1554, %swap3A_1555], %swap3A_1558 {strides = array<i32>} : memref<64x128xf32, #tpu.memory_space<vmem>>, vector<1x16xf32>,
        %swap3A_1559 = arith.index_cast %scan3A_1538 : i32 to index
        %swap3A_1560 = arith.constant 64 : index
        %swap3A_1561 = tpu.vector_load %arg18[%swap3A_1559, %swap3A_1560] {strides = array<i32>} : memref<64x128xf32, #tpu.memory_space<vmem>>, vector<1x16xf32>,
        %swap3A_1562 = vector.shape_cast %swap3A_1561 : vector<1x16xf32> to vector<16xf32>
        %swap3A_1563 = vector.shape_cast %broadcast_in_dim3A_3 : vector<16xf32> to vector<1x16xf32>
        tpu.vector_store %arg18[%swap3A_1559, %swap3A_1560], %swap3A_1563 {strides = array<i32>} : memref<64x128xf32, #tpu.memory_space<vmem>>, vector<1x16xf32>,
        %swap3A_1564 = arith.index_cast %scan3A_1538 : i32 to index
        %swap3A_1565 = arith.constant 80 : index
        %swap3A_1566 = tpu.vector_load %arg18[%swap3A_1564, %swap3A_1565] {strides = array<i32>} : memref<64x128xf32, #tpu.memory_space<vmem>>, vector<1x16xf32>,
        %swap3A_1567 = vector.shape_cast %swap3A_1566 : vector<1x16xf32> to vector<16xf32>
        %swap3A_1568 = vector.shape_cast %broadcast_in_dim3A_3 : vector<16xf32> to vector<1x16xf32>
        tpu.vector_store %arg18[%swap3A_1564, %swap3A_1565], %swap3A_1568 {strides = array<i32>} : memref<64x128xf32, #tpu.memory_space<vmem>>, vector<1x16xf32>,
        %swap3A_1569 = arith.index_cast %scan3A_1538 : i32 to index
        %swap3A_1570 = arith.constant 96 : index
        %swap3A_1571 = tpu.vector_load %arg18[%swap3A_1569, %swap3A_1570] {strides = array<i32>} : memref<64x128xf32, #tpu.memory_space<vmem>>, vector<1x16xf32>,
        %swap3A_1572 = vector.shape_cast %swap3A_1571 : vector<1x16xf32> to vector<16xf32>
        %swap3A_1573 = vector.shape_cast %broadcast_in_dim3A_3 : vector<16xf32> to vector<1x16xf32>
        tpu.vector_store %arg18[%swap3A_1569, %swap3A_1570], %swap3A_1573 {strides = array<i32>} : memref<64x128xf32, #tpu.memory_space<vmem>>, vector<1x16xf32>,
        %swap3A_1574 = arith.index_cast %scan3A_1538 : i32 to index
        %swap3A_1575 = arith.constant 112 : index
        %swap3A_1576 = tpu.vector_load %arg18[%swap3A_1574, %swap3A_1575] {strides = array<i32>} : memref<64x128xf32, #tpu.memory_space<vmem>>, vector<1x16xf32>,
        %swap3A_1577 = vector.shape_cast %swap3A_1576 : vector<1x16xf32> to vector<16xf32>
        %swap3A_1578 = vector.shape_cast %broadcast_in_dim3A_3 : vector<16xf32> to vector<1x16xf32>
        tpu.vector_store %arg18[%swap3A_1574, %swap3A_1575], %swap3A_1578 {strides = array<i32>} : memref<64x128xf32, #tpu.memory_space<vmem>>, vector<1x16xf32>,
      }
      %scan3A_912 = arith.constant 64 : i32
      %dma_wait3A_913 = arith.constant 0 : i32
      %dma_wait3A_914 = arith.constant 0 : i32
      %dma_wait3A_915 = tpu.memref_slice %arg14[%dma_wait3A_913, %dma_wait3A_914] : memref<6x64xi32, #tpu.memory_space<vmem>> -> memref<1x64xi32, #tpu.memory_space<vmem>>
      %dma_wait3A_916 = tpu.memref_squeeze %dma_wait3A_915 : memref<1x64xi32, #tpu.memory_space<vmem>> -> memref<64xi32, #tpu.memory_space<vmem>>
      %dma_wait3A_917 = arith.constant 0 : i32
      %dma_wait3A_918 = tpu.memref_slice %arg5[%dma_wait3A_917] : memref<204800xi32, #tpu.memory_space<hbm>> -> memref<64xi32, #tpu.memory_space<hbm>>
      %dma_wait3A_919 = arith.constant 0 : i32
      %dma_wait3A_920 = tpu.memref_slice %arg14[%dma_wait3A_913, %dma_wait3A_919] : memref<6x64xi32, #tpu.memory_space<vmem>> -> memref<1x64xi32, #tpu.memory_space<vmem>>
      %dma_wait3A_921 = tpu.memref_squeeze %dma_wait3A_920 : memref<1x64xi32, #tpu.memory_space<vmem>> -> memref<64xi32, #tpu.memory_space<vmem>>
      %dma_wait3A_922 = arith.constant 0 : i32
      %dma_wait3A_923 = tpu.memref_slice %arg5[%dma_wait3A_922] : memref<204800xi32, #tpu.memory_space<hbm>> -> memref<64xi32, #tpu.memory_space<hbm>>
      tpu.wait_dma2 semaphore(%arg30 : memref<!tpu.dma_semaphore, #tpu.memory_space<semaphore_mem>>) src(%dma_wait3A_923 : memref<64xi32, #tpu.memory_space<hbm>>) dst(%dma_wait3A_921 : memref<64xi32, #tpu.memory_space<vmem>>)
      %dma_wait3A_924 = arith.constant 1 : i32
      %dma_wait3A_925 = arith.constant 0 : i32
      %dma_wait3A_926 = tpu.memref_slice %arg14[%dma_wait3A_924, %dma_wait3A_925] : memref<6x64xi32, #tpu.memory_space<vmem>> -> memref<1x64xi32, #tpu.memory_space<vmem>>
      %dma_wait3A_927 = tpu.memref_squeeze %dma_wait3A_926 : memref<1x64xi32, #tpu.memory_space<vmem>> -> memref<64xi32, #tpu.memory_space<vmem>>
      %dma_wait3A_928 = arith.constant 0 : i32
      %dma_wait3A_929 = tpu.memref_slice %arg5[%dma_wait3A_928] : memref<204800xi32, #tpu.memory_space<hbm>> -> memref<64xi32, #tpu.memory_space<hbm>>
      %dma_wait3A_930 = arith.constant 0 : i32
      %dma_wait3A_931 = tpu.memref_slice %arg14[%dma_wait3A_924, %dma_wait3A_930] : memref<6x64xi32, #tpu.memory_space<vmem>> -> memref<1x64xi32, #tpu.memory_space<vmem>>
      %dma_wait3A_932 = tpu.memref_squeeze %dma_wait3A_931 : memref<1x64xi32, #tpu.memory_space<vmem>> -> memref<64xi32, #tpu.memory_space<vmem>>
      %dma_wait3A_933 = arith.constant 0 : i32
      %dma_wait3A_934 = tpu.memref_slice %arg5[%dma_wait3A_933] : memref<204800xi32, #tpu.memory_space<hbm>> -> memref<64xi32, #tpu.memory_space<hbm>>
      tpu.wait_dma2 semaphore(%arg30 : memref<!tpu.dma_semaphore, #tpu.memory_space<semaphore_mem>>) src(%dma_wait3A_934 : memref<64xi32, #tpu.memory_space<hbm>>) dst(%dma_wait3A_932 : memref<64xi32, #tpu.memory_space<vmem>>)
      %dma_wait3A_935 = arith.constant 2 : i32
      %dma_wait3A_936 = arith.constant 0 : i32
      %dma_wait3A_937 = tpu.memref_slice %arg14[%dma_wait3A_935, %dma_wait3A_936] : memref<6x64xi32, #tpu.memory_space<vmem>> -> memref<1x64xi32, #tpu.memory_space<vmem>>
      %dma_wait3A_938 = tpu.memref_squeeze %dma_wait3A_937 : memref<1x64xi32, #tpu.memory_space<vmem>> -> memref<64xi32, #tpu.memory_space<vmem>>
      %dma_wait3A_939 = arith.constant 0 : i32
      %dma_wait3A_940 = tpu.memref_slice %arg5[%dma_wait3A_939] : memref<204800xi32, #tpu.memory_space<hbm>> -> memref<64xi32, #tpu.memory_space<hbm>>
      %dma_wait3A_941 = arith.constant 0 : i32
      %dma_wait3A_942 = tpu.memref_slice %arg14[%dma_wait3A_935, %dma_wait3A_941] : memref<6x64xi32, #tpu.memory_space<vmem>> -> memref<1x64xi32, #tpu.memory_space<vmem>>
      %dma_wait3A_943 = tpu.memref_squeeze %dma_wait3A_942 : memref<1x64xi32, #tpu.memory_space<vmem>> -> memref<64xi32, #tpu.memory_space<vmem>>
      %dma_wait3A_944 = arith.constant 0 : i32
      %dma_wait3A_945 = tpu.memref_slice %arg5[%dma_wait3A_944] : memref<204800xi32, #tpu.memory_space<hbm>> -> memref<64xi32, #tpu.memory_space<hbm>>
      tpu.wait_dma2 semaphore(%arg30 : memref<!tpu.dma_semaphore, #tpu.memory_space<semaphore_mem>>) src(%dma_wait3A_945 : memref<64xi32, #tpu.memory_space<hbm>>) dst(%dma_wait3A_943 : memref<64xi32, #tpu.memory_space<vmem>>)
      %dma_wait3A_946 = arith.constant 3 : i32
      %dma_wait3A_947 = arith.constant 0 : i32
      %dma_wait3A_948 = tpu.memref_slice %arg14[%dma_wait3A_946, %dma_wait3A_947] : memref<6x64xi32, #tpu.memory_space<vmem>> -> memref<1x64xi32, #tpu.memory_space<vmem>>
      %dma_wait3A_949 = tpu.memref_squeeze %dma_wait3A_948 : memref<1x64xi32, #tpu.memory_space<vmem>> -> memref<64xi32, #tpu.memory_space<vmem>>
      %dma_wait3A_950 = arith.constant 0 : i32
      %dma_wait3A_951 = tpu.memref_slice %arg5[%dma_wait3A_950] : memref<204800xi32, #tpu.memory_space<hbm>> -> memref<64xi32, #tpu.memory_space<hbm>>
      %dma_wait3A_952 = arith.constant 0 : i32
      %dma_wait3A_953 = tpu.memref_slice %arg14[%dma_wait3A_946, %dma_wait3A_952] : memref<6x64xi32, #tpu.memory_space<vmem>> -> memref<1x64xi32, #tpu.memory_space<vmem>>
      %dma_wait3A_954 = tpu.memref_squeeze %dma_wait3A_953 : memref<1x64xi32, #tpu.memory_space<vmem>> -> memref<64xi32, #tpu.memory_space<vmem>>
      %dma_wait3A_955 = arith.constant 0 : i32
      %dma_wait3A_956 = tpu.memref_slice %arg5[%dma_wait3A_955] : memref<204800xi32, #tpu.memory_space<hbm>> -> memref<64xi32, #tpu.memory_space<hbm>>
      tpu.wait_dma2 semaphore(%arg30 : memref<!tpu.dma_semaphore, #tpu.memory_space<semaphore_mem>>) src(%dma_wait3A_956 : memref<64xi32, #tpu.memory_space<hbm>>) dst(%dma_wait3A_954 : memref<64xi32, #tpu.memory_space<vmem>>)
      %dma_wait3A_957 = arith.constant 4 : i32
      %dma_wait3A_958 = arith.constant 0 : i32
      %dma_wait3A_959 = tpu.memref_slice %arg14[%dma_wait3A_957, %dma_wait3A_958] : memref<6x64xi32, #tpu.memory_space<vmem>> -> memref<1x64xi32, #tpu.memory_space<vmem>>
      %dma_wait3A_960 = tpu.memref_squeeze %dma_wait3A_959 : memref<1x64xi32, #tpu.memory_space<vmem>> -> memref<64xi32, #tpu.memory_space<vmem>>
      %dma_wait3A_961 = arith.constant 0 : i32
      %dma_wait3A_962 = tpu.memref_slice %arg5[%dma_wait3A_961] : memref<204800xi32, #tpu.memory_space<hbm>> -> memref<64xi32, #tpu.memory_space<hbm>>
      %dma_wait3A_963 = arith.constant 0 : i32
      %dma_wait3A_964 = tpu.memref_slice %arg14[%dma_wait3A_957, %dma_wait3A_963] : memref<6x64xi32, #tpu.memory_space<vmem>> -> memref<1x64xi32, #tpu.memory_space<vmem>>
      %dma_wait3A_965 = tpu.memref_squeeze %dma_wait3A_964 : memref<1x64xi32, #tpu.memory_space<vmem>> -> memref<64xi32, #tpu.memory_space<vmem>>
      %dma_wait3A_966 = arith.constant 0 : i32
      %dma_wait3A_967 = tpu.memref_slice %arg5[%dma_wait3A_966] : memref<204800xi32, #tpu.memory_space<hbm>> -> memref<64xi32, #tpu.memory_space<hbm>>
      tpu.wait_dma2 semaphore(%arg30 : memref<!tpu.dma_semaphore, #tpu.memory_space<semaphore_mem>>) src(%dma_wait3A_967 : memref<64xi32, #tpu.memory_space<hbm>>) dst(%dma_wait3A_965 : memref<64xi32, #tpu.memory_space<vmem>>)
      %dma_wait3A_968 = arith.constant 5 : i32
      %dma_wait3A_969 = arith.constant 0 : i32
      %dma_wait3A_970 = tpu.memref_slice %arg14[%dma_wait3A_968, %dma_wait3A_969] : memref<6x64xi32, #tpu.memory_space<vmem>> -> memref<1x64xi32, #tpu.memory_space<vmem>>
      %dma_wait3A_971 = tpu.memref_squeeze %dma_wait3A_970 : memref<1x64xi32, #tpu.memory_space<vmem>> -> memref<64xi32, #tpu.memory_space<vmem>>
      %dma_wait3A_972 = arith.constant 0 : i32
      %dma_wait3A_973 = tpu.memref_slice %arg5[%dma_wait3A_972] : memref<204800xi32, #tpu.memory_space<hbm>> -> memref<64xi32, #tpu.memory_space<hbm>>
      %dma_wait3A_974 = arith.constant 0 : i32
      %dma_wait3A_975 = tpu.memref_slice %arg14[%dma_wait3A_968, %dma_wait3A_974] : memref<6x64xi32, #tpu.memory_space<vmem>> -> memref<1x64xi32, #tpu.memory_space<vmem>>
      %dma_wait3A_976 = tpu.memref_squeeze %dma_wait3A_975 : memref<1x64xi32, #tpu.memory_space<vmem>> -> memref<64xi32, #tpu.memory_space<vmem>>
      %dma_wait3A_977 = arith.constant 0 : i32
      %dma_wait3A_978 = tpu.memref_slice %arg5[%dma_wait3A_977] : memref<204800xi32, #tpu.memory_space<hbm>> -> memref<64xi32, #tpu.memory_space<hbm>>
      tpu.wait_dma2 semaphore(%arg30 : memref<!tpu.dma_semaphore, #tpu.memory_space<semaphore_mem>>) src(%dma_wait3A_978 : memref<64xi32, #tpu.memory_space<hbm>>) dst(%dma_wait3A_976 : memref<64xi32, #tpu.memory_space<vmem>>)
      %get3A_979 = arith.constant 1 : i32
      %get3A_980 = arith.index_cast %get3A_979 : i32 to index
      %get3A_981 = arith.constant 0 : index
      %get3A_982 = tpu.vector_load %arg14[%get3A_980, %get3A_981] {strides = array<i32>} : memref<6x64xi32, #tpu.memory_space<vmem>>, vector<1x16xi32>,
      %get3A_983 = vector.shape_cast %get3A_982 : vector<1x16xi32> to vector<16xi32>
      %mul3A_984 = arith.constant 15 : i32
      %mul3A_985 = vector.broadcast %mul3A_984 : i32 to vector<16xi32>
      %mul3A_986 = arith.muli %get3A_983, %mul3A_985 : vector<16xi32>
      %get3A_987 = arith.constant 2 : i32
      %get3A_988 = arith.index_cast %get3A_987 : i32 to index
      %get3A_989 = arith.constant 0 : index
      %get3A_990 = tpu.vector_load %arg14[%get3A_988, %get3A_989] {strides = array<i32>} : memref<6x64xi32, #tpu.memory_space<vmem>>, vector<1x16xi32>,
      %get3A_991 = vector.shape_cast %get3A_990 : vector<1x16xi32> to vector<16xi32>
      %add3A_992 = arith.addi %mul3A_986, %get3A_991 : vector<16xi32>
      %mul3A_993 = arith.constant 15 : i32
      %mul3A_994 = vector.broadcast %mul3A_993 : i32 to vector<16xi32>
      %mul3A_995 = arith.muli %add3A_992, %mul3A_994 : vector<16xi32>
      %get3A_996 = arith.constant 5 : i32
      %get3A_997 = arith.index_cast %get3A_996 : i32 to index
      %get3A_998 = arith.constant 0 : index
      %get3A_999 = tpu.vector_load %arg14[%get3A_997, %get3A_998] {strides = array<i32>} : memref<6x64xi32, #tpu.memory_space<vmem>>, vector<1x16xi32>,
      %get3A_1000 = vector.shape_cast %get3A_999 : vector<1x16xi32> to vector<16xi32>
      %add3A_1001 = arith.addi %mul3A_995, %get3A_1000 : vector<16xi32>
      %add3A_1002 = arith.addi %add3A_1001, %mul3A_8 : vector<16xi32>
      %swap3A_1003 = arith.constant 1 : i32
      %swap3A_1004 = arith.index_cast %swap3A_1003 : i32 to index
      %swap3A_1005 = arith.constant 0 : index
      %swap3A_1006 = tpu.vector_load %arg14[%swap3A_1004, %swap3A_1005] {strides = array<i32>} : memref<6x64xi32, #tpu.memory_space<vmem>>, vector<1x16xi32>,
      %swap3A_1007 = vector.shape_cast %swap3A_1006 : vector<1x16xi32> to vector<16xi32>
      %swap3A_1008 = vector.shape_cast %add3A_1002 : vector<16xi32> to vector<1x16xi32>
      tpu.vector_store %arg14[%swap3A_1004, %swap3A_1005], %swap3A_1008 {strides = array<i32>} : memref<6x64xi32, #tpu.memory_space<vmem>>, vector<1x16xi32>,
      %get3A_1009 = arith.constant 3 : i32
      %get3A_1010 = arith.index_cast %get3A_1009 : i32 to index
      %get3A_1011 = arith.constant 0 : index
      %get3A_1012 = tpu.vector_load %arg14[%get3A_1010, %get3A_1011] {strides = array<i32>} : memref<6x64xi32, #tpu.memory_space<vmem>>, vector<1x16xi32>,
      %get3A_1013 = vector.shape_cast %get3A_1012 : vector<1x16xi32> to vector<16xi32>
      %mul3A_1014 = arith.constant 200 : i32
      %mul3A_1015 = vector.broadcast %mul3A_1014 : i32 to vector<16xi32>
      %mul3A_1016 = arith.muli %get3A_1013, %mul3A_1015 : vector<16xi32>
      %get3A_1017 = arith.constant 4 : i32
      %get3A_1018 = arith.index_cast %get3A_1017 : i32 to index
      %get3A_1019 = arith.constant 0 : index
      %get3A_1020 = tpu.vector_load %arg14[%get3A_1018, %get3A_1019] {strides = array<i32>} : memref<6x64xi32, #tpu.memory_space<vmem>>, vector<1x16xi32>,
      %get3A_1021 = vector.shape_cast %get3A_1020 : vector<1x16xi32> to vector<16xi32>
      %add3A_1022 = arith.addi %mul3A_1016, %get3A_1021 : vector<16xi32>
      %add3A_1023 = arith.addi %add3A_1022, %mul3A_14 : vector<16xi32>
      %swap3A_1024 = arith.constant 3 : i32
      %swap3A_1025 = arith.index_cast %swap3A_1024 : i32 to index
      %swap3A_1026 = arith.constant 0 : index
      %swap3A_1027 = tpu.vector_load %arg14[%swap3A_1025, %swap3A_1026] {strides = array<i32>} : memref<6x64xi32, #tpu.memory_space<vmem>>, vector<1x16xi32>,
      %swap3A_1028 = vector.shape_cast %swap3A_1027 : vector<1x16xi32> to vector<16xi32>
      %swap3A_1029 = vector.shape_cast %add3A_1023 : vector<16xi32> to vector<1x16xi32>
      tpu.vector_store %arg14[%swap3A_1025, %swap3A_1026], %swap3A_1029 {strides = array<i32>} : memref<6x64xi32, #tpu.memory_space<vmem>>, vector<1x16xi32>,
      %get3A_1030 = arith.constant 1 : i32
      %get3A_1031 = arith.index_cast %get3A_1030 : i32 to index
      %get3A_1032 = arith.constant 16 : index
      %get3A_1033 = tpu.vector_load %arg14[%get3A_1031, %get3A_1032] {strides = array<i32>} : memref<6x64xi32, #tpu.memory_space<vmem>>, vector<1x16xi32>,
      %get3A_1034 = vector.shape_cast %get3A_1033 : vector<1x16xi32> to vector<16xi32>
      %mul3A_1035 = arith.constant 15 : i32
      %mul3A_1036 = vector.broadcast %mul3A_1035 : i32 to vector<16xi32>
      %mul3A_1037 = arith.muli %get3A_1034, %mul3A_1036 : vector<16xi32>
      %get3A_1038 = arith.constant 2 : i32
      %get3A_1039 = arith.index_cast %get3A_1038 : i32 to index
      %get3A_1040 = arith.constant 16 : index
      %get3A_1041 = tpu.vector_load %arg14[%get3A_1039, %get3A_1040] {strides = array<i32>} : memref<6x64xi32, #tpu.memory_space<vmem>>, vector<1x16xi32>,
      %get3A_1042 = vector.shape_cast %get3A_1041 : vector<1x16xi32> to vector<16xi32>
      %add3A_1043 = arith.addi %mul3A_1037, %get3A_1042 : vector<16xi32>
      %mul3A_1044 = arith.constant 15 : i32
      %mul3A_1045 = vector.broadcast %mul3A_1044 : i32 to vector<16xi32>
      %mul3A_1046 = arith.muli %add3A_1043, %mul3A_1045 : vector<16xi32>
      %get3A_1047 = arith.constant 5 : i32
      %get3A_1048 = arith.index_cast %get3A_1047 : i32 to index
      %get3A_1049 = arith.constant 16 : index
      %get3A_1050 = tpu.vector_load %arg14[%get3A_1048, %get3A_1049] {strides = array<i32>} : memref<6x64xi32, #tpu.memory_space<vmem>>, vector<1x16xi32>,
      %get3A_1051 = vector.shape_cast %get3A_1050 : vector<1x16xi32> to vector<16xi32>
      %add3A_1052 = arith.addi %mul3A_1046, %get3A_1051 : vector<16xi32>
      %add3A_1053 = arith.addi %add3A_1052, %mul3A_8 : vector<16xi32>
      %swap3A_1054 = arith.constant 1 : i32
      %swap3A_1055 = arith.index_cast %swap3A_1054 : i32 to index
      %swap3A_1056 = arith.constant 16 : index
      %swap3A_1057 = tpu.vector_load %arg14[%swap3A_1055, %swap3A_1056] {strides = array<i32>} : memref<6x64xi32, #tpu.memory_space<vmem>>, vector<1x16xi32>,
      %swap3A_1058 = vector.shape_cast %swap3A_1057 : vector<1x16xi32> to vector<16xi32>
      %swap3A_1059 = vector.shape_cast %add3A_1053 : vector<16xi32> to vector<1x16xi32>
      tpu.vector_store %arg14[%swap3A_1055, %swap3A_1056], %swap3A_1059 {strides = array<i32>} : memref<6x64xi32, #tpu.memory_space<vmem>>, vector<1x16xi32>,
      %get3A_1060 = arith.constant 3 : i32
      %get3A_1061 = arith.index_cast %get3A_1060 : i32 to index
      %get3A_1062 = arith.constant 16 : index
      %get3A_1063 = tpu.vector_load %arg14[%get3A_1061, %get3A_1062] {strides = array<i32>} : memref<6x64xi32, #tpu.memory_space<vmem>>, vector<1x16xi32>,
      %get3A_1064 = vector.shape_cast %get3A_1063 : vector<1x16xi32> to vector<16xi32>
      %mul3A_1065 = arith.constant 200 : i32
      %mul3A_1066 = vector.broadcast %mul3A_1065 : i32 to vector<16xi32>
      %mul3A_1067 = arith.muli %get3A_1064, %mul3A_1066 : vector<16xi32>
      %get3A_1068 = arith.constant 4 : i32
      %get3A_1069 = arith.index_cast %get3A_1068 : i32 to index
      %get3A_1070 = arith.constant 16 : index
      %get3A_1071 = tpu.vector_load %arg14[%get3A_1069, %get3A_1070] {strides = array<i32>} : memref<6x64xi32, #tpu.memory_space<vmem>>, vector<1x16xi32>,
      %get3A_1072 = vector.shape_cast %get3A_1071 : vector<1x16xi32> to vector<16xi32>
      %add3A_1073 = arith.addi %mul3A_1067, %get3A_1072 : vector<16xi32>
      %add3A_1074 = arith.addi %add3A_1073, %mul3A_14 : vector<16xi32>
      %swap3A_1075 = arith.constant 3 : i32
      %swap3A_1076 = arith.index_cast %swap3A_1075 : i32 to index
      %swap3A_1077 = arith.constant 16 : index
      %swap3A_1078 = tpu.vector_load %arg14[%swap3A_1076, %swap3A_1077] {strides = array<i32>} : memref<6x64xi32, #tpu.memory_space<vmem>>, vector<1x16xi32>,
      %swap3A_1079 = vector.shape_cast %swap3A_1078 : vector<1x16xi32> to vector<16xi32>
      %swap3A_1080 = vector.shape_cast %add3A_1074 : vector<16xi32> to vector<1x16xi32>
      tpu.vector_store %arg14[%swap3A_1076, %swap3A_1077], %swap3A_1080 {strides = array<i32>} : memref<6x64xi32, #tpu.memory_space<vmem>>, vector<1x16xi32>,
      %get3A_1081 = arith.constant 1 : i32
      %get3A_1082 = arith.index_cast %get3A_1081 : i32 to index
      %get3A_1083 = arith.constant 32 : index
      %get3A_1084 = tpu.vector_load %arg14[%get3A_1082, %get3A_1083] {strides = array<i32>} : memref<6x64xi32, #tpu.memory_space<vmem>>, vector<1x16xi32>,
      %get3A_1085 = vector.shape_cast %get3A_1084 : vector<1x16xi32> to vector<16xi32>
      %mul3A_1086 = arith.constant 15 : i32
      %mul3A_1087 = vector.broadcast %mul3A_1086 : i32 to vector<16xi32>
      %mul3A_1088 = arith.muli %get3A_1085, %mul3A_1087 : vector<16xi32>
      %get3A_1089 = arith.constant 2 : i32
      %get3A_1090 = arith.index_cast %get3A_1089 : i32 to index
      %get3A_1091 = arith.constant 32 : index
      %get3A_1092 = tpu.vector_load %arg14[%get3A_1090, %get3A_1091] {strides = array<i32>} : memref<6x64xi32, #tpu.memory_space<vmem>>, vector<1x16xi32>,
      %get3A_1093 = vector.shape_cast %get3A_1092 : vector<1x16xi32> to vector<16xi32>
      %add3A_1094 = arith.addi %mul3A_1088, %get3A_1093 : vector<16xi32>
      %mul3A_1095 = arith.constant 15 : i32
      %mul3A_1096 = vector.broadcast %mul3A_1095 : i32 to vector<16xi32>
      %mul3A_1097 = arith.muli %add3A_1094, %mul3A_1096 : vector<16xi32>
      %get3A_1098 = arith.constant 5 : i32
      %get3A_1099 = arith.index_cast %get3A_1098 : i32 to index
      %get3A_1100 = arith.constant 32 : index
      %get3A_1101 = tpu.vector_load %arg14[%get3A_1099, %get3A_1100] {strides = array<i32>} : memref<6x64xi32, #tpu.memory_space<vmem>>, vector<1x16xi32>,
      %get3A_1102 = vector.shape_cast %get3A_1101 : vector<1x16xi32> to vector<16xi32>
      %add3A_1103 = arith.addi %mul3A_1097, %get3A_1102 : vector<16xi32>
      %add3A_1104 = arith.addi %add3A_1103, %mul3A_8 : vector<16xi32>
      %swap3A_1105 = arith.constant 1 : i32
      %swap3A_1106 = arith.index_cast %swap3A_1105 : i32 to index
      %swap3A_1107 = arith.constant 32 : index
      %swap3A_1108 = tpu.vector_load %arg14[%swap3A_1106, %swap3A_1107] {strides = array<i32>} : memref<6x64xi32, #tpu.memory_space<vmem>>, vector<1x16xi32>,
      %swap3A_1109 = vector.shape_cast %swap3A_1108 : vector<1x16xi32> to vector<16xi32>
      %swap3A_1110 = vector.shape_cast %add3A_1104 : vector<16xi32> to vector<1x16xi32>
      tpu.vector_store %arg14[%swap3A_1106, %swap3A_1107], %swap3A_1110 {strides = array<i32>} : memref<6x64xi32, #tpu.memory_space<vmem>>, vector<1x16xi32>,
      %get3A_1111 = arith.constant 3 : i32
      %get3A_1112 = arith.index_cast %get3A_1111 : i32 to index
      %get3A_1113 = arith.constant 32 : index
      %get3A_1114 = tpu.vector_load %arg14[%get3A_1112, %get3A_1113] {strides = array<i32>} : memref<6x64xi32, #tpu.memory_space<vmem>>, vector<1x16xi32>,
      %get3A_1115 = vector.shape_cast %get3A_1114 : vector<1x16xi32> to vector<16xi32>
      %mul3A_1116 = arith.constant 200 : i32
      %mul3A_1117 = vector.broadcast %mul3A_1116 : i32 to vector<16xi32>
      %mul3A_1118 = arith.muli %get3A_1115, %mul3A_1117 : vector<16xi32>
      %get3A_1119 = arith.constant 4 : i32
      %get3A_1120 = arith.index_cast %get3A_1119 : i32 to index
      %get3A_1121 = arith.constant 32 : index
      %get3A_1122 = tpu.vector_load %arg14[%get3A_1120, %get3A_1121] {strides = array<i32>} : memref<6x64xi32, #tpu.memory_space<vmem>>, vector<1x16xi32>,
      %get3A_1123 = vector.shape_cast %get3A_1122 : vector<1x16xi32> to vector<16xi32>
      %add3A_1124 = arith.addi %mul3A_1118, %get3A_1123 : vector<16xi32>
      %add3A_1125 = arith.addi %add3A_1124, %mul3A_14 : vector<16xi32>
      %swap3A_1126 = arith.constant 3 : i32
      %swap3A_1127 = arith.index_cast %swap3A_1126 : i32 to index
      %swap3A_1128 = arith.constant 32 : index
      %swap3A_1129 = tpu.vector_load %arg14[%swap3A_1127, %swap3A_1128] {strides = array<i32>} : memref<6x64xi32, #tpu.memory_space<vmem>>, vector<1x16xi32>,
      %swap3A_1130 = vector.shape_cast %swap3A_1129 : vector<1x16xi32> to vector<16xi32>
      %swap3A_1131 = vector.shape_cast %add3A_1125 : vector<16xi32> to vector<1x16xi32>
      tpu.vector_store %arg14[%swap3A_1127, %swap3A_1128], %swap3A_1131 {strides = array<i32>} : memref<6x64xi32, #tpu.memory_space<vmem>>, vector<1x16xi32>,
      %get3A_1132 = arith.constant 1 : i32
      %get3A_1133 = arith.index_cast %get3A_1132 : i32 to index
      %get3A_1134 = arith.constant 48 : index
      %get3A_1135 = tpu.vector_load %arg14[%get3A_1133, %get3A_1134] {strides = array<i32>} : memref<6x64xi32, #tpu.memory_space<vmem>>, vector<1x16xi32>,
      %get3A_1136 = vector.shape_cast %get3A_1135 : vector<1x16xi32> to vector<16xi32>
      %mul3A_1137 = arith.constant 15 : i32
      %mul3A_1138 = vector.broadcast %mul3A_1137 : i32 to vector<16xi32>
      %mul3A_1139 = arith.muli %get3A_1136, %mul3A_1138 : vector<16xi32>
      %get3A_1140 = arith.constant 2 : i32
      %get3A_1141 = arith.index_cast %get3A_1140 : i32 to index
      %get3A_1142 = arith.constant 48 : index
      %get3A_1143 = tpu.vector_load %arg14[%get3A_1141, %get3A_1142] {strides = array<i32>} : memref<6x64xi32, #tpu.memory_space<vmem>>, vector<1x16xi32>,
      %get3A_1144 = vector.shape_cast %get3A_1143 : vector<1x16xi32> to vector<16xi32>
      %add3A_1145 = arith.addi %mul3A_1139, %get3A_1144 : vector<16xi32>
      %mul3A_1146 = arith.constant 15 : i32
      %mul3A_1147 = vector.broadcast %mul3A_1146 : i32 to vector<16xi32>
      %mul3A_1148 = arith.muli %add3A_1145, %mul3A_1147 : vector<16xi32>
      %get3A_1149 = arith.constant 5 : i32
      %get3A_1150 = arith.index_cast %get3A_1149 : i32 to index
      %get3A_1151 = arith.constant 48 : index
      %get3A_1152 = tpu.vector_load %arg14[%get3A_1150, %get3A_1151] {strides = array<i32>} : memref<6x64xi32, #tpu.memory_space<vmem>>, vector<1x16xi32>,
      %get3A_1153 = vector.shape_cast %get3A_1152 : vector<1x16xi32> to vector<16xi32>
      %add3A_1154 = arith.addi %mul3A_1148, %get3A_1153 : vector<16xi32>
      %add3A_1155 = arith.addi %add3A_1154, %mul3A_8 : vector<16xi32>
      %swap3A_1156 = arith.constant 1 : i32
      %swap3A_1157 = arith.index_cast %swap3A_1156 : i32 to index
      %swap3A_1158 = arith.constant 48 : index
      %swap3A_1159 = tpu.vector_load %arg14[%swap3A_1157, %swap3A_1158] {strides = array<i32>} : memref<6x64xi32, #tpu.memory_space<vmem>>, vector<1x16xi32>,
      %swap3A_1160 = vector.shape_cast %swap3A_1159 : vector<1x16xi32> to vector<16xi32>
      %swap3A_1161 = vector.shape_cast %add3A_1155 : vector<16xi32> to vector<1x16xi32>
      tpu.vector_store %arg14[%swap3A_1157, %swap3A_1158], %swap3A_1161 {strides = array<i32>} : memref<6x64xi32, #tpu.memory_space<vmem>>, vector<1x16xi32>,
      %get3A_1162 = arith.constant 3 : i32
      %get3A_1163 = arith.index_cast %get3A_1162 : i32 to index
      %get3A_1164 = arith.constant 48 : index
      %get3A_1165 = tpu.vector_load %arg14[%get3A_1163, %get3A_1164] {strides = array<i32>} : memref<6x64xi32, #tpu.memory_space<vmem>>, vector<1x16xi32>,
      %get3A_1166 = vector.shape_cast %get3A_1165 : vector<1x16xi32> to vector<16xi32>
      %mul3A_1167 = arith.constant 200 : i32
      %mul3A_1168 = vector.broadcast %mul3A_1167 : i32 to vector<16xi32>
      %mul3A_1169 = arith.muli %get3A_1166, %mul3A_1168 : vector<16xi32>
      %get3A_1170 = arith.constant 4 : i32
      %get3A_1171 = arith.index_cast %get3A_1170 : i32 to index
      %get3A_1172 = arith.constant 48 : index
      %get3A_1173 = tpu.vector_load %arg14[%get3A_1171, %get3A_1172] {strides = array<i32>} : memref<6x64xi32, #tpu.memory_space<vmem>>, vector<1x16xi32>,
      %get3A_1174 = vector.shape_cast %get3A_1173 : vector<1x16xi32> to vector<16xi32>
      %add3A_1175 = arith.addi %mul3A_1169, %get3A_1174 : vector<16xi32>
      %add3A_1176 = arith.addi %add3A_1175, %mul3A_14 : vector<16xi32>
      %swap3A_1177 = arith.constant 3 : i32
      %swap3A_1178 = arith.index_cast %swap3A_1177 : i32 to index
      %swap3A_1179 = arith.constant 48 : index
      %swap3A_1180 = tpu.vector_load %arg14[%swap3A_1178, %swap3A_1179] {strides = array<i32>} : memref<6x64xi32, #tpu.memory_space<vmem>>, vector<1x16xi32>,
      %swap3A_1181 = vector.shape_cast %swap3A_1180 : vector<1x16xi32> to vector<16xi32>
      %swap3A_1182 = vector.shape_cast %add3A_1176 : vector<16xi32> to vector<1x16xi32>
      tpu.vector_store %arg14[%swap3A_1178, %swap3A_1179], %swap3A_1182 {strides = array<i32>} : memref<6x64xi32, #tpu.memory_space<vmem>>, vector<1x16xi32>,
      %dma_start3A_1183 = arith.constant 0 : i32
      %dma_start3A_1184 = arith.constant 0 : i32
      %dma_start3A_1185 = tpu.memref_slice %arg14[%dma_start3A_1183, %dma_start3A_1184] : memref<6x64xi32, #tpu.memory_space<vmem>> -> memref<1x64xi32, #tpu.memory_space<vmem>>
      %dma_start3A_1186 = tpu.memref_squeeze %dma_start3A_1185 : memref<1x64xi32, #tpu.memory_space<vmem>> -> memref<64xi32, #tpu.memory_space<vmem>>
      %dma_start3A_1187 = arith.constant 0 : i32
      %dma_start3A_1188 = arith.constant 0 : i32
      %dma_start3A_1189 = tpu.memref_slice %arg2[%dma_start3A_1187, %dma_start3A_1188] : memref<100000x128xf32, #tpu.memory_space<hbm>> -> memref<100000x128xf32, #tpu.memory_space<hbm>>
      tpu.enqueue_indirect_dma source(%dma_start3A_1189 : memref<100000x128xf32, #tpu.memory_space<hbm>>) target(%arg18 : memref<64x128xf32, #tpu.memory_space<vmem>>) offsets(%dma_start3A_1186 : memref<64xi32, #tpu.memory_space<vmem>>) semaphore(%arg22 : memref<!tpu.dma_semaphore, #tpu.memory_space<semaphore_mem>>) {add = true}
      %dma_start3A_1190 = arith.constant 1 : i32
      %dma_start3A_1191 = arith.constant 0 : i32
      %dma_start3A_1192 = tpu.memref_slice %arg14[%dma_start3A_1190, %dma_start3A_1191] : memref<6x64xi32, #tpu.memory_space<vmem>> -> memref<1x64xi32, #tpu.memory_space<vmem>>
      %dma_start3A_1193 = tpu.memref_squeeze %dma_start3A_1192 : memref<1x64xi32, #tpu.memory_space<vmem>> -> memref<64xi32, #tpu.memory_space<vmem>>
      %dma_start3A_1194 = arith.constant 0 : i32
      %dma_start3A_1195 = arith.constant 0 : i32
      %dma_start3A_1196 = tpu.memref_slice %arg3[%dma_start3A_1194, %dma_start3A_1195] : memref<13500x128xf32, #tpu.memory_space<hbm>> -> memref<13500x128xf32, #tpu.memory_space<hbm>>
      tpu.enqueue_indirect_dma source(%dma_start3A_1196 : memref<13500x128xf32, #tpu.memory_space<hbm>>) target(%arg18 : memref<64x128xf32, #tpu.memory_space<vmem>>) offsets(%dma_start3A_1193 : memref<64xi32, #tpu.memory_space<vmem>>) semaphore(%arg22 : memref<!tpu.dma_semaphore, #tpu.memory_space<semaphore_mem>>) {add = true}
      %dma_start3A_1197 = arith.constant 3 : i32
      %dma_start3A_1198 = arith.constant 0 : i32
      %dma_start3A_1199 = tpu.memref_slice %arg14[%dma_start3A_1197, %dma_start3A_1198] : memref<6x64xi32, #tpu.memory_space<vmem>> -> memref<1x64xi32, #tpu.memory_space<vmem>>
      %dma_start3A_1200 = tpu.memref_squeeze %dma_start3A_1199 : memref<1x64xi32, #tpu.memory_space<vmem>> -> memref<64xi32, #tpu.memory_space<vmem>>
      %dma_start3A_1201 = arith.constant 0 : i32
      %dma_start3A_1202 = arith.constant 0 : i32
      %dma_start3A_1203 = tpu.memref_slice %arg4[%dma_start3A_1201, %dma_start3A_1202] : memref<4800x128xf32, #tpu.memory_space<hbm>> -> memref<4800x128xf32, #tpu.memory_space<hbm>>
      tpu.enqueue_indirect_dma source(%dma_start3A_1203 : memref<4800x128xf32, #tpu.memory_space<hbm>>) target(%arg18 : memref<64x128xf32, #tpu.memory_space<vmem>>) offsets(%dma_start3A_1200 : memref<64xi32, #tpu.memory_space<vmem>>) semaphore(%arg22 : memref<!tpu.dma_semaphore, #tpu.memory_space<semaphore_mem>>) {add = true}
      %ge3A_1204 = arith.constant 1 : i32
      %ge3A_1205 = arith.cmpi sge, %add3A_901, %ge3A_1204 : i32
      %convert_element_type3A_1206 = arith.extui %ge3A_1205 : i1 to i32
      %cond3A_1207 = arith.constant 0 : i32
      %cond3A_1208 = arith.cmpi ne, %convert_element_type3A_1206, %cond3A_1207 : i32
      scf.if %cond3A_1208 {
        %dma_wait3A_1538 = arith.constant 0 : i32
        %dma_wait3A_1539 = arith.constant 0 : i32
        %dma_wait3A_1540 = tpu.memref_slice %arg11[%dma_wait3A_1538, %dma_wait3A_1539] : memref<204800x128xf32, #tpu.memory_space<hbm>> -> memref<64x128xf32, #tpu.memory_space<hbm>>
        %dma_wait3A_1541 = arith.constant 0 : i32
        %dma_wait3A_1542 = arith.constant 0 : i32
        %dma_wait3A_1543 = tpu.memref_slice %arg11[%dma_wait3A_1541, %dma_wait3A_1542] : memref<204800x128xf32, #tpu.memory_space<hbm>> -> memref<64x128xf32, #tpu.memory_space<hbm>>
        tpu.wait_dma2 semaphore(%arg21 : memref<!tpu.dma_semaphore, #tpu.memory_space<semaphore_mem>>) src(%dma_wait3A_1543 : memref<64x128xf32, #tpu.memory_space<hbm>>) dst(%arg17 : memref<64x128xf32, #tpu.memory_space<vmem>>)
        %dma_wait3A_1544 = arith.constant 0 : i32
        %dma_wait3A_1545 = arith.constant 0 : i32
        %dma_wait3A_1546 = tpu.memref_slice %arg11[%dma_wait3A_1544, %dma_wait3A_1545] : memref<204800x128xf32, #tpu.memory_space<hbm>> -> memref<64x128xf32, #tpu.memory_space<hbm>>
        %dma_wait3A_1547 = arith.constant 0 : i32
        %dma_wait3A_1548 = arith.constant 0 : i32
        %dma_wait3A_1549 = tpu.memref_slice %arg11[%dma_wait3A_1547, %dma_wait3A_1548] : memref<204800x128xf32, #tpu.memory_space<hbm>> -> memref<64x128xf32, #tpu.memory_space<hbm>>
        tpu.wait_dma2 semaphore(%arg21 : memref<!tpu.dma_semaphore, #tpu.memory_space<semaphore_mem>>) src(%dma_wait3A_1549 : memref<64x128xf32, #tpu.memory_space<hbm>>) dst(%arg17 : memref<64x128xf32, #tpu.memory_space<vmem>>)
        %dma_wait3A_1550 = arith.constant 0 : i32
        %dma_wait3A_1551 = arith.constant 0 : i32
        %dma_wait3A_1552 = tpu.memref_slice %arg11[%dma_wait3A_1550, %dma_wait3A_1551] : memref<204800x128xf32, #tpu.memory_space<hbm>> -> memref<64x128xf32, #tpu.memory_space<hbm>>
        %dma_wait3A_1553 = arith.constant 0 : i32
        %dma_wait3A_1554 = arith.constant 0 : i32
        %dma_wait3A_1555 = tpu.memref_slice %arg11[%dma_wait3A_1553, %dma_wait3A_1554] : memref<204800x128xf32, #tpu.memory_space<hbm>> -> memref<64x128xf32, #tpu.memory_space<hbm>>
        tpu.wait_dma2 semaphore(%arg21 : memref<!tpu.dma_semaphore, #tpu.memory_space<semaphore_mem>>) src(%dma_wait3A_1555 : memref<64x128xf32, #tpu.memory_space<hbm>>) dst(%arg17 : memref<64x128xf32, #tpu.memory_space<vmem>>)
        %sub3A_1556 = arith.constant 1 : i32
        %sub3A_1557 = arith.subi %add3A_901, %sub3A_1556 : i32
        %mul3A_1558 = arith.constant 64 : i32
        %mul3A_1559 = arith.muli %sub3A_1557, %mul3A_1558 : i32
        %add3A_1560 = arith.addi %mul3A_2, %mul3A_1559 : i32
        %dma_start3A_1561 = arith.constant 0 : i32
        %dma_start3A_1562 = tpu.memref_slice %arg11[%add3A_1560, %dma_start3A_1561] : memref<204800x128xf32, #tpu.memory_space<hbm>> -> memref<64x128xf32, #tpu.memory_space<hbm>>
        %dma_start3A_1563 = arith.constant 0 : i32
        %dma_start3A_1564 = tpu.memref_slice %arg11[%add3A_1560, %dma_start3A_1563] : memref<204800x128xf32, #tpu.memory_space<hbm>> -> memref<64x128xf32, #tpu.memory_space<hbm>>
        tpu.enqueue_dma source(%arg17 : memref<64x128xf32, #tpu.memory_space<vmem>>) target(%dma_start3A_1564 : memref<64x128xf32, #tpu.memory_space<hbm>>) target_semaphore(%arg25 : memref<!tpu.dma_semaphore, #tpu.memory_space<semaphore_mem>>)
      } else {
      }
      %add3A_1209 = arith.constant 4 : i32
      %add3A_1210 = arith.addi %add3A_901, %add3A_1209 : i32
      %sub3A_1211 = arith.constant 1 : i32
      %sub3A_1212 = arith.subi %add3A_1210, %sub3A_1211 : i32
      %lt3A_1213 = arith.constant 100 : i32
      %lt3A_1214 = arith.cmpi slt, %sub3A_1212, %lt3A_1213 : i32
      %convert_element_type3A_1215 = arith.extui %lt3A_1214 : i1 to i32
      %cond3A_1216 = arith.constant 0 : i32
      %cond3A_1217 = arith.cmpi ne, %convert_element_type3A_1215, %cond3A_1216 : i32
      scf.if %cond3A_1217 {
        %add3A_1538 = arith.constant 4 : i32
        %add3A_1539 = arith.addi %add3A_901, %add3A_1538 : i32
        %sub3A_1540 = arith.constant 1 : i32
        %sub3A_1541 = arith.subi %add3A_1539, %sub3A_1540 : i32
        %mul3A_1542 = arith.constant 64 : i32
        %mul3A_1543 = arith.muli %sub3A_1541, %mul3A_1542 : i32
        %add3A_1544 = arith.addi %mul3A_2, %mul3A_1543 : i32
        %dma_start3A_1545 = arith.constant 0 : i32
        %dma_start3A_1546 = arith.constant 0 : i32
        %dma_start3A_1547 = tpu.memref_slice %arg13[%dma_start3A_1545, %dma_start3A_1546] : memref<6x64xi32, #tpu.memory_space<vmem>> -> memref<1x64xi32, #tpu.memory_space<vmem>>
        %dma_start3A_1548 = tpu.memref_squeeze %dma_start3A_1547 : memref<1x64xi32, #tpu.memory_space<vmem>> -> memref<64xi32, #tpu.memory_space<vmem>>
        %dma_start3A_1549 = tpu.memref_slice %arg5[%add3A_1544] : memref<204800xi32, #tpu.memory_space<hbm>> -> memref<64xi32, #tpu.memory_space<hbm>>
        %dma_start3A_1550 = arith.constant 0 : i32
        %dma_start3A_1551 = tpu.memref_slice %arg13[%dma_start3A_1545, %dma_start3A_1550] : memref<6x64xi32, #tpu.memory_space<vmem>> -> memref<1x64xi32, #tpu.memory_space<vmem>>
        %dma_start3A_1552 = tpu.memref_squeeze %dma_start3A_1551 : memref<1x64xi32, #tpu.memory_space<vmem>> -> memref<64xi32, #tpu.memory_space<vmem>>
        %dma_start3A_1553 = tpu.memref_slice %arg5[%add3A_1544] : memref<204800xi32, #tpu.memory_space<hbm>> -> memref<64xi32, #tpu.memory_space<hbm>>
        tpu.enqueue_dma source(%dma_start3A_1553 : memref<64xi32, #tpu.memory_space<hbm>>) target(%dma_start3A_1552 : memref<64xi32, #tpu.memory_space<vmem>>) target_semaphore(%arg29 : memref<!tpu.dma_semaphore, #tpu.memory_space<semaphore_mem>>)
        %mul3A_1554 = arith.constant 64 : i32
        %mul3A_1555 = arith.muli %sub3A_1541, %mul3A_1554 : i32
        %add3A_1556 = arith.addi %mul3A_2, %mul3A_1555 : i32
        %dma_start3A_1557 = arith.constant 1 : i32
        %dma_start3A_1558 = arith.constant 0 : i32
        %dma_start3A_1559 = tpu.memref_slice %arg13[%dma_start3A_1557, %dma_start3A_1558] : memref<6x64xi32, #tpu.memory_space<vmem>> -> memref<1x64xi32, #tpu.memory_space<vmem>>
        %dma_start3A_1560 = tpu.memref_squeeze %dma_start3A_1559 : memref<1x64xi32, #tpu.memory_space<vmem>> -> memref<64xi32, #tpu.memory_space<vmem>>
        %dma_start3A_1561 = tpu.memref_slice %arg6[%add3A_1556] : memref<204800xi32, #tpu.memory_space<hbm>> -> memref<64xi32, #tpu.memory_space<hbm>>
        %dma_start3A_1562 = arith.constant 0 : i32
        %dma_start3A_1563 = tpu.memref_slice %arg13[%dma_start3A_1557, %dma_start3A_1562] : memref<6x64xi32, #tpu.memory_space<vmem>> -> memref<1x64xi32, #tpu.memory_space<vmem>>
        %dma_start3A_1564 = tpu.memref_squeeze %dma_start3A_1563 : memref<1x64xi32, #tpu.memory_space<vmem>> -> memref<64xi32, #tpu.memory_space<vmem>>
        %dma_start3A_1565 = tpu.memref_slice %arg6[%add3A_1556] : memref<204800xi32, #tpu.memory_space<hbm>> -> memref<64xi32, #tpu.memory_space<hbm>>
        tpu.enqueue_dma source(%dma_start3A_1565 : memref<64xi32, #tpu.memory_space<hbm>>) target(%dma_start3A_1564 : memref<64xi32, #tpu.memory_space<vmem>>) target_semaphore(%arg29 : memref<!tpu.dma_semaphore, #tpu.memory_space<semaphore_mem>>)
        %mul3A_1566 = arith.constant 64 : i32
        %mul3A_1567 = arith.muli %sub3A_1541, %mul3A_1566 : i32
        %add3A_1568 = arith.addi %mul3A_2, %mul3A_1567 : i32
        %dma_start3A_1569 = arith.constant 2 : i32
        %dma_start3A_1570 = arith.constant 0 : i32
        %dma_start3A_1571 = tpu.memref_slice %arg13[%dma_start3A_1569, %dma_start3A_1570] : memref<6x64xi32, #tpu.memory_space<vmem>> -> memref<1x64xi32, #tpu.memory_space<vmem>>
        %dma_start3A_1572 = tpu.memref_squeeze %dma_start3A_1571 : memref<1x64xi32, #tpu.memory_space<vmem>> -> memref<64xi32, #tpu.memory_space<vmem>>
        %dma_start3A_1573 = tpu.memref_slice %arg7[%add3A_1568] : memref<204800xi32, #tpu.memory_space<hbm>> -> memref<64xi32, #tpu.memory_space<hbm>>
        %dma_start3A_1574 = arith.constant 0 : i32
        %dma_start3A_1575 = tpu.memref_slice %arg13[%dma_start3A_1569, %dma_start3A_1574] : memref<6x64xi32, #tpu.memory_space<vmem>> -> memref<1x64xi32, #tpu.memory_space<vmem>>
        %dma_start3A_1576 = tpu.memref_squeeze %dma_start3A_1575 : memref<1x64xi32, #tpu.memory_space<vmem>> -> memref<64xi32, #tpu.memory_space<vmem>>
        %dma_start3A_1577 = tpu.memref_slice %arg7[%add3A_1568] : memref<204800xi32, #tpu.memory_space<hbm>> -> memref<64xi32, #tpu.memory_space<hbm>>
        tpu.enqueue_dma source(%dma_start3A_1577 : memref<64xi32, #tpu.memory_space<hbm>>) target(%dma_start3A_1576 : memref<64xi32, #tpu.memory_space<vmem>>) target_semaphore(%arg29 : memref<!tpu.dma_semaphore, #tpu.memory_space<semaphore_mem>>)
        %mul3A_1578 = arith.constant 64 : i32
        %mul3A_1579 = arith.muli %sub3A_1541, %mul3A_1578 : i32
        %add3A_1580 = arith.addi %mul3A_2, %mul3A_1579 : i32
        %dma_start3A_1581 = arith.constant 3 : i32
        %dma_start3A_1582 = arith.constant 0 : i32
        %dma_start3A_1583 = tpu.memref_slice %arg13[%dma_start3A_1581, %dma_start3A_1582] : memref<6x64xi32, #tpu.memory_space<vmem>> -> memref<1x64xi32, #tpu.memory_space<vmem>>
        %dma_start3A_1584 = tpu.memref_squeeze %dma_start3A_1583 : memref<1x64xi32, #tpu.memory_space<vmem>> -> memref<64xi32, #tpu.memory_space<vmem>>
        %dma_start3A_1585 = tpu.memref_slice %arg8[%add3A_1580] : memref<204800xi32, #tpu.memory_space<hbm>> -> memref<64xi32, #tpu.memory_space<hbm>>
        %dma_start3A_1586 = arith.constant 0 : i32
        %dma_start3A_1587 = tpu.memref_slice %arg13[%dma_start3A_1581, %dma_start3A_1586] : memref<6x64xi32, #tpu.memory_space<vmem>> -> memref<1x64xi32, #tpu.memory_space<vmem>>
        %dma_start3A_1588 = tpu.memref_squeeze %dma_start3A_1587 : memref<1x64xi32, #tpu.memory_space<vmem>> -> memref<64xi32, #tpu.memory_space<vmem>>
        %dma_start3A_1589 = tpu.memref_slice %arg8[%add3A_1580] : memref<204800xi32, #tpu.memory_space<hbm>> -> memref<64xi32, #tpu.memory_space<hbm>>
        tpu.enqueue_dma source(%dma_start3A_1589 : memref<64xi32, #tpu.memory_space<hbm>>) target(%dma_start3A_1588 : memref<64xi32, #tpu.memory_space<vmem>>) target_semaphore(%arg29 : memref<!tpu.dma_semaphore, #tpu.memory_space<semaphore_mem>>)
        %mul3A_1590 = arith.constant 64 : i32
        %mul3A_1591 = arith.muli %sub3A_1541, %mul3A_1590 : i32
        %add3A_1592 = arith.addi %mul3A_2, %mul3A_1591 : i32
        %dma_start3A_1593 = arith.constant 4 : i32
        %dma_start3A_1594 = arith.constant 0 : i32
        %dma_start3A_1595 = tpu.memref_slice %arg13[%dma_start3A_1593, %dma_start3A_1594] : memref<6x64xi32, #tpu.memory_space<vmem>> -> memref<1x64xi32, #tpu.memory_space<vmem>>
        %dma_start3A_1596 = tpu.memref_squeeze %dma_start3A_1595 : memref<1x64xi32, #tpu.memory_space<vmem>> -> memref<64xi32, #tpu.memory_space<vmem>>
        %dma_start3A_1597 = tpu.memref_slice %arg9[%add3A_1592] : memref<204800xi32, #tpu.memory_space<hbm>> -> memref<64xi32, #tpu.memory_space<hbm>>
        %dma_start3A_1598 = arith.constant 0 : i32
        %dma_start3A_1599 = tpu.memref_slice %arg13[%dma_start3A_1593, %dma_start3A_1598] : memref<6x64xi32, #tpu.memory_space<vmem>> -> memref<1x64xi32, #tpu.memory_space<vmem>>
        %dma_start3A_1600 = tpu.memref_squeeze %dma_start3A_1599 : memref<1x64xi32, #tpu.memory_space<vmem>> -> memref<64xi32, #tpu.memory_space<vmem>>
        %dma_start3A_1601 = tpu.memref_slice %arg9[%add3A_1592] : memref<204800xi32, #tpu.memory_space<hbm>> -> memref<64xi32, #tpu.memory_space<hbm>>
        tpu.enqueue_dma source(%dma_start3A_1601 : memref<64xi32, #tpu.memory_space<hbm>>) target(%dma_start3A_1600 : memref<64xi32, #tpu.memory_space<vmem>>) target_semaphore(%arg29 : memref<!tpu.dma_semaphore, #tpu.memory_space<semaphore_mem>>)
        %mul3A_1602 = arith.constant 64 : i32
        %mul3A_1603 = arith.muli %sub3A_1541, %mul3A_1602 : i32
        %add3A_1604 = arith.addi %mul3A_2, %mul3A_1603 : i32
        %dma_start3A_1605 = arith.constant 5 : i32
        %dma_start3A_1606 = arith.constant 0 : i32
        %dma_start3A_1607 = tpu.memref_slice %arg13[%dma_start3A_1605, %dma_start3A_1606] : memref<6x64xi32, #tpu.memory_space<vmem>> -> memref<1x64xi32, #tpu.memory_space<vmem>>
        %dma_start3A_1608 = tpu.memref_squeeze %dma_start3A_1607 : memref<1x64xi32, #tpu.memory_space<vmem>> -> memref<64xi32, #tpu.memory_space<vmem>>
        %dma_start3A_1609 = tpu.memref_slice %arg10[%add3A_1604] : memref<204800xi32, #tpu.memory_space<hbm>> -> memref<64xi32, #tpu.memory_space<hbm>>
        %dma_start3A_1610 = arith.constant 0 : i32
        %dma_start3A_1611 = tpu.memref_slice %arg13[%dma_start3A_1605, %dma_start3A_1610] : memref<6x64xi32, #tpu.memory_space<vmem>> -> memref<1x64xi32, #tpu.memory_space<vmem>>
        %dma_start3A_1612 = tpu.memref_squeeze %dma_start3A_1611 : memref<1x64xi32, #tpu.memory_space<vmem>> -> memref<64xi32, #tpu.memory_space<vmem>>
        %dma_start3A_1613 = tpu.memref_slice %arg10[%add3A_1604] : memref<204800xi32, #tpu.memory_space<hbm>> -> memref<64xi32, #tpu.memory_space<hbm>>
        tpu.enqueue_dma source(%dma_start3A_1613 : memref<64xi32, #tpu.memory_space<hbm>>) target(%dma_start3A_1612 : memref<64xi32, #tpu.memory_space<vmem>>) target_semaphore(%arg29 : memref<!tpu.dma_semaphore, #tpu.memory_space<semaphore_mem>>)
      } else {
      }
      %mul3A_1218 = arith.constant 4 : i32
      %mul3A_1219 = arith.muli %scan3A_264, %mul3A_1218 : i32
      %add3A_1220 = arith.constant 3 : i32
      %add3A_1221 = arith.addi %mul3A_1219, %add3A_1220 : i32
      %ge3A_1222 = arith.constant 4 : i32
      %ge3A_1223 = arith.cmpi sge, %add3A_1221, %ge3A_1222 : i32
      %convert_element_type3A_1224 = arith.extui %ge3A_1223 : i1 to i32
      %cond3A_1225 = arith.constant 0 : i32
      %cond3A_1226 = arith.cmpi ne, %convert_element_type3A_1224, %cond3A_1225 : i32
      scf.if %cond3A_1226 {
        %dma_wait3A_1538 = arith.constant 0 : i32
        %dma_wait3A_1539 = arith.constant 0 : i32
        %dma_wait3A_1540 = tpu.memref_slice %arg11[%dma_wait3A_1538, %dma_wait3A_1539] : memref<204800x128xf32, #tpu.memory_space<hbm>> -> memref<64x128xf32, #tpu.memory_space<hbm>>
        %dma_wait3A_1541 = arith.constant 0 : i32
        %dma_wait3A_1542 = arith.constant 0 : i32
        %dma_wait3A_1543 = tpu.memref_slice %arg11[%dma_wait3A_1541, %dma_wait3A_1542] : memref<204800x128xf32, #tpu.memory_space<hbm>> -> memref<64x128xf32, #tpu.memory_space<hbm>>
        tpu.wait_dma2 semaphore(%arg27 : memref<!tpu.dma_semaphore, #tpu.memory_space<semaphore_mem>>) src(%arg19 : memref<64x128xf32, #tpu.memory_space<vmem>>) dst(%dma_wait3A_1543 : memref<64x128xf32, #tpu.memory_space<hbm>>)
      } else {
      }
      %scan3A_1227 = arith.constant 0 : i32
      %scan3A_1228 = arith.constant 0 : i32
      %scan3A_1229 = arith.constant 64 : i32
      %scan3A_1230 = arith.addi %scan3A_1228, %scan3A_1229 : i32
      %scan3A_1231 = arith.constant 1 : i32
      scf.for %scan3A_1538 = %scan3A_1228 to %scan3A_1230 step %scan3A_1231  : i32 {
        %swap3A_1539 = arith.index_cast %scan3A_1538 : i32 to index
        %swap3A_1540 = arith.constant 0 : index
        %swap3A_1541 = tpu.vector_load %arg19[%swap3A_1539, %swap3A_1540] {strides = array<i32>} : memref<64x128xf32, #tpu.memory_space<vmem>>, vector<1x16xf32>,
        %swap3A_1542 = vector.shape_cast %swap3A_1541 : vector<1x16xf32> to vector<16xf32>
        %swap3A_1543 = vector.shape_cast %broadcast_in_dim3A_3 : vector<16xf32> to vector<1x16xf32>
        tpu.vector_store %arg19[%swap3A_1539, %swap3A_1540], %swap3A_1543 {strides = array<i32>} : memref<64x128xf32, #tpu.memory_space<vmem>>, vector<1x16xf32>,
        %swap3A_1544 = arith.index_cast %scan3A_1538 : i32 to index
        %swap3A_1545 = arith.constant 16 : index
        %swap3A_1546 = tpu.vector_load %arg19[%swap3A_1544, %swap3A_1545] {strides = array<i32>} : memref<64x128xf32, #tpu.memory_space<vmem>>, vector<1x16xf32>,
        %swap3A_1547 = vector.shape_cast %swap3A_1546 : vector<1x16xf32> to vector<16xf32>
        %swap3A_1548 = vector.shape_cast %broadcast_in_dim3A_3 : vector<16xf32> to vector<1x16xf32>
        tpu.vector_store %arg19[%swap3A_1544, %swap3A_1545], %swap3A_1548 {strides = array<i32>} : memref<64x128xf32, #tpu.memory_space<vmem>>, vector<1x16xf32>,
        %swap3A_1549 = arith.index_cast %scan3A_1538 : i32 to index
        %swap3A_1550 = arith.constant 32 : index
        %swap3A_1551 = tpu.vector_load %arg19[%swap3A_1549, %swap3A_1550] {strides = array<i32>} : memref<64x128xf32, #tpu.memory_space<vmem>>, vector<1x16xf32>,
        %swap3A_1552 = vector.shape_cast %swap3A_1551 : vector<1x16xf32> to vector<16xf32>
        %swap3A_1553 = vector.shape_cast %broadcast_in_dim3A_3 : vector<16xf32> to vector<1x16xf32>
        tpu.vector_store %arg19[%swap3A_1549, %swap3A_1550], %swap3A_1553 {strides = array<i32>} : memref<64x128xf32, #tpu.memory_space<vmem>>, vector<1x16xf32>,
        %swap3A_1554 = arith.index_cast %scan3A_1538 : i32 to index
        %swap3A_1555 = arith.constant 48 : index
        %swap3A_1556 = tpu.vector_load %arg19[%swap3A_1554, %swap3A_1555] {strides = array<i32>} : memref<64x128xf32, #tpu.memory_space<vmem>>, vector<1x16xf32>,
        %swap3A_1557 = vector.shape_cast %swap3A_1556 : vector<1x16xf32> to vector<16xf32>
        %swap3A_1558 = vector.shape_cast %broadcast_in_dim3A_3 : vector<16xf32> to vector<1x16xf32>
        tpu.vector_store %arg19[%swap3A_1554, %swap3A_1555], %swap3A_1558 {strides = array<i32>} : memref<64x128xf32, #tpu.memory_space<vmem>>, vector<1x16xf32>,
        %swap3A_1559 = arith.index_cast %scan3A_1538 : i32 to index
        %swap3A_1560 = arith.constant 64 : index
        %swap3A_1561 = tpu.vector_load %arg19[%swap3A_1559, %swap3A_1560] {strides = array<i32>} : memref<64x128xf32, #tpu.memory_space<vmem>>, vector<1x16xf32>,
        %swap3A_1562 = vector.shape_cast %swap3A_1561 : vector<1x16xf32> to vector<16xf32>
        %swap3A_1563 = vector.shape_cast %broadcast_in_dim3A_3 : vector<16xf32> to vector<1x16xf32>
        tpu.vector_store %arg19[%swap3A_1559, %swap3A_1560], %swap3A_1563 {strides = array<i32>} : memref<64x128xf32, #tpu.memory_space<vmem>>, vector<1x16xf32>,
        %swap3A_1564 = arith.index_cast %scan3A_1538 : i32 to index
        %swap3A_1565 = arith.constant 80 : index
        %swap3A_1566 = tpu.vector_load %arg19[%swap3A_1564, %swap3A_1565] {strides = array<i32>} : memref<64x128xf32, #tpu.memory_space<vmem>>, vector<1x16xf32>,
        %swap3A_1567 = vector.shape_cast %swap3A_1566 : vector<1x16xf32> to vector<16xf32>
        %swap3A_1568 = vector.shape_cast %broadcast_in_dim3A_3 : vector<16xf32> to vector<1x16xf32>
        tpu.vector_store %arg19[%swap3A_1564, %swap3A_1565], %swap3A_1568 {strides = array<i32>} : memref<64x128xf32, #tpu.memory_space<vmem>>, vector<1x16xf32>,
        %swap3A_1569 = arith.index_cast %scan3A_1538 : i32 to index
        %swap3A_1570 = arith.constant 96 : index
        %swap3A_1571 = tpu.vector_load %arg19[%swap3A_1569, %swap3A_1570] {strides = array<i32>} : memref<64x128xf32, #tpu.memory_space<vmem>>, vector<1x16xf32>,
        %swap3A_1572 = vector.shape_cast %swap3A_1571 : vector<1x16xf32> to vector<16xf32>
        %swap3A_1573 = vector.shape_cast %broadcast_in_dim3A_3 : vector<16xf32> to vector<1x16xf32>
        tpu.vector_store %arg19[%swap3A_1569, %swap3A_1570], %swap3A_1573 {strides = array<i32>} : memref<64x128xf32, #tpu.memory_space<vmem>>, vector<1x16xf32>,
        %swap3A_1574 = arith.index_cast %scan3A_1538 : i32 to index
        %swap3A_1575 = arith.constant 112 : index
        %swap3A_1576 = tpu.vector_load %arg19[%swap3A_1574, %swap3A_1575] {strides = array<i32>} : memref<64x128xf32, #tpu.memory_space<vmem>>, vector<1x16xf32>,
        %swap3A_1577 = vector.shape_cast %swap3A_1576 : vector<1x16xf32> to vector<16xf32>
        %swap3A_1578 = vector.shape_cast %broadcast_in_dim3A_3 : vector<16xf32> to vector<1x16xf32>
        tpu.vector_store %arg19[%swap3A_1574, %swap3A_1575], %swap3A_1578 {strides = array<i32>} : memref<64x128xf32, #tpu.memory_space<vmem>>, vector<1x16xf32>,
      }
      %scan3A_1232 = arith.constant 64 : i32
      %dma_wait3A_1233 = arith.constant 0 : i32
      %dma_wait3A_1234 = arith.constant 0 : i32
      %dma_wait3A_1235 = tpu.memref_slice %arg15[%dma_wait3A_1233, %dma_wait3A_1234] : memref<6x64xi32, #tpu.memory_space<vmem>> -> memref<1x64xi32, #tpu.memory_space<vmem>>
      %dma_wait3A_1236 = tpu.memref_squeeze %dma_wait3A_1235 : memref<1x64xi32, #tpu.memory_space<vmem>> -> memref<64xi32, #tpu.memory_space<vmem>>
      %dma_wait3A_1237 = arith.constant 0 : i32
      %dma_wait3A_1238 = tpu.memref_slice %arg5[%dma_wait3A_1237] : memref<204800xi32, #tpu.memory_space<hbm>> -> memref<64xi32, #tpu.memory_space<hbm>>
      %dma_wait3A_1239 = arith.constant 0 : i32
      %dma_wait3A_1240 = tpu.memref_slice %arg15[%dma_wait3A_1233, %dma_wait3A_1239] : memref<6x64xi32, #tpu.memory_space<vmem>> -> memref<1x64xi32, #tpu.memory_space<vmem>>
      %dma_wait3A_1241 = tpu.memref_squeeze %dma_wait3A_1240 : memref<1x64xi32, #tpu.memory_space<vmem>> -> memref<64xi32, #tpu.memory_space<vmem>>
      %dma_wait3A_1242 = arith.constant 0 : i32
      %dma_wait3A_1243 = tpu.memref_slice %arg5[%dma_wait3A_1242] : memref<204800xi32, #tpu.memory_space<hbm>> -> memref<64xi32, #tpu.memory_space<hbm>>
      tpu.wait_dma2 semaphore(%arg31 : memref<!tpu.dma_semaphore, #tpu.memory_space<semaphore_mem>>) src(%dma_wait3A_1243 : memref<64xi32, #tpu.memory_space<hbm>>) dst(%dma_wait3A_1241 : memref<64xi32, #tpu.memory_space<vmem>>)
      %dma_wait3A_1244 = arith.constant 1 : i32
      %dma_wait3A_1245 = arith.constant 0 : i32
      %dma_wait3A_1246 = tpu.memref_slice %arg15[%dma_wait3A_1244, %dma_wait3A_1245] : memref<6x64xi32, #tpu.memory_space<vmem>> -> memref<1x64xi32, #tpu.memory_space<vmem>>
      %dma_wait3A_1247 = tpu.memref_squeeze %dma_wait3A_1246 : memref<1x64xi32, #tpu.memory_space<vmem>> -> memref<64xi32, #tpu.memory_space<vmem>>
      %dma_wait3A_1248 = arith.constant 0 : i32
      %dma_wait3A_1249 = tpu.memref_slice %arg5[%dma_wait3A_1248] : memref<204800xi32, #tpu.memory_space<hbm>> -> memref<64xi32, #tpu.memory_space<hbm>>
      %dma_wait3A_1250 = arith.constant 0 : i32
      %dma_wait3A_1251 = tpu.memref_slice %arg15[%dma_wait3A_1244, %dma_wait3A_1250] : memref<6x64xi32, #tpu.memory_space<vmem>> -> memref<1x64xi32, #tpu.memory_space<vmem>>
      %dma_wait3A_1252 = tpu.memref_squeeze %dma_wait3A_1251 : memref<1x64xi32, #tpu.memory_space<vmem>> -> memref<64xi32, #tpu.memory_space<vmem>>
      %dma_wait3A_1253 = arith.constant 0 : i32
      %dma_wait3A_1254 = tpu.memref_slice %arg5[%dma_wait3A_1253] : memref<204800xi32, #tpu.memory_space<hbm>> -> memref<64xi32, #tpu.memory_space<hbm>>
      tpu.wait_dma2 semaphore(%arg31 : memref<!tpu.dma_semaphore, #tpu.memory_space<semaphore_mem>>) src(%dma_wait3A_1254 : memref<64xi32, #tpu.memory_space<hbm>>) dst(%dma_wait3A_1252 : memref<64xi32, #tpu.memory_space<vmem>>)
      %dma_wait3A_1255 = arith.constant 2 : i32
      %dma_wait3A_1256 = arith.constant 0 : i32
      %dma_wait3A_1257 = tpu.memref_slice %arg15[%dma_wait3A_1255, %dma_wait3A_1256] : memref<6x64xi32, #tpu.memory_space<vmem>> -> memref<1x64xi32, #tpu.memory_space<vmem>>
      %dma_wait3A_1258 = tpu.memref_squeeze %dma_wait3A_1257 : memref<1x64xi32, #tpu.memory_space<vmem>> -> memref<64xi32, #tpu.memory_space<vmem>>
      %dma_wait3A_1259 = arith.constant 0 : i32
      %dma_wait3A_1260 = tpu.memref_slice %arg5[%dma_wait3A_1259] : memref<204800xi32, #tpu.memory_space<hbm>> -> memref<64xi32, #tpu.memory_space<hbm>>
      %dma_wait3A_1261 = arith.constant 0 : i32
      %dma_wait3A_1262 = tpu.memref_slice %arg15[%dma_wait3A_1255, %dma_wait3A_1261] : memref<6x64xi32, #tpu.memory_space<vmem>> -> memref<1x64xi32, #tpu.memory_space<vmem>>
      %dma_wait3A_1263 = tpu.memref_squeeze %dma_wait3A_1262 : memref<1x64xi32, #tpu.memory_space<vmem>> -> memref<64xi32, #tpu.memory_space<vmem>>
      %dma_wait3A_1264 = arith.constant 0 : i32
      %dma_wait3A_1265 = tpu.memref_slice %arg5[%dma_wait3A_1264] : memref<204800xi32, #tpu.memory_space<hbm>> -> memref<64xi32, #tpu.memory_space<hbm>>
      tpu.wait_dma2 semaphore(%arg31 : memref<!tpu.dma_semaphore, #tpu.memory_space<semaphore_mem>>) src(%dma_wait3A_1265 : memref<64xi32, #tpu.memory_space<hbm>>) dst(%dma_wait3A_1263 : memref<64xi32, #tpu.memory_space<vmem>>)
      %dma_wait3A_1266 = arith.constant 3 : i32
      %dma_wait3A_1267 = arith.constant 0 : i32
      %dma_wait3A_1268 = tpu.memref_slice %arg15[%dma_wait3A_1266, %dma_wait3A_1267] : memref<6x64xi32, #tpu.memory_space<vmem>> -> memref<1x64xi32, #tpu.memory_space<vmem>>
      %dma_wait3A_1269 = tpu.memref_squeeze %dma_wait3A_1268 : memref<1x64xi32, #tpu.memory_space<vmem>> -> memref<64xi32, #tpu.memory_space<vmem>>
      %dma_wait3A_1270 = arith.constant 0 : i32
      %dma_wait3A_1271 = tpu.memref_slice %arg5[%dma_wait3A_1270] : memref<204800xi32, #tpu.memory_space<hbm>> -> memref<64xi32, #tpu.memory_space<hbm>>
      %dma_wait3A_1272 = arith.constant 0 : i32
      %dma_wait3A_1273 = tpu.memref_slice %arg15[%dma_wait3A_1266, %dma_wait3A_1272] : memref<6x64xi32, #tpu.memory_space<vmem>> -> memref<1x64xi32, #tpu.memory_space<vmem>>
      %dma_wait3A_1274 = tpu.memref_squeeze %dma_wait3A_1273 : memref<1x64xi32, #tpu.memory_space<vmem>> -> memref<64xi32, #tpu.memory_space<vmem>>
      %dma_wait3A_1275 = arith.constant 0 : i32
      %dma_wait3A_1276 = tpu.memref_slice %arg5[%dma_wait3A_1275] : memref<204800xi32, #tpu.memory_space<hbm>> -> memref<64xi32, #tpu.memory_space<hbm>>
      tpu.wait_dma2 semaphore(%arg31 : memref<!tpu.dma_semaphore, #tpu.memory_space<semaphore_mem>>) src(%dma_wait3A_1276 : memref<64xi32, #tpu.memory_space<hbm>>) dst(%dma_wait3A_1274 : memref<64xi32, #tpu.memory_space<vmem>>)
      %dma_wait3A_1277 = arith.constant 4 : i32
      %dma_wait3A_1278 = arith.constant 0 : i32
      %dma_wait3A_1279 = tpu.memref_slice %arg15[%dma_wait3A_1277, %dma_wait3A_1278] : memref<6x64xi32, #tpu.memory_space<vmem>> -> memref<1x64xi32, #tpu.memory_space<vmem>>
      %dma_wait3A_1280 = tpu.memref_squeeze %dma_wait3A_1279 : memref<1x64xi32, #tpu.memory_space<vmem>> -> memref<64xi32, #tpu.memory_space<vmem>>
      %dma_wait3A_1281 = arith.constant 0 : i32
      %dma_wait3A_1282 = tpu.memref_slice %arg5[%dma_wait3A_1281] : memref<204800xi32, #tpu.memory_space<hbm>> -> memref<64xi32, #tpu.memory_space<hbm>>
      %dma_wait3A_1283 = arith.constant 0 : i32
      %dma_wait3A_1284 = tpu.memref_slice %arg15[%dma_wait3A_1277, %dma_wait3A_1283] : memref<6x64xi32, #tpu.memory_space<vmem>> -> memref<1x64xi32, #tpu.memory_space<vmem>>
      %dma_wait3A_1285 = tpu.memref_squeeze %dma_wait3A_1284 : memref<1x64xi32, #tpu.memory_space<vmem>> -> memref<64xi32, #tpu.memory_space<vmem>>
      %dma_wait3A_1286 = arith.constant 0 : i32
      %dma_wait3A_1287 = tpu.memref_slice %arg5[%dma_wait3A_1286] : memref<204800xi32, #tpu.memory_space<hbm>> -> memref<64xi32, #tpu.memory_space<hbm>>
      tpu.wait_dma2 semaphore(%arg31 : memref<!tpu.dma_semaphore, #tpu.memory_space<semaphore_mem>>) src(%dma_wait3A_1287 : memref<64xi32, #tpu.memory_space<hbm>>) dst(%dma_wait3A_1285 : memref<64xi32, #tpu.memory_space<vmem>>)
      %dma_wait3A_1288 = arith.constant 5 : i32
      %dma_wait3A_1289 = arith.constant 0 : i32
      %dma_wait3A_1290 = tpu.memref_slice %arg15[%dma_wait3A_1288, %dma_wait3A_1289] : memref<6x64xi32, #tpu.memory_space<vmem>> -> memref<1x64xi32, #tpu.memory_space<vmem>>
      %dma_wait3A_1291 = tpu.memref_squeeze %dma_wait3A_1290 : memref<1x64xi32, #tpu.memory_space<vmem>> -> memref<64xi32, #tpu.memory_space<vmem>>
      %dma_wait3A_1292 = arith.constant 0 : i32
      %dma_wait3A_1293 = tpu.memref_slice %arg5[%dma_wait3A_1292] : memref<204800xi32, #tpu.memory_space<hbm>> -> memref<64xi32, #tpu.memory_space<hbm>>
      %dma_wait3A_1294 = arith.constant 0 : i32
      %dma_wait3A_1295 = tpu.memref_slice %arg15[%dma_wait3A_1288, %dma_wait3A_1294] : memref<6x64xi32, #tpu.memory_space<vmem>> -> memref<1x64xi32, #tpu.memory_space<vmem>>
      %dma_wait3A_1296 = tpu.memref_squeeze %dma_wait3A_1295 : memref<1x64xi32, #tpu.memory_space<vmem>> -> memref<64xi32, #tpu.memory_space<vmem>>
      %dma_wait3A_1297 = arith.constant 0 : i32
      %dma_wait3A_1298 = tpu.memref_slice %arg5[%dma_wait3A_1297] : memref<204800xi32, #tpu.memory_space<hbm>> -> memref<64xi32, #tpu.memory_space<hbm>>
      tpu.wait_dma2 semaphore(%arg31 : memref<!tpu.dma_semaphore, #tpu.memory_space<semaphore_mem>>) src(%dma_wait3A_1298 : memref<64xi32, #tpu.memory_space<hbm>>) dst(%dma_wait3A_1296 : memref<64xi32, #tpu.memory_space<vmem>>)
      %get3A_1299 = arith.constant 1 : i32
      %get3A_1300 = arith.index_cast %get3A_1299 : i32 to index
      %get3A_1301 = arith.constant 0 : index
      %get3A_1302 = tpu.vector_load %arg15[%get3A_1300, %get3A_1301] {strides = array<i32>} : memref<6x64xi32, #tpu.memory_space<vmem>>, vector<1x16xi32>,
      %get3A_1303 = vector.shape_cast %get3A_1302 : vector<1x16xi32> to vector<16xi32>
      %mul3A_1304 = arith.constant 15 : i32
      %mul3A_1305 = vector.broadcast %mul3A_1304 : i32 to vector<16xi32>
      %mul3A_1306 = arith.muli %get3A_1303, %mul3A_1305 : vector<16xi32>
      %get3A_1307 = arith.constant 2 : i32
      %get3A_1308 = arith.index_cast %get3A_1307 : i32 to index
      %get3A_1309 = arith.constant 0 : index
      %get3A_1310 = tpu.vector_load %arg15[%get3A_1308, %get3A_1309] {strides = array<i32>} : memref<6x64xi32, #tpu.memory_space<vmem>>, vector<1x16xi32>,
      %get3A_1311 = vector.shape_cast %get3A_1310 : vector<1x16xi32> to vector<16xi32>
      %add3A_1312 = arith.addi %mul3A_1306, %get3A_1311 : vector<16xi32>
      %mul3A_1313 = arith.constant 15 : i32
      %mul3A_1314 = vector.broadcast %mul3A_1313 : i32 to vector<16xi32>
      %mul3A_1315 = arith.muli %add3A_1312, %mul3A_1314 : vector<16xi32>
      %get3A_1316 = arith.constant 5 : i32
      %get3A_1317 = arith.index_cast %get3A_1316 : i32 to index
      %get3A_1318 = arith.constant 0 : index
      %get3A_1319 = tpu.vector_load %arg15[%get3A_1317, %get3A_1318] {strides = array<i32>} : memref<6x64xi32, #tpu.memory_space<vmem>>, vector<1x16xi32>,
      %get3A_1320 = vector.shape_cast %get3A_1319 : vector<1x16xi32> to vector<16xi32>
      %add3A_1321 = arith.addi %mul3A_1315, %get3A_1320 : vector<16xi32>
      %add3A_1322 = arith.addi %add3A_1321, %mul3A_8 : vector<16xi32>
      %swap3A_1323 = arith.constant 1 : i32
      %swap3A_1324 = arith.index_cast %swap3A_1323 : i32 to index
      %swap3A_1325 = arith.constant 0 : index
      %swap3A_1326 = tpu.vector_load %arg15[%swap3A_1324, %swap3A_1325] {strides = array<i32>} : memref<6x64xi32, #tpu.memory_space<vmem>>, vector<1x16xi32>,
      %swap3A_1327 = vector.shape_cast %swap3A_1326 : vector<1x16xi32> to vector<16xi32>
      %swap3A_1328 = vector.shape_cast %add3A_1322 : vector<16xi32> to vector<1x16xi32>
      tpu.vector_store %arg15[%swap3A_1324, %swap3A_1325], %swap3A_1328 {strides = array<i32>} : memref<6x64xi32, #tpu.memory_space<vmem>>, vector<1x16xi32>,
      %get3A_1329 = arith.constant 3 : i32
      %get3A_1330 = arith.index_cast %get3A_1329 : i32 to index
      %get3A_1331 = arith.constant 0 : index
      %get3A_1332 = tpu.vector_load %arg15[%get3A_1330, %get3A_1331] {strides = array<i32>} : memref<6x64xi32, #tpu.memory_space<vmem>>, vector<1x16xi32>,
      %get3A_1333 = vector.shape_cast %get3A_1332 : vector<1x16xi32> to vector<16xi32>
      %mul3A_1334 = arith.constant 200 : i32
      %mul3A_1335 = vector.broadcast %mul3A_1334 : i32 to vector<16xi32>
      %mul3A_1336 = arith.muli %get3A_1333, %mul3A_1335 : vector<16xi32>
      %get3A_1337 = arith.constant 4 : i32
      %get3A_1338 = arith.index_cast %get3A_1337 : i32 to index
      %get3A_1339 = arith.constant 0 : index
      %get3A_1340 = tpu.vector_load %arg15[%get3A_1338, %get3A_1339] {strides = array<i32>} : memref<6x64xi32, #tpu.memory_space<vmem>>, vector<1x16xi32>,
      %get3A_1341 = vector.shape_cast %get3A_1340 : vector<1x16xi32> to vector<16xi32>
      %add3A_1342 = arith.addi %mul3A_1336, %get3A_1341 : vector<16xi32>
      %add3A_1343 = arith.addi %add3A_1342, %mul3A_14 : vector<16xi32>
      %swap3A_1344 = arith.constant 3 : i32
      %swap3A_1345 = arith.index_cast %swap3A_1344 : i32 to index
      %swap3A_1346 = arith.constant 0 : index
      %swap3A_1347 = tpu.vector_load %arg15[%swap3A_1345, %swap3A_1346] {strides = array<i32>} : memref<6x64xi32, #tpu.memory_space<vmem>>, vector<1x16xi32>,
      %swap3A_1348 = vector.shape_cast %swap3A_1347 : vector<1x16xi32> to vector<16xi32>
      %swap3A_1349 = vector.shape_cast %add3A_1343 : vector<16xi32> to vector<1x16xi32>
      tpu.vector_store %arg15[%swap3A_1345, %swap3A_1346], %swap3A_1349 {strides = array<i32>} : memref<6x64xi32, #tpu.memory_space<vmem>>, vector<1x16xi32>,
      %get3A_1350 = arith.constant 1 : i32
      %get3A_1351 = arith.index_cast %get3A_1350 : i32 to index
      %get3A_1352 = arith.constant 16 : index
      %get3A_1353 = tpu.vector_load %arg15[%get3A_1351, %get3A_1352] {strides = array<i32>} : memref<6x64xi32, #tpu.memory_space<vmem>>, vector<1x16xi32>,
      %get3A_1354 = vector.shape_cast %get3A_1353 : vector<1x16xi32> to vector<16xi32>
      %mul3A_1355 = arith.constant 15 : i32
      %mul3A_1356 = vector.broadcast %mul3A_1355 : i32 to vector<16xi32>
      %mul3A_1357 = arith.muli %get3A_1354, %mul3A_1356 : vector<16xi32>
      %get3A_1358 = arith.constant 2 : i32
      %get3A_1359 = arith.index_cast %get3A_1358 : i32 to index
      %get3A_1360 = arith.constant 16 : index
      %get3A_1361 = tpu.vector_load %arg15[%get3A_1359, %get3A_1360] {strides = array<i32>} : memref<6x64xi32, #tpu.memory_space<vmem>>, vector<1x16xi32>,
      %get3A_1362 = vector.shape_cast %get3A_1361 : vector<1x16xi32> to vector<16xi32>
      %add3A_1363 = arith.addi %mul3A_1357, %get3A_1362 : vector<16xi32>
      %mul3A_1364 = arith.constant 15 : i32
      %mul3A_1365 = vector.broadcast %mul3A_1364 : i32 to vector<16xi32>
      %mul3A_1366 = arith.muli %add3A_1363, %mul3A_1365 : vector<16xi32>
      %get3A_1367 = arith.constant 5 : i32
      %get3A_1368 = arith.index_cast %get3A_1367 : i32 to index
      %get3A_1369 = arith.constant 16 : index
      %get3A_1370 = tpu.vector_load %arg15[%get3A_1368, %get3A_1369] {strides = array<i32>} : memref<6x64xi32, #tpu.memory_space<vmem>>, vector<1x16xi32>,
      %get3A_1371 = vector.shape_cast %get3A_1370 : vector<1x16xi32> to vector<16xi32>
      %add3A_1372 = arith.addi %mul3A_1366, %get3A_1371 : vector<16xi32>
      %add3A_1373 = arith.addi %add3A_1372, %mul3A_8 : vector<16xi32>
      %swap3A_1374 = arith.constant 1 : i32
      %swap3A_1375 = arith.index_cast %swap3A_1374 : i32 to index
      %swap3A_1376 = arith.constant 16 : index
      %swap3A_1377 = tpu.vector_load %arg15[%swap3A_1375, %swap3A_1376] {strides = array<i32>} : memref<6x64xi32, #tpu.memory_space<vmem>>, vector<1x16xi32>,
      %swap3A_1378 = vector.shape_cast %swap3A_1377 : vector<1x16xi32> to vector<16xi32>
      %swap3A_1379 = vector.shape_cast %add3A_1373 : vector<16xi32> to vector<1x16xi32>
      tpu.vector_store %arg15[%swap3A_1375, %swap3A_1376], %swap3A_1379 {strides = array<i32>} : memref<6x64xi32, #tpu.memory_space<vmem>>, vector<1x16xi32>,
      %get3A_1380 = arith.constant 3 : i32
      %get3A_1381 = arith.index_cast %get3A_1380 : i32 to index
      %get3A_1382 = arith.constant 16 : index
      %get3A_1383 = tpu.vector_load %arg15[%get3A_1381, %get3A_1382] {strides = array<i32>} : memref<6x64xi32, #tpu.memory_space<vmem>>, vector<1x16xi32>,
      %get3A_1384 = vector.shape_cast %get3A_1383 : vector<1x16xi32> to vector<16xi32>
      %mul3A_1385 = arith.constant 200 : i32
      %mul3A_1386 = vector.broadcast %mul3A_1385 : i32 to vector<16xi32>
      %mul3A_1387 = arith.muli %get3A_1384, %mul3A_1386 : vector<16xi32>
      %get3A_1388 = arith.constant 4 : i32
      %get3A_1389 = arith.index_cast %get3A_1388 : i32 to index
      %get3A_1390 = arith.constant 16 : index
      %get3A_1391 = tpu.vector_load %arg15[%get3A_1389, %get3A_1390] {strides = array<i32>} : memref<6x64xi32, #tpu.memory_space<vmem>>, vector<1x16xi32>,
      %get3A_1392 = vector.shape_cast %get3A_1391 : vector<1x16xi32> to vector<16xi32>
      %add3A_1393 = arith.addi %mul3A_1387, %get3A_1392 : vector<16xi32>
      %add3A_1394 = arith.addi %add3A_1393, %mul3A_14 : vector<16xi32>
      %swap3A_1395 = arith.constant 3 : i32
      %swap3A_1396 = arith.index_cast %swap3A_1395 : i32 to index
      %swap3A_1397 = arith.constant 16 : index
      %swap3A_1398 = tpu.vector_load %arg15[%swap3A_1396, %swap3A_1397] {strides = array<i32>} : memref<6x64xi32, #tpu.memory_space<vmem>>, vector<1x16xi32>,
      %swap3A_1399 = vector.shape_cast %swap3A_1398 : vector<1x16xi32> to vector<16xi32>
      %swap3A_1400 = vector.shape_cast %add3A_1394 : vector<16xi32> to vector<1x16xi32>
      tpu.vector_store %arg15[%swap3A_1396, %swap3A_1397], %swap3A_1400 {strides = array<i32>} : memref<6x64xi32, #tpu.memory_space<vmem>>, vector<1x16xi32>,
      %get3A_1401 = arith.constant 1 : i32
      %get3A_1402 = arith.index_cast %get3A_1401 : i32 to index
      %get3A_1403 = arith.constant 32 : index
      %get3A_1404 = tpu.vector_load %arg15[%get3A_1402, %get3A_1403] {strides = array<i32>} : memref<6x64xi32, #tpu.memory_space<vmem>>, vector<1x16xi32>,
      %get3A_1405 = vector.shape_cast %get3A_1404 : vector<1x16xi32> to vector<16xi32>
      %mul3A_1406 = arith.constant 15 : i32
      %mul3A_1407 = vector.broadcast %mul3A_1406 : i32 to vector<16xi32>
      %mul3A_1408 = arith.muli %get3A_1405, %mul3A_1407 : vector<16xi32>
      %get3A_1409 = arith.constant 2 : i32
      %get3A_1410 = arith.index_cast %get3A_1409 : i32 to index
      %get3A_1411 = arith.constant 32 : index
      %get3A_1412 = tpu.vector_load %arg15[%get3A_1410, %get3A_1411] {strides = array<i32>} : memref<6x64xi32, #tpu.memory_space<vmem>>, vector<1x16xi32>,
      %get3A_1413 = vector.shape_cast %get3A_1412 : vector<1x16xi32> to vector<16xi32>
      %add3A_1414 = arith.addi %mul3A_1408, %get3A_1413 : vector<16xi32>
      %mul3A_1415 = arith.constant 15 : i32
      %mul3A_1416 = vector.broadcast %mul3A_1415 : i32 to vector<16xi32>
      %mul3A_1417 = arith.muli %add3A_1414, %mul3A_1416 : vector<16xi32>
      %get3A_1418 = arith.constant 5 : i32
      %get3A_1419 = arith.index_cast %get3A_1418 : i32 to index
      %get3A_1420 = arith.constant 32 : index
      %get3A_1421 = tpu.vector_load %arg15[%get3A_1419, %get3A_1420] {strides = array<i32>} : memref<6x64xi32, #tpu.memory_space<vmem>>, vector<1x16xi32>,
      %get3A_1422 = vector.shape_cast %get3A_1421 : vector<1x16xi32> to vector<16xi32>
      %add3A_1423 = arith.addi %mul3A_1417, %get3A_1422 : vector<16xi32>
      %add3A_1424 = arith.addi %add3A_1423, %mul3A_8 : vector<16xi32>
      %swap3A_1425 = arith.constant 1 : i32
      %swap3A_1426 = arith.index_cast %swap3A_1425 : i32 to index
      %swap3A_1427 = arith.constant 32 : index
      %swap3A_1428 = tpu.vector_load %arg15[%swap3A_1426, %swap3A_1427] {strides = array<i32>} : memref<6x64xi32, #tpu.memory_space<vmem>>, vector<1x16xi32>,
      %swap3A_1429 = vector.shape_cast %swap3A_1428 : vector<1x16xi32> to vector<16xi32>
      %swap3A_1430 = vector.shape_cast %add3A_1424 : vector<16xi32> to vector<1x16xi32>
      tpu.vector_store %arg15[%swap3A_1426, %swap3A_1427], %swap3A_1430 {strides = array<i32>} : memref<6x64xi32, #tpu.memory_space<vmem>>, vector<1x16xi32>,
      %get3A_1431 = arith.constant 3 : i32
      %get3A_1432 = arith.index_cast %get3A_1431 : i32 to index
      %get3A_1433 = arith.constant 32 : index
      %get3A_1434 = tpu.vector_load %arg15[%get3A_1432, %get3A_1433] {strides = array<i32>} : memref<6x64xi32, #tpu.memory_space<vmem>>, vector<1x16xi32>,
      %get3A_1435 = vector.shape_cast %get3A_1434 : vector<1x16xi32> to vector<16xi32>
      %mul3A_1436 = arith.constant 200 : i32
      %mul3A_1437 = vector.broadcast %mul3A_1436 : i32 to vector<16xi32>
      %mul3A_1438 = arith.muli %get3A_1435, %mul3A_1437 : vector<16xi32>
      %get3A_1439 = arith.constant 4 : i32
      %get3A_1440 = arith.index_cast %get3A_1439 : i32 to index
      %get3A_1441 = arith.constant 32 : index
      %get3A_1442 = tpu.vector_load %arg15[%get3A_1440, %get3A_1441] {strides = array<i32>} : memref<6x64xi32, #tpu.memory_space<vmem>>, vector<1x16xi32>,
      %get3A_1443 = vector.shape_cast %get3A_1442 : vector<1x16xi32> to vector<16xi32>
      %add3A_1444 = arith.addi %mul3A_1438, %get3A_1443 : vector<16xi32>
      %add3A_1445 = arith.addi %add3A_1444, %mul3A_14 : vector<16xi32>
      %swap3A_1446 = arith.constant 3 : i32
      %swap3A_1447 = arith.index_cast %swap3A_1446 : i32 to index
      %swap3A_1448 = arith.constant 32 : index
      %swap3A_1449 = tpu.vector_load %arg15[%swap3A_1447, %swap3A_1448] {strides = array<i32>} : memref<6x64xi32, #tpu.memory_space<vmem>>, vector<1x16xi32>,
      %swap3A_1450 = vector.shape_cast %swap3A_1449 : vector<1x16xi32> to vector<16xi32>
      %swap3A_1451 = vector.shape_cast %add3A_1445 : vector<16xi32> to vector<1x16xi32>
      tpu.vector_store %arg15[%swap3A_1447, %swap3A_1448], %swap3A_1451 {strides = array<i32>} : memref<6x64xi32, #tpu.memory_space<vmem>>, vector<1x16xi32>,
      %get3A_1452 = arith.constant 1 : i32
      %get3A_1453 = arith.index_cast %get3A_1452 : i32 to index
      %get3A_1454 = arith.constant 48 : index
      %get3A_1455 = tpu.vector_load %arg15[%get3A_1453, %get3A_1454] {strides = array<i32>} : memref<6x64xi32, #tpu.memory_space<vmem>>, vector<1x16xi32>,
      %get3A_1456 = vector.shape_cast %get3A_1455 : vector<1x16xi32> to vector<16xi32>
      %mul3A_1457 = arith.constant 15 : i32
      %mul3A_1458 = vector.broadcast %mul3A_1457 : i32 to vector<16xi32>
      %mul3A_1459 = arith.muli %get3A_1456, %mul3A_1458 : vector<16xi32>
      %get3A_1460 = arith.constant 2 : i32
      %get3A_1461 = arith.index_cast %get3A_1460 : i32 to index
      %get3A_1462 = arith.constant 48 : index
      %get3A_1463 = tpu.vector_load %arg15[%get3A_1461, %get3A_1462] {strides = array<i32>} : memref<6x64xi32, #tpu.memory_space<vmem>>, vector<1x16xi32>,
      %get3A_1464 = vector.shape_cast %get3A_1463 : vector<1x16xi32> to vector<16xi32>
      %add3A_1465 = arith.addi %mul3A_1459, %get3A_1464 : vector<16xi32>
      %mul3A_1466 = arith.constant 15 : i32
      %mul3A_1467 = vector.broadcast %mul3A_1466 : i32 to vector<16xi32>
      %mul3A_1468 = arith.muli %add3A_1465, %mul3A_1467 : vector<16xi32>
      %get3A_1469 = arith.constant 5 : i32
      %get3A_1470 = arith.index_cast %get3A_1469 : i32 to index
      %get3A_1471 = arith.constant 48 : index
      %get3A_1472 = tpu.vector_load %arg15[%get3A_1470, %get3A_1471] {strides = array<i32>} : memref<6x64xi32, #tpu.memory_space<vmem>>, vector<1x16xi32>,
      %get3A_1473 = vector.shape_cast %get3A_1472 : vector<1x16xi32> to vector<16xi32>
      %add3A_1474 = arith.addi %mul3A_1468, %get3A_1473 : vector<16xi32>
      %add3A_1475 = arith.addi %add3A_1474, %mul3A_8 : vector<16xi32>
      %swap3A_1476 = arith.constant 1 : i32
      %swap3A_1477 = arith.index_cast %swap3A_1476 : i32 to index
      %swap3A_1478 = arith.constant 48 : index
      %swap3A_1479 = tpu.vector_load %arg15[%swap3A_1477, %swap3A_1478] {strides = array<i32>} : memref<6x64xi32, #tpu.memory_space<vmem>>, vector<1x16xi32>,
      %swap3A_1480 = vector.shape_cast %swap3A_1479 : vector<1x16xi32> to vector<16xi32>
      %swap3A_1481 = vector.shape_cast %add3A_1475 : vector<16xi32> to vector<1x16xi32>
      tpu.vector_store %arg15[%swap3A_1477, %swap3A_1478], %swap3A_1481 {strides = array<i32>} : memref<6x64xi32, #tpu.memory_space<vmem>>, vector<1x16xi32>,
      %get3A_1482 = arith.constant 3 : i32
      %get3A_1483 = arith.index_cast %get3A_1482 : i32 to index
      %get3A_1484 = arith.constant 48 : index
      %get3A_1485 = tpu.vector_load %arg15[%get3A_1483, %get3A_1484] {strides = array<i32>} : memref<6x64xi32, #tpu.memory_space<vmem>>, vector<1x16xi32>,
      %get3A_1486 = vector.shape_cast %get3A_1485 : vector<1x16xi32> to vector<16xi32>
      %mul3A_1487 = arith.constant 200 : i32
      %mul3A_1488 = vector.broadcast %mul3A_1487 : i32 to vector<16xi32>
      %mul3A_1489 = arith.muli %get3A_1486, %mul3A_1488 : vector<16xi32>
      %get3A_1490 = arith.constant 4 : i32
      %get3A_1491 = arith.index_cast %get3A_1490 : i32 to index
      %get3A_1492 = arith.constant 48 : index
      %get3A_1493 = tpu.vector_load %arg15[%get3A_1491, %get3A_1492] {strides = array<i32>} : memref<6x64xi32, #tpu.memory_space<vmem>>, vector<1x16xi32>,
      %get3A_1494 = vector.shape_cast %get3A_1493 : vector<1x16xi32> to vector<16xi32>
      %add3A_1495 = arith.addi %mul3A_1489, %get3A_1494 : vector<16xi32>
      %add3A_1496 = arith.addi %add3A_1495, %mul3A_14 : vector<16xi32>
      %swap3A_1497 = arith.constant 3 : i32
      %swap3A_1498 = arith.index_cast %swap3A_1497 : i32 to index
      %swap3A_1499 = arith.constant 48 : index
      %swap3A_1500 = tpu.vector_load %arg15[%swap3A_1498, %swap3A_1499] {strides = array<i32>} : memref<6x64xi32, #tpu.memory_space<vmem>>, vector<1x16xi32>,
      %swap3A_1501 = vector.shape_cast %swap3A_1500 : vector<1x16xi32> to vector<16xi32>
      %swap3A_1502 = vector.shape_cast %add3A_1496 : vector<16xi32> to vector<1x16xi32>
      tpu.vector_store %arg15[%swap3A_1498, %swap3A_1499], %swap3A_1502 {strides = array<i32>} : memref<6x64xi32, #tpu.memory_space<vmem>>, vector<1x16xi32>,
      %dma_start3A_1503 = arith.constant 0 : i32
      %dma_start3A_1504 = arith.constant 0 : i32
      %dma_start3A_1505 = tpu.memref_slice %arg15[%dma_start3A_1503, %dma_start3A_1504] : memref<6x64xi32, #tpu.memory_space<vmem>> -> memref<1x64xi32, #tpu.memory_space<vmem>>
      %dma_start3A_1506 = tpu.memref_squeeze %dma_start3A_1505 : memref<1x64xi32, #tpu.memory_space<vmem>> -> memref<64xi32, #tpu.memory_space<vmem>>
      %dma_start3A_1507 = arith.constant 0 : i32
      %dma_start3A_1508 = arith.constant 0 : i32
      %dma_start3A_1509 = tpu.memref_slice %arg2[%dma_start3A_1507, %dma_start3A_1508] : memref<100000x128xf32, #tpu.memory_space<hbm>> -> memref<100000x128xf32, #tpu.memory_space<hbm>>
      tpu.enqueue_indirect_dma source(%dma_start3A_1509 : memref<100000x128xf32, #tpu.memory_space<hbm>>) target(%arg19 : memref<64x128xf32, #tpu.memory_space<vmem>>) offsets(%dma_start3A_1506 : memref<64xi32, #tpu.memory_space<vmem>>) semaphore(%arg23 : memref<!tpu.dma_semaphore, #tpu.memory_space<semaphore_mem>>) {add = true}
      %dma_start3A_1510 = arith.constant 1 : i32
      %dma_start3A_1511 = arith.constant 0 : i32
      %dma_start3A_1512 = tpu.memref_slice %arg15[%dma_start3A_1510, %dma_start3A_1511] : memref<6x64xi32, #tpu.memory_space<vmem>> -> memref<1x64xi32, #tpu.memory_space<vmem>>
      %dma_start3A_1513 = tpu.memref_squeeze %dma_start3A_1512 : memref<1x64xi32, #tpu.memory_space<vmem>> -> memref<64xi32, #tpu.memory_space<vmem>>
      %dma_start3A_1514 = arith.constant 0 : i32
      %dma_start3A_1515 = arith.constant 0 : i32
      %dma_start3A_1516 = tpu.memref_slice %arg3[%dma_start3A_1514, %dma_start3A_1515] : memref<13500x128xf32, #tpu.memory_space<hbm>> -> memref<13500x128xf32, #tpu.memory_space<hbm>>
      tpu.enqueue_indirect_dma source(%dma_start3A_1516 : memref<13500x128xf32, #tpu.memory_space<hbm>>) target(%arg19 : memref<64x128xf32, #tpu.memory_space<vmem>>) offsets(%dma_start3A_1513 : memref<64xi32, #tpu.memory_space<vmem>>) semaphore(%arg23 : memref<!tpu.dma_semaphore, #tpu.memory_space<semaphore_mem>>) {add = true}
      %dma_start3A_1517 = arith.constant 3 : i32
      %dma_start3A_1518 = arith.constant 0 : i32
      %dma_start3A_1519 = tpu.memref_slice %arg15[%dma_start3A_1517, %dma_start3A_1518] : memref<6x64xi32, #tpu.memory_space<vmem>> -> memref<1x64xi32, #tpu.memory_space<vmem>>
      %dma_start3A_1520 = tpu.memref_squeeze %dma_start3A_1519 : memref<1x64xi32, #tpu.memory_space<vmem>> -> memref<64xi32, #tpu.memory_space<vmem>>
      %dma_start3A_1521 = arith.constant 0 : i32
      %dma_start3A_1522 = arith.constant 0 : i32
      %dma_start3A_1523 = tpu.memref_slice %arg4[%dma_start3A_1521, %dma_start3A_1522] : memref<4800x128xf32, #tpu.memory_space<hbm>> -> memref<4800x128xf32, #tpu.memory_space<hbm>>
      tpu.enqueue_indirect_dma source(%dma_start3A_1523 : memref<4800x128xf32, #tpu.memory_space<hbm>>) target(%arg19 : memref<64x128xf32, #tpu.memory_space<vmem>>) offsets(%dma_start3A_1520 : memref<64xi32, #tpu.memory_space<vmem>>) semaphore(%arg23 : memref<!tpu.dma_semaphore, #tpu.memory_space<semaphore_mem>>) {add = true}
      %ge3A_1524 = arith.constant 1 : i32
      %ge3A_1525 = arith.cmpi sge, %add3A_1221, %ge3A_1524 : i32
      %convert_element_type3A_1526 = arith.extui %ge3A_1525 : i1 to i32
      %cond3A_1527 = arith.constant 0 : i32
      %cond3A_1528 = arith.cmpi ne, %convert_element_type3A_1526, %cond3A_1527 : i32
      scf.if %cond3A_1528 {
        %dma_wait3A_1538 = arith.constant 0 : i32
        %dma_wait3A_1539 = arith.constant 0 : i32
        %dma_wait3A_1540 = tpu.memref_slice %arg11[%dma_wait3A_1538, %dma_wait3A_1539] : memref<204800x128xf32, #tpu.memory_space<hbm>> -> memref<64x128xf32, #tpu.memory_space<hbm>>
        %dma_wait3A_1541 = arith.constant 0 : i32
        %dma_wait3A_1542 = arith.constant 0 : i32
        %dma_wait3A_1543 = tpu.memref_slice %arg11[%dma_wait3A_1541, %dma_wait3A_1542] : memref<204800x128xf32, #tpu.memory_space<hbm>> -> memref<64x128xf32, #tpu.memory_space<hbm>>
        tpu.wait_dma2 semaphore(%arg22 : memref<!tpu.dma_semaphore, #tpu.memory_space<semaphore_mem>>) src(%dma_wait3A_1543 : memref<64x128xf32, #tpu.memory_space<hbm>>) dst(%arg18 : memref<64x128xf32, #tpu.memory_space<vmem>>)
        %dma_wait3A_1544 = arith.constant 0 : i32
        %dma_wait3A_1545 = arith.constant 0 : i32
        %dma_wait3A_1546 = tpu.memref_slice %arg11[%dma_wait3A_1544, %dma_wait3A_1545] : memref<204800x128xf32, #tpu.memory_space<hbm>> -> memref<64x128xf32, #tpu.memory_space<hbm>>
        %dma_wait3A_1547 = arith.constant 0 : i32
        %dma_wait3A_1548 = arith.constant 0 : i32
        %dma_wait3A_1549 = tpu.memref_slice %arg11[%dma_wait3A_1547, %dma_wait3A_1548] : memref<204800x128xf32, #tpu.memory_space<hbm>> -> memref<64x128xf32, #tpu.memory_space<hbm>>
        tpu.wait_dma2 semaphore(%arg22 : memref<!tpu.dma_semaphore, #tpu.memory_space<semaphore_mem>>) src(%dma_wait3A_1549 : memref<64x128xf32, #tpu.memory_space<hbm>>) dst(%arg18 : memref<64x128xf32, #tpu.memory_space<vmem>>)
        %dma_wait3A_1550 = arith.constant 0 : i32
        %dma_wait3A_1551 = arith.constant 0 : i32
        %dma_wait3A_1552 = tpu.memref_slice %arg11[%dma_wait3A_1550, %dma_wait3A_1551] : memref<204800x128xf32, #tpu.memory_space<hbm>> -> memref<64x128xf32, #tpu.memory_space<hbm>>
        %dma_wait3A_1553 = arith.constant 0 : i32
        %dma_wait3A_1554 = arith.constant 0 : i32
        %dma_wait3A_1555 = tpu.memref_slice %arg11[%dma_wait3A_1553, %dma_wait3A_1554] : memref<204800x128xf32, #tpu.memory_space<hbm>> -> memref<64x128xf32, #tpu.memory_space<hbm>>
        tpu.wait_dma2 semaphore(%arg22 : memref<!tpu.dma_semaphore, #tpu.memory_space<semaphore_mem>>) src(%dma_wait3A_1555 : memref<64x128xf32, #tpu.memory_space<hbm>>) dst(%arg18 : memref<64x128xf32, #tpu.memory_space<vmem>>)
        %sub3A_1556 = arith.constant 1 : i32
        %sub3A_1557 = arith.subi %add3A_1221, %sub3A_1556 : i32
        %mul3A_1558 = arith.constant 64 : i32
        %mul3A_1559 = arith.muli %sub3A_1557, %mul3A_1558 : i32
        %add3A_1560 = arith.addi %mul3A_2, %mul3A_1559 : i32
        %dma_start3A_1561 = arith.constant 0 : i32
        %dma_start3A_1562 = tpu.memref_slice %arg11[%add3A_1560, %dma_start3A_1561] : memref<204800x128xf32, #tpu.memory_space<hbm>> -> memref<64x128xf32, #tpu.memory_space<hbm>>
        %dma_start3A_1563 = arith.constant 0 : i32
        %dma_start3A_1564 = tpu.memref_slice %arg11[%add3A_1560, %dma_start3A_1563] : memref<204800x128xf32, #tpu.memory_space<hbm>> -> memref<64x128xf32, #tpu.memory_space<hbm>>
        tpu.enqueue_dma source(%arg18 : memref<64x128xf32, #tpu.memory_space<vmem>>) target(%dma_start3A_1564 : memref<64x128xf32, #tpu.memory_space<hbm>>) target_semaphore(%arg26 : memref<!tpu.dma_semaphore, #tpu.memory_space<semaphore_mem>>)
      } else {
      }
      %add3A_1529 = arith.constant 4 : i32
      %add3A_1530 = arith.addi %add3A_1221, %add3A_1529 : i32
      %sub3A_1531 = arith.constant 1 : i32
      %sub3A_1532 = arith.subi %add3A_1530, %sub3A_1531 : i32
      %lt3A_1533 = arith.constant 100 : i32
      %lt3A_1534 = arith.cmpi slt, %sub3A_1532, %lt3A_1533 : i32
      %convert_element_type3A_1535 = arith.extui %lt3A_1534 : i1 to i32
      %cond3A_1536 = arith.constant 0 : i32
      %cond3A_1537 = arith.cmpi ne, %convert_element_type3A_1535, %cond3A_1536 : i32
      scf.if %cond3A_1537 {
        %add3A_1538 = arith.constant 4 : i32
        %add3A_1539 = arith.addi %add3A_1221, %add3A_1538 : i32
        %sub3A_1540 = arith.constant 1 : i32
        %sub3A_1541 = arith.subi %add3A_1539, %sub3A_1540 : i32
        %mul3A_1542 = arith.constant 64 : i32
        %mul3A_1543 = arith.muli %sub3A_1541, %mul3A_1542 : i32
        %add3A_1544 = arith.addi %mul3A_2, %mul3A_1543 : i32
        %dma_start3A_1545 = arith.constant 0 : i32
        %dma_start3A_1546 = arith.constant 0 : i32
        %dma_start3A_1547 = tpu.memref_slice %arg14[%dma_start3A_1545, %dma_start3A_1546] : memref<6x64xi32, #tpu.memory_space<vmem>> -> memref<1x64xi32, #tpu.memory_space<vmem>>
        %dma_start3A_1548 = tpu.memref_squeeze %dma_start3A_1547 : memref<1x64xi32, #tpu.memory_space<vmem>> -> memref<64xi32, #tpu.memory_space<vmem>>
        %dma_start3A_1549 = tpu.memref_slice %arg5[%add3A_1544] : memref<204800xi32, #tpu.memory_space<hbm>> -> memref<64xi32, #tpu.memory_space<hbm>>
        %dma_start3A_1550 = arith.constant 0 : i32
        %dma_start3A_1551 = tpu.memref_slice %arg14[%dma_start3A_1545, %dma_start3A_1550] : memref<6x64xi32, #tpu.memory_space<vmem>> -> memref<1x64xi32, #tpu.memory_space<vmem>>
        %dma_start3A_1552 = tpu.memref_squeeze %dma_start3A_1551 : memref<1x64xi32, #tpu.memory_space<vmem>> -> memref<64xi32, #tpu.memory_space<vmem>>
        %dma_start3A_1553 = tpu.memref_slice %arg5[%add3A_1544] : memref<204800xi32, #tpu.memory_space<hbm>> -> memref<64xi32, #tpu.memory_space<hbm>>
        tpu.enqueue_dma source(%dma_start3A_1553 : memref<64xi32, #tpu.memory_space<hbm>>) target(%dma_start3A_1552 : memref<64xi32, #tpu.memory_space<vmem>>) target_semaphore(%arg30 : memref<!tpu.dma_semaphore, #tpu.memory_space<semaphore_mem>>)
        %mul3A_1554 = arith.constant 64 : i32
        %mul3A_1555 = arith.muli %sub3A_1541, %mul3A_1554 : i32
        %add3A_1556 = arith.addi %mul3A_2, %mul3A_1555 : i32
        %dma_start3A_1557 = arith.constant 1 : i32
        %dma_start3A_1558 = arith.constant 0 : i32
        %dma_start3A_1559 = tpu.memref_slice %arg14[%dma_start3A_1557, %dma_start3A_1558] : memref<6x64xi32, #tpu.memory_space<vmem>> -> memref<1x64xi32, #tpu.memory_space<vmem>>
        %dma_start3A_1560 = tpu.memref_squeeze %dma_start3A_1559 : memref<1x64xi32, #tpu.memory_space<vmem>> -> memref<64xi32, #tpu.memory_space<vmem>>
        %dma_start3A_1561 = tpu.memref_slice %arg6[%add3A_1556] : memref<204800xi32, #tpu.memory_space<hbm>> -> memref<64xi32, #tpu.memory_space<hbm>>
        %dma_start3A_1562 = arith.constant 0 : i32
        %dma_start3A_1563 = tpu.memref_slice %arg14[%dma_start3A_1557, %dma_start3A_1562] : memref<6x64xi32, #tpu.memory_space<vmem>> -> memref<1x64xi32, #tpu.memory_space<vmem>>
        %dma_start3A_1564 = tpu.memref_squeeze %dma_start3A_1563 : memref<1x64xi32, #tpu.memory_space<vmem>> -> memref<64xi32, #tpu.memory_space<vmem>>
        %dma_start3A_1565 = tpu.memref_slice %arg6[%add3A_1556] : memref<204800xi32, #tpu.memory_space<hbm>> -> memref<64xi32, #tpu.memory_space<hbm>>
        tpu.enqueue_dma source(%dma_start3A_1565 : memref<64xi32, #tpu.memory_space<hbm>>) target(%dma_start3A_1564 : memref<64xi32, #tpu.memory_space<vmem>>) target_semaphore(%arg30 : memref<!tpu.dma_semaphore, #tpu.memory_space<semaphore_mem>>)
        %mul3A_1566 = arith.constant 64 : i32
        %mul3A_1567 = arith.muli %sub3A_1541, %mul3A_1566 : i32
        %add3A_1568 = arith.addi %mul3A_2, %mul3A_1567 : i32
        %dma_start3A_1569 = arith.constant 2 : i32
        %dma_start3A_1570 = arith.constant 0 : i32
        %dma_start3A_1571 = tpu.memref_slice %arg14[%dma_start3A_1569, %dma_start3A_1570] : memref<6x64xi32, #tpu.memory_space<vmem>> -> memref<1x64xi32, #tpu.memory_space<vmem>>
        %dma_start3A_1572 = tpu.memref_squeeze %dma_start3A_1571 : memref<1x64xi32, #tpu.memory_space<vmem>> -> memref<64xi32, #tpu.memory_space<vmem>>
        %dma_start3A_1573 = tpu.memref_slice %arg7[%add3A_1568] : memref<204800xi32, #tpu.memory_space<hbm>> -> memref<64xi32, #tpu.memory_space<hbm>>
        %dma_start3A_1574 = arith.constant 0 : i32
        %dma_start3A_1575 = tpu.memref_slice %arg14[%dma_start3A_1569, %dma_start3A_1574] : memref<6x64xi32, #tpu.memory_space<vmem>> -> memref<1x64xi32, #tpu.memory_space<vmem>>
        %dma_start3A_1576 = tpu.memref_squeeze %dma_start3A_1575 : memref<1x64xi32, #tpu.memory_space<vmem>> -> memref<64xi32, #tpu.memory_space<vmem>>
        %dma_start3A_1577 = tpu.memref_slice %arg7[%add3A_1568] : memref<204800xi32, #tpu.memory_space<hbm>> -> memref<64xi32, #tpu.memory_space<hbm>>
        tpu.enqueue_dma source(%dma_start3A_1577 : memref<64xi32, #tpu.memory_space<hbm>>) target(%dma_start3A_1576 : memref<64xi32, #tpu.memory_space<vmem>>) target_semaphore(%arg30 : memref<!tpu.dma_semaphore, #tpu.memory_space<semaphore_mem>>)
        %mul3A_1578 = arith.constant 64 : i32
        %mul3A_1579 = arith.muli %sub3A_1541, %mul3A_1578 : i32
        %add3A_1580 = arith.addi %mul3A_2, %mul3A_1579 : i32
        %dma_start3A_1581 = arith.constant 3 : i32
        %dma_start3A_1582 = arith.constant 0 : i32
        %dma_start3A_1583 = tpu.memref_slice %arg14[%dma_start3A_1581, %dma_start3A_1582] : memref<6x64xi32, #tpu.memory_space<vmem>> -> memref<1x64xi32, #tpu.memory_space<vmem>>
        %dma_start3A_1584 = tpu.memref_squeeze %dma_start3A_1583 : memref<1x64xi32, #tpu.memory_space<vmem>> -> memref<64xi32, #tpu.memory_space<vmem>>
        %dma_start3A_1585 = tpu.memref_slice %arg8[%add3A_1580] : memref<204800xi32, #tpu.memory_space<hbm>> -> memref<64xi32, #tpu.memory_space<hbm>>
        %dma_start3A_1586 = arith.constant 0 : i32
        %dma_start3A_1587 = tpu.memref_slice %arg14[%dma_start3A_1581, %dma_start3A_1586] : memref<6x64xi32, #tpu.memory_space<vmem>> -> memref<1x64xi32, #tpu.memory_space<vmem>>
        %dma_start3A_1588 = tpu.memref_squeeze %dma_start3A_1587 : memref<1x64xi32, #tpu.memory_space<vmem>> -> memref<64xi32, #tpu.memory_space<vmem>>
        %dma_start3A_1589 = tpu.memref_slice %arg8[%add3A_1580] : memref<204800xi32, #tpu.memory_space<hbm>> -> memref<64xi32, #tpu.memory_space<hbm>>
        tpu.enqueue_dma source(%dma_start3A_1589 : memref<64xi32, #tpu.memory_space<hbm>>) target(%dma_start3A_1588 : memref<64xi32, #tpu.memory_space<vmem>>) target_semaphore(%arg30 : memref<!tpu.dma_semaphore, #tpu.memory_space<semaphore_mem>>)
        %mul3A_1590 = arith.constant 64 : i32
        %mul3A_1591 = arith.muli %sub3A_1541, %mul3A_1590 : i32
        %add3A_1592 = arith.addi %mul3A_2, %mul3A_1591 : i32
        %dma_start3A_1593 = arith.constant 4 : i32
        %dma_start3A_1594 = arith.constant 0 : i32
        %dma_start3A_1595 = tpu.memref_slice %arg14[%dma_start3A_1593, %dma_start3A_1594] : memref<6x64xi32, #tpu.memory_space<vmem>> -> memref<1x64xi32, #tpu.memory_space<vmem>>
        %dma_start3A_1596 = tpu.memref_squeeze %dma_start3A_1595 : memref<1x64xi32, #tpu.memory_space<vmem>> -> memref<64xi32, #tpu.memory_space<vmem>>
        %dma_start3A_1597 = tpu.memref_slice %arg9[%add3A_1592] : memref<204800xi32, #tpu.memory_space<hbm>> -> memref<64xi32, #tpu.memory_space<hbm>>
        %dma_start3A_1598 = arith.constant 0 : i32
        %dma_start3A_1599 = tpu.memref_slice %arg14[%dma_start3A_1593, %dma_start3A_1598] : memref<6x64xi32, #tpu.memory_space<vmem>> -> memref<1x64xi32, #tpu.memory_space<vmem>>
        %dma_start3A_1600 = tpu.memref_squeeze %dma_start3A_1599 : memref<1x64xi32, #tpu.memory_space<vmem>> -> memref<64xi32, #tpu.memory_space<vmem>>
        %dma_start3A_1601 = tpu.memref_slice %arg9[%add3A_1592] : memref<204800xi32, #tpu.memory_space<hbm>> -> memref<64xi32, #tpu.memory_space<hbm>>
        tpu.enqueue_dma source(%dma_start3A_1601 : memref<64xi32, #tpu.memory_space<hbm>>) target(%dma_start3A_1600 : memref<64xi32, #tpu.memory_space<vmem>>) target_semaphore(%arg30 : memref<!tpu.dma_semaphore, #tpu.memory_space<semaphore_mem>>)
        %mul3A_1602 = arith.constant 64 : i32
        %mul3A_1603 = arith.muli %sub3A_1541, %mul3A_1602 : i32
        %add3A_1604 = arith.addi %mul3A_2, %mul3A_1603 : i32
        %dma_start3A_1605 = arith.constant 5 : i32
        %dma_start3A_1606 = arith.constant 0 : i32
        %dma_start3A_1607 = tpu.memref_slice %arg14[%dma_start3A_1605, %dma_start3A_1606] : memref<6x64xi32, #tpu.memory_space<vmem>> -> memref<1x64xi32, #tpu.memory_space<vmem>>
        %dma_start3A_1608 = tpu.memref_squeeze %dma_start3A_1607 : memref<1x64xi32, #tpu.memory_space<vmem>> -> memref<64xi32, #tpu.memory_space<vmem>>
        %dma_start3A_1609 = tpu.memref_slice %arg10[%add3A_1604] : memref<204800xi32, #tpu.memory_space<hbm>> -> memref<64xi32, #tpu.memory_space<hbm>>
        %dma_start3A_1610 = arith.constant 0 : i32
        %dma_start3A_1611 = tpu.memref_slice %arg14[%dma_start3A_1605, %dma_start3A_1610] : memref<6x64xi32, #tpu.memory_space<vmem>> -> memref<1x64xi32, #tpu.memory_space<vmem>>
        %dma_start3A_1612 = tpu.memref_squeeze %dma_start3A_1611 : memref<1x64xi32, #tpu.memory_space<vmem>> -> memref<64xi32, #tpu.memory_space<vmem>>
        %dma_start3A_1613 = tpu.memref_slice %arg10[%add3A_1604] : memref<204800xi32, #tpu.memory_space<hbm>> -> memref<64xi32, #tpu.memory_space<hbm>>
        tpu.enqueue_dma source(%dma_start3A_1613 : memref<64xi32, #tpu.memory_space<hbm>>) target(%dma_start3A_1612 : memref<64xi32, #tpu.memory_space<vmem>>) target_semaphore(%arg30 : memref<!tpu.dma_semaphore, #tpu.memory_space<semaphore_mem>>)
      } else {
      }
    }
    %scan3A_216 = arith.constant 25 : i32
    %dma_wait3A = arith.constant 0 : i32
    %dma_wait3A_217 = arith.constant 0 : i32
    %dma_wait3A_218 = tpu.memref_slice %arg11[%dma_wait3A, %dma_wait3A_217] : memref<204800x128xf32, #tpu.memory_space<hbm>> -> memref<64x128xf32, #tpu.memory_space<hbm>>
    %dma_wait3A_219 = arith.constant 0 : i32
    %dma_wait3A_220 = arith.constant 0 : i32
    %dma_wait3A_221 = tpu.memref_slice %arg11[%dma_wait3A_219, %dma_wait3A_220] : memref<204800x128xf32, #tpu.memory_space<hbm>> -> memref<64x128xf32, #tpu.memory_space<hbm>>
    tpu.wait_dma2 semaphore(%arg23 : memref<!tpu.dma_semaphore, #tpu.memory_space<semaphore_mem>>) src(%dma_wait3A_221 : memref<64x128xf32, #tpu.memory_space<hbm>>) dst(%arg19 : memref<64x128xf32, #tpu.memory_space<vmem>>)
    %dma_wait3A_222 = arith.constant 0 : i32
    %dma_wait3A_223 = arith.constant 0 : i32
    %dma_wait3A_224 = tpu.memref_slice %arg11[%dma_wait3A_222, %dma_wait3A_223] : memref<204800x128xf32, #tpu.memory_space<hbm>> -> memref<64x128xf32, #tpu.memory_space<hbm>>
    %dma_wait3A_225 = arith.constant 0 : i32
    %dma_wait3A_226 = arith.constant 0 : i32
    %dma_wait3A_227 = tpu.memref_slice %arg11[%dma_wait3A_225, %dma_wait3A_226] : memref<204800x128xf32, #tpu.memory_space<hbm>> -> memref<64x128xf32, #tpu.memory_space<hbm>>
    tpu.wait_dma2 semaphore(%arg23 : memref<!tpu.dma_semaphore, #tpu.memory_space<semaphore_mem>>) src(%dma_wait3A_227 : memref<64x128xf32, #tpu.memory_space<hbm>>) dst(%arg19 : memref<64x128xf32, #tpu.memory_space<vmem>>)
    %dma_wait3A_228 = arith.constant 0 : i32
    %dma_wait3A_229 = arith.constant 0 : i32
    %dma_wait3A_230 = tpu.memref_slice %arg11[%dma_wait3A_228, %dma_wait3A_229] : memref<204800x128xf32, #tpu.memory_space<hbm>> -> memref<64x128xf32, #tpu.memory_space<hbm>>
    %dma_wait3A_231 = arith.constant 0 : i32
    %dma_wait3A_232 = arith.constant 0 : i32
    %dma_wait3A_233 = tpu.memref_slice %arg11[%dma_wait3A_231, %dma_wait3A_232] : memref<204800x128xf32, #tpu.memory_space<hbm>> -> memref<64x128xf32, #tpu.memory_space<hbm>>
    tpu.wait_dma2 semaphore(%arg23 : memref<!tpu.dma_semaphore, #tpu.memory_space<semaphore_mem>>) src(%dma_wait3A_233 : memref<64x128xf32, #tpu.memory_space<hbm>>) dst(%arg19 : memref<64x128xf32, #tpu.memory_space<vmem>>)
    %add3A_234 = arith.constant 6336 : i32
    %add3A_235 = arith.addi %mul3A_2, %add3A_234 : i32
    %dma_start3A_236 = arith.constant 0 : i32
    %dma_start3A_237 = tpu.memref_slice %arg11[%add3A_235, %dma_start3A_236] : memref<204800x128xf32, #tpu.memory_space<hbm>> -> memref<64x128xf32, #tpu.memory_space<hbm>>
    %dma_start3A_238 = arith.constant 0 : i32
    %dma_start3A_239 = tpu.memref_slice %arg11[%add3A_235, %dma_start3A_238] : memref<204800x128xf32, #tpu.memory_space<hbm>> -> memref<64x128xf32, #tpu.memory_space<hbm>>
    tpu.enqueue_dma source(%arg19 : memref<64x128xf32, #tpu.memory_space<vmem>>) target(%dma_start3A_239 : memref<64x128xf32, #tpu.memory_space<hbm>>) target_semaphore(%arg27 : memref<!tpu.dma_semaphore, #tpu.memory_space<semaphore_mem>>)
    %dma_wait3A_240 = arith.constant 0 : i32
    %dma_wait3A_241 = arith.constant 0 : i32
    %dma_wait3A_242 = tpu.memref_slice %arg11[%dma_wait3A_240, %dma_wait3A_241] : memref<204800x128xf32, #tpu.memory_space<hbm>> -> memref<64x128xf32, #tpu.memory_space<hbm>>
    %dma_wait3A_243 = arith.constant 0 : i32
    %dma_wait3A_244 = arith.constant 0 : i32
    %dma_wait3A_245 = tpu.memref_slice %arg11[%dma_wait3A_243, %dma_wait3A_244] : memref<204800x128xf32, #tpu.memory_space<hbm>> -> memref<64x128xf32, #tpu.memory_space<hbm>>
    tpu.wait_dma2 semaphore(%arg24 : memref<!tpu.dma_semaphore, #tpu.memory_space<semaphore_mem>>) src(%arg16 : memref<64x128xf32, #tpu.memory_space<vmem>>) dst(%dma_wait3A_245 : memref<64x128xf32, #tpu.memory_space<hbm>>)
    %dma_wait3A_246 = arith.constant 0 : i32
    %dma_wait3A_247 = arith.constant 0 : i32
    %dma_wait3A_248 = tpu.memref_slice %arg11[%dma_wait3A_246, %dma_wait3A_247] : memref<204800x128xf32, #tpu.memory_space<hbm>> -> memref<64x128xf32, #tpu.memory_space<hbm>>
    %dma_wait3A_249 = arith.constant 0 : i32
    %dma_wait3A_250 = arith.constant 0 : i32
    %dma_wait3A_251 = tpu.memref_slice %arg11[%dma_wait3A_249, %dma_wait3A_250] : memref<204800x128xf32, #tpu.memory_space<hbm>> -> memref<64x128xf32, #tpu.memory_space<hbm>>
    tpu.wait_dma2 semaphore(%arg25 : memref<!tpu.dma_semaphore, #tpu.memory_space<semaphore_mem>>) src(%arg17 : memref<64x128xf32, #tpu.memory_space<vmem>>) dst(%dma_wait3A_251 : memref<64x128xf32, #tpu.memory_space<hbm>>)
    %dma_wait3A_252 = arith.constant 0 : i32
    %dma_wait3A_253 = arith.constant 0 : i32
    %dma_wait3A_254 = tpu.memref_slice %arg11[%dma_wait3A_252, %dma_wait3A_253] : memref<204800x128xf32, #tpu.memory_space<hbm>> -> memref<64x128xf32, #tpu.memory_space<hbm>>
    %dma_wait3A_255 = arith.constant 0 : i32
    %dma_wait3A_256 = arith.constant 0 : i32
    %dma_wait3A_257 = tpu.memref_slice %arg11[%dma_wait3A_255, %dma_wait3A_256] : memref<204800x128xf32, #tpu.memory_space<hbm>> -> memref<64x128xf32, #tpu.memory_space<hbm>>
    tpu.wait_dma2 semaphore(%arg26 : memref<!tpu.dma_semaphore, #tpu.memory_space<semaphore_mem>>) src(%arg18 : memref<64x128xf32, #tpu.memory_space<vmem>>) dst(%dma_wait3A_257 : memref<64x128xf32, #tpu.memory_space<hbm>>)
    %dma_wait3A_258 = arith.constant 0 : i32
    %dma_wait3A_259 = arith.constant 0 : i32
    %dma_wait3A_260 = tpu.memref_slice %arg11[%dma_wait3A_258, %dma_wait3A_259] : memref<204800x128xf32, #tpu.memory_space<hbm>> -> memref<64x128xf32, #tpu.memory_space<hbm>>
    %dma_wait3A_261 = arith.constant 0 : i32
    %dma_wait3A_262 = arith.constant 0 : i32
    %dma_wait3A_263 = tpu.memref_slice %arg11[%dma_wait3A_261, %dma_wait3A_262] : memref<204800x128xf32, #tpu.memory_space<hbm>> -> memref<64x128xf32, #tpu.memory_space<hbm>>
    tpu.wait_dma2 semaphore(%arg27 : memref<!tpu.dma_semaphore, #tpu.memory_space<semaphore_mem>>) src(%arg19 : memref<64x128xf32, #tpu.memory_space<vmem>>) dst(%dma_wait3A_263 : memref<64x128xf32, #tpu.memory_space<hbm>>)
    return
  }
}

module attributes {stable_mosaic.version = 14 : i64} {
  func.func @_build_tables_body(%arg0: memref<15x128xf32, #tpu.memory_space<vmem>>, %arg1: memref<15x128xf32, #tpu.memory_space<vmem>>, %arg2: memref<15x128xf32, #tpu.memory_space<vmem>>, %arg3: memref<3x128xf32, #tpu.memory_space<vmem>>, %arg4: memref<200x128xf32, #tpu.memory_space<vmem>>, %arg5: memref<13500x128xf32, #tpu.memory_space<vmem>>, %arg6: memref<4800x128xf32, #tpu.memory_space<vmem>>) attributes {dimension_semantics = [], scalar_prefetch = 0 : i64, scratch_operands = 0 : i64, tpu.core_type = #tpu.core_type<tc>} {
    %get3A = arith.constant 0 : index
    %get3A_0 = arith.constant 0 : index
    %get3A_1 = vector.load %arg0[%get3A, %get3A_0] : memref<15x128xf32, #tpu.memory_space<vmem>>, vector<15x128xf32>
    %get3A_2 = arith.constant 0 : index
    %get3A_3 = arith.constant 0 : index
    %get3A_4 = vector.load %arg1[%get3A_2, %get3A_3] : memref<15x128xf32, #tpu.memory_space<vmem>>, vector<15x128xf32>
    %get3A_5 = arith.constant 0 : index
    %get3A_6 = arith.constant 0 : index
    %get3A_7 = vector.load %arg2[%get3A_5, %get3A_6] : memref<15x128xf32, #tpu.memory_space<vmem>>, vector<15x128xf32>
    %broadcast_in_dim3A = vector.shape_cast %get3A_1 : vector<15x128xf32> to vector<15x1x1x128xf32>
    %broadcast_in_dim3A_8 = vector.shape_cast %get3A_4 : vector<15x128xf32> to vector<1x15x1x128xf32>
    %add3A = vector.broadcast %broadcast_in_dim3A : vector<15x1x1x128xf32> to vector<15x15x1x128xf32>
    %add3A_9 = vector.broadcast %broadcast_in_dim3A_8 : vector<1x15x1x128xf32> to vector<15x15x1x128xf32>
    %add3A_10 = arith.addf %add3A, %add3A_9 : vector<15x15x1x128xf32>
    %broadcast_in_dim3A_11 = vector.shape_cast %get3A_7 : vector<15x128xf32> to vector<1x1x15x128xf32>
    %add3A_12 = vector.broadcast %add3A_10 : vector<15x15x1x128xf32> to vector<15x15x15x128xf32>
    %add3A_13 = vector.broadcast %broadcast_in_dim3A_11 : vector<1x1x15x128xf32> to vector<15x15x15x128xf32>
    %add3A_14 = arith.addf %add3A_12, %add3A_13 : vector<15x15x15x128xf32>
    %reshape3A = vector.shape_cast %add3A_14 : vector<15x15x15x128xf32> to vector<3375x128xf32>
    %broadcast_in_dim3A_15 = vector.shape_cast %reshape3A : vector<3375x128xf32> to vector<1x3375x128xf32>
    %broadcast_in_dim3A_16 = vector.shape_cast %broadcast_in_dim3A_15 : vector<1x3375x128xf32> to vector<1x3375x128xf32>
    %broadcast_in_dim3A_17 = vector.broadcast %broadcast_in_dim3A_16 : vector<1x3375x128xf32> to vector<4x3375x128xf32>
    %reshape3A_18 = vector.shape_cast %broadcast_in_dim3A_17 : vector<4x3375x128xf32> to vector<13500x128xf32>
    %swap3A = arith.constant 0 : index
    %swap3A_19 = arith.constant 0 : index
    %swap3A_20 = vector.load %arg5[%swap3A, %swap3A_19] : memref<13500x128xf32, #tpu.memory_space<vmem>>, vector<13500x128xf32>
    tpu.vector_store %arg5[%swap3A, %swap3A_19], %reshape3A_18 {strides = array<i32>} : memref<13500x128xf32, #tpu.memory_space<vmem>>, vector<13500x128xf32>,
    %get3A_21 = arith.constant 0 : index
    %get3A_22 = arith.constant 0 : index
    %get3A_23 = vector.load %arg3[%get3A_21, %get3A_22] : memref<3x128xf32, #tpu.memory_space<vmem>>, vector<3x128xf32>
    %broadcast_in_dim3A_24 = vector.shape_cast %get3A_23 : vector<3x128xf32> to vector<3x1x128xf32>
    %get3A_25 = arith.constant 0 : index
    %get3A_26 = arith.constant 0 : index
    %get3A_27 = vector.load %arg4[%get3A_25, %get3A_26] : memref<200x128xf32, #tpu.memory_space<vmem>>, vector<200x128xf32>
    %broadcast_in_dim3A_28 = vector.shape_cast %get3A_27 : vector<200x128xf32> to vector<1x200x128xf32>
    %add3A_29 = vector.broadcast %broadcast_in_dim3A_24 : vector<3x1x128xf32> to vector<3x200x128xf32>
    %add3A_30 = vector.broadcast %broadcast_in_dim3A_28 : vector<1x200x128xf32> to vector<3x200x128xf32>
    %add3A_31 = arith.addf %add3A_29, %add3A_30 : vector<3x200x128xf32>
    %reshape3A_32 = vector.shape_cast %add3A_31 : vector<3x200x128xf32> to vector<600x128xf32>
    %broadcast_in_dim3A_33 = vector.shape_cast %reshape3A_32 : vector<600x128xf32> to vector<1x600x128xf32>
    %broadcast_in_dim3A_34 = vector.shape_cast %broadcast_in_dim3A_33 : vector<1x600x128xf32> to vector<1x600x128xf32>
    %broadcast_in_dim3A_35 = vector.broadcast %broadcast_in_dim3A_34 : vector<1x600x128xf32> to vector<8x600x128xf32>
    %reshape3A_36 = vector.shape_cast %broadcast_in_dim3A_35 : vector<8x600x128xf32> to vector<4800x128xf32>
    %swap3A_37 = arith.constant 0 : index
    %swap3A_38 = arith.constant 0 : index
    %swap3A_39 = vector.load %arg6[%swap3A_37, %swap3A_38] : memref<4800x128xf32, #tpu.memory_space<vmem>>, vector<4800x128xf32>
    tpu.vector_store %arg6[%swap3A_37, %swap3A_38], %reshape3A_36 {strides = array<i32>} : memref<4800x128xf32, #tpu.memory_space<vmem>>, vector<4800x128xf32>,
    return
  }
}

</mosaic_0001>

<sc_bundles>
// kernel: kernel.4.cloned.1.call-start
scs
__scs_entry_jumppad:
0x0: {  	(pc) =	sbr.rel $0x88, $3  }
0x1: {  	(tag) =	ssettag $0x0;
	lr =	simm.s32 $0x1  }
0x2: {  	[smem:$0x3F95] =	sst lr;
	_ =	strace $0xD0000000  }
0x3: {  	_ = 	snop  }
0x4: {  	_ = 	snop  }
0x5: {  	_ = 	snop  }
0x6: {  	_ = 	snop  }
0x7: {  	_ = 	snop  }
__scs_overlays_trampoline_lowered:
0x8: {  	[smem:$0x3FA4] =	sst s0  }
0x9: {  	[smem:$0x3FA5] =	sst s1  }
0xa: {  	[smem:$0x3FA6] =	sst s2  }
0xb: {  	[smem:$0x3FA7] =	sst s3  }
0xc: {  	[smem:$0x3FA8] =	sst s4  }
0xd: {  	[smem:$0x3FA9] =	sst s5  }
0xe: {  	[smem:$0x3FAA] =	sst s6  }
0xf: {  	[smem:$0x3FAB] =	sst s7  }
0x10: {  	[smem:$0x3FAC] =	sst s8  }
0x11: {  	[smem:$0x3FAD] =	sst s9;
	s0 =	simm.s32 @!p0 $0x0  }
0x12: {  	s1 =	sld [smem:$0x3F93];
	s0 =	simm.s32 @p0 $0x1  }
0x13: {  	[smem:$0x3FAE] =	sst s0;
	s0 =	simm.s32 @!p1 $0x0  }
0x14: {  	s2 =	sld [smem:$0x3F92];
	s0 =	simm.s32 @p1 $0x1  }
0x15: {  	[smem:$0x3FAF] =	sst s0;
	s0 =	simm.s32 @!p2 $0x0  }
0x16: {  	s3 =	sld [smem:$0x3FDB];
	s0 =	simm.s32 @p2 $0x1  }
0x17: {  	s4 =	simm.s32 $0x1BF5;
	[smem:$0x3FB1] =	sst s0  }
0x18: {  	s0 =	sld [smem:$0x3F94];
	_ =	swait.ge [sflag:s4], $0x0  }
0x19: {  	s7 =	sld [smem:$0x3F95]  }
0x1a: {  	s8 =	sadd.s32 $0xFFFFE003, lr  }
0x1b: {  	s9 =	sadd.s32 $0xFFFFFEF7, lr;
	s5 =	simm.s32 $0xFFFFFFFF;
	p2 =	slt.u32 s8, $0xFFFFF086  }
0x1c: {  	p1 =	slt.u32 s9, $0xF7A;
	s5 =	simm.s32 @!p2 $0x0  }
0x1d: {  	s5 =	simm.s32 @p1 $0x1;
	p0 =	seq.s32 s7, s2  }
0x1e: {  	s7 =	smul.u32 @!p0 $0xF7A, s2;
	p2 =	seq.s32 @!p0 s5, $0x0  }
0x1f: {  	s9 =	smul.u32 $0xF7A, s1;
	s8 =	simm.s32 @!p0 $0x1BF5;
	p2 =	por !p2, p0  }
0x20: {  	[sflag:s8] =	ssyncset.s32 @!p0 $0xFFFFF086;
	s6 =	sadd.s32 @!p0 s3, s7;
	s7 =	simm.s32 @!p0 $0x108  }
0x21: {  	s3 =	sadd.s32 s3, s9;
	s6 =	sadd.s32 @!p0 $0x88, s6;
	s7 =	simm.s32 @p2 $0x1082  }
0x22: {  	[simem:s7], [sflag:s8] =	dma.local @!p0 [hbm:s6], $0xF7A  }
0x23: {  	s9 =	sor.u32 $0xD0000000, s2;
	s6 =	simm.s32 $0x108;
	_ =	swait.ge @!p0 [sflag:s8], $0x0  }
0x24: {  	s3 =	sadd.s32 $0x88, s3;
	s6 =	simm.s32 @!p1 $0x1082;
	[sflag:s4] =	ssyncset.s32 $0xFFFFF086  }
0x25: {  	[simem:s6], [sflag:s4] =	dma.local [hbm:s3], $0xF7A  }
0x26: {  	[smem:$0x3F95] =	sst s1;
	(tag) =	ssettag s2;
	_ =	strace s9  }
0x27: {  	s1 =	sld [smem:$0x3FA5]  }
0x28: {  	s2 =	sld [smem:$0x3FA6]  }
0x29: {  	s4 =	sld [smem:$0x3FA8]  }
0x2a: {  	p0 =	seq.s32 s5, $0x0;
	s5 =	sld [smem:$0x3FA9]  }
0x2b: {  	s6 =	sld [smem:$0x3FAA]  }
0x2c: {  	s7 =	sld [smem:$0x3FAB]  }
0x2d: {  	s3 =	simm.s32 $0x108;
	s8 =	sld [smem:$0x3FAC]  }
0x2e: {  	s3 =	simm.s32 @!p0 $0x1082;
	s9 =	sld [smem:$0x3FAD]  }
0x2f: {  	lr =	sadd.s32 s0, s3;
	s0 =	sld [smem:$0x3FA4]  }
0x30: {  	s3 =	sld [smem:$0x3FA7]  }
0x31: {  	[smem:$0x3FB0] =	sst s10  }
0x32: {  	s10 =	sld [smem:$0x3FAE];
	_ =	sdelay $0x3  }
0x33: {  	p0 =	seq.s32 s10, $0x1;
	s10 =	sld [smem:$0x3FB0];
	_ =	sdelay $0x3  }
0x34: {  	[smem:$0x3FB0] =	sst s10  }
0x35: {  	s10 =	sld [smem:$0x3FAF];
	_ =	sdelay $0x3  }
0x36: {  	p1 =	seq.s32 s10, $0x1;
	s10 =	sld [smem:$0x3FB0];
	_ =	sdelay $0x3  }
0x37: {  	[smem:$0x3FB0] =	sst s10  }
0x38: {  	s10 =	sld [smem:$0x3FB1]  }
0x39: {  	_ = 	snop;
	(pc) =	sbr.ind lr, $3  }
0x3a: {  	_ = 	snop  }
0x3b: {  	_ = 	snop  }
0x3c: {  	p2 =	seq.s32 s10, $0x1;
	s10 =	sld [smem:$0x3FB0]  }
0x3d: {  	_ =	shalt  }
0x3e: {  	_ =	shalt  }
0x3f: {  	_ =	shalt  }
0x40: {  	_ =	shalt  }
0x41: {  	_ =	shalt  }
0x42: {  	_ =	shalt  }
0x43: {  	_ =	shalt  }
0x44: {  	_ =	shalt  }
0x45: {  	_ =	shalt  }
0x46: {  	_ =	shalt  }
0x47: {  	_ =	shalt  }
0x48: {  	_ =	shalt  }
0x49: {  	_ =	shalt  }
0x4a: {  	_ =	shalt  }
0x4b: {  	_ =	shalt  }
0x4c: {  	_ =	shalt  }
0x4d: {  	_ =	shalt  }
0x4e: {  	_ =	shalt  }
0x4f: {  	_ =	shalt  }
0x50: {  	_ =	shalt  }
0x51: {  	_ =	shalt  }
0x52: {  	_ =	shalt  }
0x53: {  	_ =	shalt  }
0x54: {  	_ =	shalt  }
0x55: {  	_ =	shalt  }
0x56: {  	_ =	shalt  }
0x57: {  	_ =	shalt  }
0x58: {  	_ =	shalt  }
0x59: {  	_ =	shalt  }
0x5a: {  	_ =	shalt  }
0x5b: {  	_ =	shalt  }
0x5c: {  	_ =	shalt  }
0x5d: {  	_ =	shalt  }
0x5e: {  	_ =	shalt  }
0x5f: {  	_ =	shalt  }
0x60: {  	_ =	shalt  }
0x61: {  	_ =	shalt  }
0x62: {  	_ =	shalt  }
0x63: {  	_ =	shalt  }
0x64: {  	_ =	shalt  }
0x65: {  	_ =	shalt  }
0x66: {  	_ =	shalt  }
0x67: {  	_ =	shalt  }
0x68: {  	_ =	shalt  }
0x69: {  	_ =	shalt  }
0x6a: {  	_ =	shalt  }
0x6b: {  	_ =	shalt  }
0x6c: {  	_ =	shalt  }
0x6d: {  	_ =	shalt  }
0x6e: {  	_ =	shalt  }
0x6f: {  	_ =	shalt  }
0x70: {  	_ =	shalt  }
0x71: {  	_ =	shalt  }
0x72: {  	_ =	shalt  }
0x73: {  	_ =	shalt  }
0x74: {  	_ =	shalt  }
0x75: {  	_ =	shalt  }
0x76: {  	_ =	shalt  }
0x77: {  	_ =	shalt  }
0x78: {  	_ =	shalt  }
0x79: {  	_ =	shalt  }
0x7a: {  	_ =	shalt  }
0x7b: {  	_ =	shalt  }
0x7c: {  	_ =	shalt  }
0x7d: {  	_ =	shalt  }
0x7e: {  	_ =	shalt  }
0x7f: {  	_ =	shalt  }
0x80: {  	_ =	shalt  }
0x81: {  	_ =	shalt  }
0x82: {  	_ =	shalt  }
0x83: {  	_ =	shalt  }
0x84: {  	_ =	shalt  }
0x85: {  	_ =	shalt  }
0x86: {  	_ =	shalt  }
0x87: {  	_ =	shalt  }
.Lfunc_end0:
.L_simem_size_0:
called_computation_lowered:
.L_overlay_start_0:
0x88: {  	s2 =	sld [smem:$0x3FD9]  }
0x89: {  	s3 =	sld [smem:$0x3FFE];
	_ =	sdelay $0x1  }
0x8a: {  	s1 =	srdreg.scid  }
0x8b: {  	s0 =	sand.u32 $0x1, s1  }
0x8c: {  	s17 =	sshll.u32 s0, $0xA;
	s2 =	sadd.s32 s3, s2  }
0x8d: {  	s2 =	sadd.s32 s2, s17  }
0x8e: {  	[smem:$0x3FBC] =	sst s2  }
0x8f: {  	_ = 	snop  }
0x90: {  	s2 =	sld [smem:$0x3FC3]  }
0x91: {  	s18 =	sld [smem:$0x3FD0];
	(tm) =	ssettm $0x1  }
0x92: {  	s4 =	sld [smem:$0x3FFB];
	_ =	sdelay $0x3  }
0x93: {  	_ =	strace s4  }
0x94: {  	s4 =	sld [smem:$0x3FFC];
	_ =	sdelay $0x3  }
0x95: {  	_ =	strace s4  }
0x96: {  	s4 =	sld [smem:$0x3FFD];
	_ =	sdelay $0x3  }
0x97: {  	_ =	strace s4  }
0x98: {  	_ =	strace $0x8FFFFFFF  }
0x99: {  	s19 =	sld [smem:$0x3FDB];
	_ =	sdelay $0x1  }
0x9a: {  	s5 =	simm.s32 $_scs_section_size  }
0x9b: {  	s6 =	simm.s32 $_size__tile_overlayer_lowered;
	s7 =	simm.s32 $_tile_overlayer_lowered  }
0x9c: {  	s22 =	simm.s32 $0x1BFF;
	s21 =	sshll.u32 s7, $0x1;
	s4 =	sadd.s32 s5, s19  }
0x9d: {  	s8 =	simm.s32 $0x0;
	s20 =	sshll.u32 s6, $0x1;
	s6 =	sadd.s32 s21, s4  }
0x9e: {  	[timem:s8], [sflag:s22] =	dma.local [hbm:s6], s20  }
0x9f: {  	_ =	swait.ge [sflag:s22], s20  }
0xa0: {  	s5 =	ssub.s32 $0x0, s20;
	[sflag:s22] =	ssyncset.done $0x0  }
0xa1: {  	[sflag:s22] =	ssyncadd.s32 s5;
	_ =	sdelay $0x1  }
0xa2: {  	s23 =	simm.s32 $0x1B8B  }
0xa3: {  	_ =	swait.ge [sflag:s23], $0x1  }
0xa4: {  	[sflag:s23] =	ssyncset.done $0x0  }
0xa5: {  	s25 =	simm.s32 $0x1B8E;
	s24 =	sld [smem:$0x3FFE];
	[sflag:s23] =	ssyncadd.s32 $0xFFFFFFFF  }
0xa6: {  	s26 =	simm.s32 $execute0_lowered;
	[smem:$0x3FD2] =	sst s25  }
0xa7: {  	s6 =	sshll.u32 s26, $0x1;
	_ =	strace $0x80000046;
	[dreg:$0x1] =	wrdreg $0xFFFFFFFF  }
0xa8: {  	s28 =	simm.s32 $_size_execute0_lowered;
	s4 =	sadd.s32 s4, s6;
	[dreg:$0x0] =	wrdreg $0x0  }
0xa9: {  	s6 =	sshll.u32 s28, $0x1;
	[dreg:$0x2] =	wrdreg s4  }
0xaa: {  	[dreg:$0x3] =	wrdreg s6  }
0xab: {  	[dreg:$0x4] =	wrdreg $0xC0  }
0xac: {  	_ =	task [dreg:s8], $0x5FFFF  }
0xad: {  	[dreg:$0x1] =	wrdreg $0xFFFFFFFF  }
0xae: {  	[dreg:$0x0] =	wrdreg $0x60  }
0xaf: {  	[dreg:$0x2] =	wrdreg s2  }
0xb0: {  	[dreg:$0x3] =	wrdreg s24  }
0xb1: {  	[dreg:$0x4] =	wrdreg s18  }
0xb2: {  	[dreg:$0x5] =	wrdreg $0x9  }
0xb3: {  	_ =	task.clear_ibuf [dreg:s8], $0x6FFFF;
	_ =	strace $0x90000046  }
0xb4: {  	s29 =	simm.s32 $0x9;
	_ =	strace $0x80000048  }
0xb5: {  	_ =	swait.ge [sflag:s29], $0x1  }
0xb6: {  	[sflag:s29] =	ssyncadd.s32 $0xFFFFFFFF  }
0xb7: {  	_ =	strace $0x90000048  }
0xb8: {  	_ =	sfence  }
0xb9: {  	s30 =	sld [smem:$0x0];
	_ =	sdelay $0x2  }
0xba: {  	s31 =	sshll.u32 s1, $0xD;
	s1 =	sshrl.u32 s1, $0x2  }
0xbb: {  	s3 =	sand.u32 $0x4000, s31;
	s1 =	sadd.s32 s1, s30  }
0xbc: {  	s0 =	sor.u32 s3, s0;
	s1 =	sshll.u32 s1, $0x11  }
0xbd: {  	s0 =	sor.u32 s1, s0  }
0xbe: {  	s0 =	sadd.s32 $0x8F2B, s0  }
0xbf: {  	[sflag:s0] =	ssyncadd.remote.s32 $0x1  }
0xc0: {  	_ =	sfence.sel $0xFFFF  }
0xc1: {  	[dreg:$0x0] =	wrdreg $0xFFFFFFFF;
	(pc) =	sbr.abs _section_cstart, $3  }
0xc2: {  	[dreg:$0x1] =	wrdreg $0xFFFFFFFF  }
0xc3: {  	_ =	task.clear_ibuf [dreg:s8], $0x2FFFF;
	_ =	strace $0x9FFFFFFF  }
0xc4: {  	(tm) =	ssettm $0x7FFFFFFF  }
0xc5: {  	_ =	shalt  }
tec
execute0_lowered:
.L_overlay_start_1:
0x0: {  	(tag) =	ssettag $0x1  }
0x1: {  	s1 =	rddreg [dreg:$0x0]  }
0x2: {  	s0 =	rddreg [dreg:$0x1]  }
0x3: {  	s2 =	rddreg [dreg:$0x2]  }
0x4: {  	s4 =	simm.s32 $0x0;
	s3 =	srdreg.scid;
	s5 =	stileid.u32  }
0x5: {  	[smem:$0x7FF] =	sst s4;
	s3 =	sand.u32 $0x1, s3;
	s7 =	sshll.u32 s5, $0x1  }
0x6: {  	s5 =	sadd.s32 $0x26C00, s0;
	s6 =	sadd.s32 $0x5B800, s0;
	s8 =	sadd.s32 $0x7800, s0  }
0x7: {  	s9 =	sadd.s32 $0xDC00, s0;
	s10 =	sadd.s32 $0x14000, s0;
	s13 =	sor.u32 s3, s7  }
0x8: {  	s11 =	sadd.s32 $0x1A400, s0;
	s3 =	ssub.s32 $0x2, s3;
	s14 =	smul.u32 $0x1900, s13  }
0x9: {  	s12 =	sadd.s32 $0x20800, s0;
	s15 =	sshrl.u32 s3, $0x1;
	s13 =	smul.u32 $0xC8000, s13  }
0xa: {  	_ =	strace $0x80000047;
	s7 =	sadd.s32 $0x1400, s0;
	s0 =	ssub.s32 s3, s15  }
0xb: {  	s16 =	sshrl.u32 s14, $0x3;
	s0 =	smax.u32 s0, $0x1;
	[dreg:$0x10] =	wrdreg s13  }
0xc: {  	s17 =	sadd.s32 s7, s16;
	[dreg:$0x1e] =	wrdreg s0  }
0xd: {  	s18 =	sadd.s32 s8, s16;
	[dreg:$0x4] =	wrdreg s17  }
0xe: {  	s19 =	sadd.s32 s9, s16;
	[dreg:$0x5] =	wrdreg s18  }
0xf: {  	s20 =	sadd.s32 s10, s16;
	[dreg:$0x6] =	wrdreg s19  }
0x10: {  	s21 =	sadd.s32 s11, s16;
	[dreg:$0x7] =	wrdreg s20  }
0x11: {  	s22 =	sadd.s32 s12, s16;
	s23 =	sor.u32 $0x8, s16;
	[dreg:$0x8] =	wrdreg s21  }
0x12: {  	[dreg:$0x9] =	wrdreg s22;
	s24 =	sadd.s32 s7, s23  }
0x13: {  	s25 =	sadd.s32 s8, s23;
	[dreg:$0xa] =	wrdreg s24  }
0x14: {  	s28 =	sadd.s32 s9, s23;
	[dreg:$0xb] =	wrdreg s25  }
0x15: {  	s29 =	sadd.s32 s10, s23;
	[dreg:$0xc] =	wrdreg s28  }
0x16: {  	s31 =	sadd.s32 s11, s23;
	[dreg:$0xd] =	wrdreg s29  }
0x17: {  	s26 =	sor.u32 $0x10, s16;
	s3 =	sadd.s32 s12, s23;
	[dreg:$0xe] =	wrdreg s31  }
0x18: {  	s17 =	sadd.s32 s7, s26;
	[dreg:$0xf] =	wrdreg s3  }
0x19: {  	s30 =	simm.s32 $0x40;
	s18 =	sadd.s32 s8, s26;
	[dreg:$0x11] =	wrdreg s17  }
0x1a: {  	s15 =	simm.s32 $0x3;
	s19 =	sadd.s32 s9, s26;
	[dreg:$0x12] =	wrdreg s18  }
0x1b: {  	s0 =	simm.s32 $0x1000;
	s20 =	sadd.s32 s10, s26;
	[dreg:$0x13] =	wrdreg s19  }
0x1c: {  	s21 =	sadd.s32 s11, s26;
	s22 =	sadd.s32 s12, s26;
	[dreg:$0x14] =	wrdreg s20  }
0x1d: {  	s23 =	sshrl.u32 s13, $0x3;
	s26 =	sadd.s32 $0x100, s14;
	[dreg:$0x15] =	wrdreg s21  }
0x1e: {  	[dreg:$0x16] =	wrdreg s22;
	s3 =	sadd.s32 s2, s23;
	s24 =	sadd.s32 $0xFFFFFFC0, s14  }
0x1f: {  	s25 =	sor.u32 $0xC0, s14;
	[dreg:$0x19] =	wrdreg s26;
	s28 =	sor.u32 $0x40, s14  }
0x20: {  	s29 =	sadd.s32 $0x140, s14;
	s14 =	sadd.s32 $0x180, s14;
	s31 =	sor.u32 $0x4000, s13  }
0x21: {  	s19 =	simm.s32 $0x9;
	s22 =	simm.s32 $0xC00;
	[dreg:$0x17] =	wrdreg s24  }
0x22: {  	s23 =	simm.s32 $0xA;
	s26 =	simm.s32 $0x1;
	[dreg:$0x18] =	wrdreg s25  }
.Ltmp0:
0x23: {  	s17 =	simm.s32 $0xB;
	[dreg:$0x1a] =	wrdreg s28;
	(pc) =	sbr.rel .LBB2_1-.Ltmp0, $4  }
0x24: {  	s13 =	simm.s32 $0xC;
	s20 =	simm.s32 $0x8;
	[dreg:$0x1b] =	wrdreg s29  }
0x25: {  	v0 =	vlaneseq.u32;
	s18 =	simm.s32 $0x0;
	[dreg:$0x1c] =	wrdreg s14;
	s3 =	sadd.s32 $0x18C00, s3  }
0x26: {  	v1 =	vand.u32 $0x3, v0;
	v2 =	vand.u32 $0x7, v0;
	[dreg:$0x1f] =	wrdreg s31;
	s24 =	simm.s32 $0x3000;
	s25 =	simm.s32 $0x5000  }
0x27: {  	v0 =	vimm.f32 $0.0e+00;
	v1 =	vmul.u32 $0xD2F, v1;
	v2 =	vmul.u32 $0x258, v2;
	s14 =	simm.s32 $0x7000;
	[dreg:$0x1d] =	wrdreg s3;
	s3 =	simm.s32 $0x2  }
.LBB2_12:
0x28: {  	s16 =	simm.s32 $0x4  }
0x29: {  	_ =	swait.ge [sflag:s16], $0x2000  }
0x2a: {  	[sflag:s16] =	ssyncset.done $0x0  }
0x2b: {  	[sflag:s16] =	ssyncadd.s32 $0xFFFFE000  }
0x2c: {  	_ =	swait.ge [sflag:s16], $0x2000  }
0x2d: {  	[sflag:s16] =	ssyncset.done $0x0  }
0x2e: {  	[sflag:s16] =	ssyncadd.s32 $0xFFFFE000  }
0x2f: {  	_ =	swait.ge [sflag:s16], $0x2000  }
0x30: {  	[sflag:s16] =	ssyncset.done $0x0  }
0x31: {  	s21 =	simm.s32 $0x5;
	s18 =	rddreg [dreg:$0x1d];
	[sflag:s16] =	ssyncadd.s32 $0xFFFFE000  }
0x32: {  	[hbm4b:s18+s4] =	stream.linear.scatter [tilespmem:s14], [sflag:$0x8], $0x2000, $0x38;
	[tilespmem:$0x9000] =	vst v63  }
0x33: {  	_ =	swait.ge [sflag:s21], $0x2000  }
0x34: {  	[sflag:s21] =	ssyncset.done $0x0  }
0x35: {  	s28 =	simm.s32 $0x6;
	[sflag:s21] =	ssyncadd.s32 $0xFFFFE000  }
0x36: {  	_ =	swait.ge [sflag:s28], $0x2000  }
0x37: {  	[sflag:s28] =	ssyncset.done $0x0  }
0x38: {  	s29 =	simm.s32 $0x7;
	[sflag:s28] =	ssyncadd.s32 $0xFFFFE000  }
0x39: {  	_ =	swait.ge [sflag:s29], $0x2000  }
0x3a: {  	[sflag:s29] =	ssyncset.done $0x0  }
0x3b: {  	[sflag:s29] =	ssyncadd.s32 $0xFFFFE000  }
0x3c: {  	_ =	swait.ge [sflag:s20], $0x2000  }
0x3d: {  	s18 =	sld [smem:$0x7FD];
	_ =	sdelay $0x2  }
0x3e: {  	s31 =	rddreg [dreg:$0x1e];
	s18 =	sadd.s32 $0x1, s18  }
0x3f: {  	p0 =	sne.s32 s18, s31  }
.Ltmp1:
0x40: {  	_ = 	snop;
	(pc) =	sbr.rel @!p0 .LBB2_13-.Ltmp1, $3  }
0x41: {  	_ =	sdelay $0x1  }
0x42: {  	[sflag:s20] =	ssyncset.done $0x0  }
0x43: {  	[sflag:s20] =	ssyncadd.s32 $0xFFFFE000  }
.LBB2_1:
0x44: {  	[smem:$0x7FD] =	sst s18  }
0x45: {  	s16 =	rddreg [dreg:$0x4]  }
0x46: {  	[tilespmem:s4], [sflag:$0x9] =	stream.linear.gather [hbm4b:s16+s4], $0x40, $0x38;
	[tilespmem:$0x9000] =	vst v63  }
0x47: {  	s29 =	rddreg [dreg:$0x5];
	s31 =	simm.s32 $0x80  }
0x48: {  	[tilespmem:s31], [sflag:$0x9] =	stream.linear.gather [hbm4b:s29+s4], $0x40, $0x38;
	[tilespmem:$0x9000] =	vst v63  }
0x49: {  	s18 =	rddreg [dreg:$0x6];
	s21 =	simm.s32 $0x100  }
0x4a: {  	[tilespmem:s21], [sflag:$0x9] =	stream.linear.gather [hbm4b:s18+s4], $0x40, $0x38;
	[tilespmem:$0x9000] =	vst v63  }
0x4b: {  	s29 =	rddreg [dreg:$0x7];
	s31 =	simm.s32 $0x180  }
0x4c: {  	[tilespmem:s31], [sflag:$0x9] =	stream.linear.gather [hbm4b:s29+s4], $0x40, $0x38;
	[tilespmem:$0x9000] =	vst v63  }
0x4d: {  	s18 =	rddreg [dreg:$0x8];
	s21 =	simm.s32 $0x200  }
0x4e: {  	[tilespmem:s21], [sflag:$0x9] =	stream.linear.gather [hbm4b:s18+s4], $0x40, $0x38;
	[tilespmem:$0x9000] =	vst v63  }
0x4f: {  	s29 =	rddreg [dreg:$0x9];
	s31 =	simm.s32 $0x280  }
0x50: {  	[tilespmem:s31], [sflag:$0x9] =	stream.linear.gather [hbm4b:s29+s4], $0x40, $0x38;
	[tilespmem:$0x9000] =	vst v63  }
0x51: {  	s18 =	rddreg [dreg:$0xa];
	s21 =	simm.s32 $0x400  }
0x52: {  	[tilespmem:s21], [sflag:$0xA] =	stream.linear.gather [hbm4b:s18+s4], $0x40, $0x38;
	[tilespmem:$0x9000] =	vst v63  }
0x53: {  	s29 =	rddreg [dreg:$0xb];
	s31 =	simm.s32 $0x480  }
0x54: {  	[tilespmem:s31], [sflag:$0xA] =	stream.linear.gather [hbm4b:s29+s4], $0x40, $0x38;
	[tilespmem:$0x9000] =	vst v63  }
0x55: {  	s18 =	rddreg [dreg:$0xc];
	s21 =	simm.s32 $0x500  }
0x56: {  	[tilespmem:s21], [sflag:$0xA] =	stream.linear.gather [hbm4b:s18+s4], $0x40, $0x38;
	[tilespmem:$0x9000] =	vst v63  }
0x57: {  	s29 =	rddreg [dreg:$0xd];
	s31 =	simm.s32 $0x580  }
0x58: {  	[tilespmem:s31], [sflag:$0xA] =	stream.linear.gather [hbm4b:s29+s4], $0x40, $0x38;
	[tilespmem:$0x9000] =	vst v63  }
0x59: {  	s18 =	rddreg [dreg:$0xe];
	s21 =	simm.s32 $0x600  }
0x5a: {  	[tilespmem:s21], [sflag:$0xA] =	stream.linear.gather [hbm4b:s18+s4], $0x40, $0x38;
	[tilespmem:$0x9000] =	vst v63  }
0x5b: {  	s29 =	rddreg [dreg:$0xf];
	s31 =	simm.s32 $0x680  }
0x5c: {  	[tilespmem:s31], [sflag:$0xA] =	stream.linear.gather [hbm4b:s29+s4], $0x40, $0x38;
	[tilespmem:$0x9000] =	vst v63  }
0x5d: {  	s18 =	rddreg [dreg:$0x11];
	s21 =	simm.s32 $0x800  }
0x5e: {  	[tilespmem:s21], [sflag:$0xB] =	stream.linear.gather [hbm4b:s18+s4], $0x40, $0x38;
	[tilespmem:$0x9000] =	vst v63  }
0x5f: {  	s29 =	rddreg [dreg:$0x12];
	s31 =	simm.s32 $0x880  }
0x60: {  	[tilespmem:s31], [sflag:$0xB] =	stream.linear.gather [hbm4b:s29+s4], $0x40, $0x38;
	[tilespmem:$0x9000] =	vst v63  }
0x61: {  	s18 =	rddreg [dreg:$0x13];
	s21 =	simm.s32 $0x900  }
0x62: {  	[tilespmem:s21], [sflag:$0xB] =	stream.linear.gather [hbm4b:s18+s4], $0x40, $0x38;
	[tilespmem:$0x9000] =	vst v63  }
0x63: {  	s29 =	rddreg [dreg:$0x14];
	s31 =	simm.s32 $0x980  }
0x64: {  	[tilespmem:s31], [sflag:$0xB] =	stream.linear.gather [hbm4b:s29+s4], $0x40, $0x38;
	[tilespmem:$0x9000] =	vst v63  }
0x65: {  	s18 =	rddreg [dreg:$0x15];
	s21 =	simm.s32 $0xA00  }
0x66: {  	[tilespmem:s21], [sflag:$0xB] =	stream.linear.gather [hbm4b:s18+s4], $0x40, $0x38;
	[tilespmem:$0x9000] =	vst v63  }
0x67: {  	s28 =	simm.s32 $0x0;
	s29 =	rddreg [dreg:$0x16];
	s31 =	simm.s32 $0xA80  }
0x68: {  	[tilespmem:s31], [sflag:$0xB] =	stream.linear.gather [hbm4b:s29+s4], $0x40, $0x38;
	[tilespmem:$0x9000] =	vst v63  }
.LBB2_2:
0x69: {  	p0 =	seq.s32 s28, $0x0  }
0x6a: {  	s18 =	simm.s32 @!p0 $0x5  }
0x6b: {  	_ =	swait.ge @!p0 [sflag:s18], $0x2000  }
0x6c: {  	s29 =	sshll.u32 s28, $0x8;
	[sflag:s18] =	ssyncset.done @!p0 $0x0  }
0x6d: {  	s31 =	simm.s32 $0x0;
	[sflag:s18] =	ssyncadd.s32 @!p0 $0xFFFFE000;
	s18 =	simm.s32 $0x200  }
.LBB2_3:
0x6e: {  	p1 =	sne.s32 s18, $0x7E00;
	[tilespmem:s31+$0x1070] =	vst v0  }
0x6f: {  	[tilespmem:s31+$0x1000] =	vst v0  }
0x70: {  	[tilespmem:s31+$0x1010] =	vst v0  }
.Ltmp2:
0x71: {  	[tilespmem:s31+$0x1020] =	vst v0;
	(pc) =	sbr.rel @p1 .LBB2_3-.Ltmp2, $4  }
0x72: {  	[tilespmem:s31+$0x1030] =	vst v0  }
0x73: {  	[tilespmem:s31+$0x1040] =	vst v0  }
0x74: {  	[tilespmem:s31+$0x1050] =	vst v0  }
0x75: {  	[tilespmem:s31+$0x1060] =	vst v0;
	s31 =	sshra.s32 s18, $0x2;
	s18 =	sadd.s32 $0x200, s18  }
0x76: {  	[tilespmem:s31+$0x1070] =	vst v0  }
0x77: {  	[tilespmem:s31+$0x1000] =	vst v0  }
0x78: {  	[tilespmem:s31+$0x1010] =	vst v0  }
0x79: {  	[tilespmem:s31+$0x1020] =	vst v0  }
0x7a: {  	[tilespmem:s31+$0x1030] =	vst v0  }
0x7b: {  	[tilespmem:s31+$0x1040] =	vst v0  }
0x7c: {  	[tilespmem:s31+$0x1050] =	vst v0  }
0x7d: {  	[tilespmem:s31+$0x1060] =	vst v0  }
0x7e: {  	_ =	swait.ge [sflag:s19], $0x40  }
0x7f: {  	[sflag:s19] =	ssyncset.done $0x0  }
0x80: {  	[sflag:s19] =	ssyncadd.s32 $0xFFFFFFC0  }
0x81: {  	_ =	swait.ge [sflag:s19], $0x40  }
0x82: {  	[sflag:s19] =	ssyncset.done $0x0  }
0x83: {  	[sflag:s19] =	ssyncadd.s32 $0xFFFFFFC0  }
0x84: {  	_ =	swait.ge [sflag:s19], $0x40  }
0x85: {  	[sflag:s19] =	ssyncset.done $0x0  }
0x86: {  	[sflag:s19] =	ssyncadd.s32 $0xFFFFFFC0  }
0x87: {  	_ =	swait.ge [sflag:s19], $0x40  }
0x88: {  	[sflag:s19] =	ssyncset.done $0x0  }
0x89: {  	[sflag:s19] =	ssyncadd.s32 $0xFFFFFFC0  }
0x8a: {  	_ =	swait.ge [sflag:s19], $0x40  }
0x8b: {  	[sflag:s19] =	ssyncset.done $0x0  }
0x8c: {  	[sflag:s19] =	ssyncadd.s32 $0xFFFFFFC0  }
0x8d: {  	_ =	swait.ge [sflag:s19], $0x40  }
0x8e: {  	[sflag:s19] =	ssyncset.done $0x0  }
0x8f: {  	[sflag:s19] =	ssyncadd.s32 $0xFFFFFFC0  }
0x90: {  	v3 =	vld [tilespmem:$0x80]  }
0x91: {  	v4 =	vld [tilespmem:$0x100]  }
0x92: {  	v5 =	vld [tilespmem:$0x280]  }
0x93: {  	v6 =	vld [tilespmem:$0x180]  }
0x94: {  	v7 =	vld [tilespmem:$0x200]  }
0x95: {  	v8 =	vld [tilespmem:$0x90]  }
0x96: {  	v9 =	vld [tilespmem:$0x110]  }
0x97: {  	v10 =	vld [tilespmem:$0x290]  }
0x98: {  	v11 =	vld [tilespmem:$0x190]  }
0x99: {  	v12 =	vld [tilespmem:$0x210]  }
0x9a: {  	v13 =	vld [tilespmem:$0xA0]  }
0x9b: {  	v47 =	vld [tilespmem:$0x1A0]  }
0x9c: {  	v46 =	vld [tilespmem:$0xB0];
	v3 =	vmul.u32 $0xF, v3  }
0x9d: {  	v49 =	vld [tilespmem:$0x220]  }
0x9e: {  	v14 =	vld [tilespmem:$0x120];
	v8 =	vmul.u32 $0xF, v8;
	v3 =	vadd.s32 v4, v3  }
0x9f: {  	v16 =	vld [tilespmem:$0x130];
	v6 =	vmul.u32 $0xC8, v6;
	v48 =	vmul.u32 $0xF, v13;
	v3 =	vmul.u32 $0xF, v3  }
0xa0: {  	v15 =	vld [tilespmem:$0x2A0];
	v51 =	vmul.u32 $0xC8, v11;
	v57 =	vmul.u32 $0xC8, v47;
	v8 =	vadd.s32 v9, v8  }
0xa1: {  	v52 =	vld [tilespmem:$0x1B0];
	v6 =	vadd.s32 v6, v7;
	v4 =	vmul.u32 $0xF, v46;
	v3 =	vadd.s32 v3, v5  }
0xa2: {  	v53 =	vld [tilespmem:$0x2B0];
	v54 =	vadd.s32 v51, v12;
	v60 =	vadd.s32 v57, v49;
	v3 =	vadd.s32 v1, v3  }
0xa3: {  	v55 =	vld [tilespmem:$0x230];
	v8 =	vmul.u32 $0xF, v8;
	v5 =	vadd.s32 v14, v48;
	[tilespmem:$0x80] =	vst v3;
	v3 =	vadd.s32 v2, v6  }
0xa4: {  	v59 =	vadd.s32 v2, v54;
	v5 =	vmul.u32 $0xF, v5;
	[tilespmem:$0x180] =	vst v3;
	v3 =	vadd.s32 v16, v4  }
0xa5: {  	v62 =	vadd.s32 v2, v60;
	[tilespmem:$0x190] =	vst v59;
	v50 =	vadd.s32 v8, v10;
	v3 =	vmul.u32 $0xF, v3  }
0xa6: {  	v61 =	vmul.u32 $0xC8, v52;
	[tilespmem:$0x1A0] =	vst v62;
	v56 =	vadd.s32 v1, v50;
	v58 =	vadd.s32 v5, v15  }
0xa7: {  	[tilespmem:$0x90] =	vst v56;
	v4 =	vadd.s32 v1, v58;
	v3 =	vadd.s32 v3, v53  }
0xa8: {  	v63 =	vadd.s32 v61, v55;
	[tilespmem:$0xA0] =	vst v4;
	v3 =	vadd.s32 v1, v3  }
0xa9: {  	[tilespmem:$0xB0] =	vst v3;
	v3 =	vadd.s32 v2, v63  }
0xaa: {  	[tilespmem:$0x1B0] =	vst v3  }
0xab: {  	[tilespmem:s0], [sflag:$0x1] =	stream.indirect.gather.add.f32 [hbm:s1], $0x80, s4, s30, $0xb8;
	[tilespmem:$0x9000] =	vst v63  }
0xac: {  	s16 =	simm.s32 $0x80  }
0xad: {  	[tilespmem:s0], [sflag:$0x1] =	stream.indirect.gather.add.f32 [hbm:s5], $0x80, s16, s30, $0xb8;
	[tilespmem:$0x9000] =	vst v63  }
0xae: {  	s21 =	simm.s32 $0x180;
	s18 =	simm.s32 @!p0 $0x4  }
0xaf: {  	[tilespmem:s0], [sflag:$0x1] =	stream.indirect.gather.add.f32 [hbm:s6], $0x80, s21, s30, $0xb8;
	[tilespmem:$0x9000] =	vst v63  }
0xb0: {  	_ =	swait.ge @!p0 [sflag:s18], $0x2000  }
0xb1: {  	[sflag:s18] =	ssyncset.done @!p0 $0x0  }
0xb2: {  	[sflag:s18] =	ssyncadd.s32 @!p0 $0xFFFFE000  }
0xb3: {  	_ =	swait.ge @!p0 [sflag:s18], $0x2000  }
0xb4: {  	[sflag:s18] =	ssyncset.done @!p0 $0x0  }
0xb5: {  	[sflag:s18] =	ssyncadd.s32 @!p0 $0xFFFFE000  }
0xb6: {  	_ =	swait.ge @!p0 [sflag:s18], $0x2000  }
0xb7: {  	s16 =	rddreg [dreg:$0x17]  }
0xb8: {  	[sflag:s18] =	ssyncset.done @!p0 $0x0;
	s21 =	sadd.s32 @!p0 s29, s16  }
0xb9: {  	[sflag:s18] =	ssyncadd.s32 @!p0 $0xFFFFE000;
	s18 =	sshll.u32 @!p0 s21, $0x4  }
0xba: {  	s31 =	simm.s32 @!p0 $0x7000;
	s21 =	simm.s32 @!p0 $0x0;
	s18 =	sadd.s32 @!p0 s2, s18  }
0xbb: {  	[hbm4b:s18+s21] =	stream.linear.scatter @!p0 [tilespmem:s31], [sflag:$0x8], $0x2000, $0x38;
	[tilespmem:$0x9000] =	vst v63  }
0xbc: {  	s18 =	rddreg [dreg:$0x18]  }
0xbd: {  	s21 =	sadd.s32 s29, s18  }
0xbe: {  	s18 =	sshrl.u32 s21, $0x3  }
0xbf: {  	s16 =	sadd.s32 s7, s18  }
0xc0: {  	[tilespmem:s22], [sflag:$0xC] =	stream.linear.gather [hbm4b:s16+s4], $0x40, $0x38;
	[tilespmem:$0x9000] =	vst v63  }
0xc1: {  	s16 =	sadd.s32 s8, s18;
	s22 =	simm.s32 $0xC80  }
0xc2: {  	[tilespmem:s22], [sflag:$0xC] =	stream.linear.gather [hbm4b:s16+s4], $0x40, $0x38;
	[tilespmem:$0x9000] =	vst v63  }
0xc3: {  	s16 =	sadd.s32 s9, s18;
	s22 =	simm.s32 $0xD00  }
0xc4: {  	[tilespmem:s22], [sflag:$0xC] =	stream.linear.gather [hbm4b:s16+s4], $0x40, $0x38;
	[tilespmem:$0x9000] =	vst v63  }
0xc5: {  	s16 =	sadd.s32 s10, s18;
	s22 =	simm.s32 $0xD80  }
0xc6: {  	[tilespmem:s22], [sflag:$0xC] =	stream.linear.gather [hbm4b:s16+s4], $0x40, $0x38;
	[tilespmem:$0x9000] =	vst v63  }
0xc7: {  	s16 =	sadd.s32 s11, s18;
	s22 =	simm.s32 $0xE00  }
0xc8: {  	[tilespmem:s22], [sflag:$0xC] =	stream.linear.gather [hbm4b:s16+s4], $0x40, $0x38;
	[tilespmem:$0x9000] =	vst v63  }
0xc9: {  	s18 =	sadd.s32 s12, s18;
	s22 =	simm.s32 $0xE80  }
0xca: {  	[tilespmem:s22], [sflag:$0xC] =	stream.linear.gather [hbm4b:s18+s4], $0x40, $0x38;
	[tilespmem:$0x9000] =	vst v63  }
0xcb: {  	s18 =	simm.s32 @!p0 $0x6  }
0xcc: {  	_ =	swait.ge @!p0 [sflag:s18], $0x2000  }
0xcd: {  	[sflag:s18] =	ssyncset.done @!p0 $0x0  }
0xce: {  	s31 =	simm.s32 $0x0;
	[sflag:s18] =	ssyncadd.s32 @!p0 $0xFFFFE000;
	s18 =	simm.s32 $0x200  }
.LBB2_5:
0xcf: {  	p0 =	sne.s32 s18, $0x7E00;
	[tilespmem:s31+$0x3070] =	vst v0  }
0xd0: {  	[tilespmem:s31+$0x3000] =	vst v0  }
0xd1: {  	[tilespmem:s31+$0x3010] =	vst v0  }
.Ltmp3:
0xd2: {  	[tilespmem:s31+$0x3020] =	vst v0;
	(pc) =	sbr.rel @p0 .LBB2_5-.Ltmp3, $4  }
0xd3: {  	[tilespmem:s31+$0x3030] =	vst v0  }
0xd4: {  	[tilespmem:s31+$0x3040] =	vst v0  }
0xd5: {  	[tilespmem:s31+$0x3050] =	vst v0  }
0xd6: {  	[tilespmem:s31+$0x3060] =	vst v0;
	s31 =	sshra.s32 s18, $0x2;
	s18 =	sadd.s32 $0x200, s18  }
0xd7: {  	[tilespmem:s31+$0x3070] =	vst v0  }
0xd8: {  	[tilespmem:s31+$0x3000] =	vst v0  }
0xd9: {  	[tilespmem:s31+$0x3010] =	vst v0  }
0xda: {  	[tilespmem:s31+$0x3020] =	vst v0  }
0xdb: {  	[tilespmem:s31+$0x3030] =	vst v0  }
0xdc: {  	[tilespmem:s31+$0x3040] =	vst v0  }
0xdd: {  	[tilespmem:s31+$0x3050] =	vst v0  }
0xde: {  	[tilespmem:s31+$0x3060] =	vst v0  }
0xdf: {  	_ =	swait.ge [sflag:s23], $0x40  }
0xe0: {  	[sflag:s23] =	ssyncset.done $0x0  }
0xe1: {  	[sflag:s23] =	ssyncadd.s32 $0xFFFFFFC0  }
0xe2: {  	_ =	swait.ge [sflag:s23], $0x40  }
0xe3: {  	[sflag:s23] =	ssyncset.done $0x0  }
0xe4: {  	[sflag:s23] =	ssyncadd.s32 $0xFFFFFFC0  }
0xe5: {  	_ =	swait.ge [sflag:s23], $0x40  }
0xe6: {  	[sflag:s23] =	ssyncset.done $0x0  }
0xe7: {  	[sflag:s23] =	ssyncadd.s32 $0xFFFFFFC0  }
0xe8: {  	_ =	swait.ge [sflag:s23], $0x40  }
0xe9: {  	[sflag:s23] =	ssyncset.done $0x0  }
0xea: {  	[sflag:s23] =	ssyncadd.s32 $0xFFFFFFC0  }
0xeb: {  	_ =	swait.ge [sflag:s23], $0x40  }
0xec: {  	[sflag:s23] =	ssyncset.done $0x0  }
0xed: {  	[sflag:s23] =	ssyncadd.s32 $0xFFFFFFC0  }
0xee: {  	_ =	swait.ge [sflag:s23], $0x40  }
0xef: {  	[sflag:s23] =	ssyncset.done $0x0  }
0xf0: {  	[sflag:s23] =	ssyncadd.s32 $0xFFFFFFC0  }
0xf1: {  	v3 =	vld [tilespmem:$0x480]  }
0xf2: {  	v4 =	vld [tilespmem:$0x500]  }
0xf3: {  	v5 =	vld [tilespmem:$0x680]  }
0xf4: {  	v6 =	vld [tilespmem:$0x580]  }
0xf5: {  	v7 =	vld [tilespmem:$0x600]  }
0xf6: {  	v8 =	vld [tilespmem:$0x490]  }
0xf7: {  	v9 =	vld [tilespmem:$0x510]  }
0xf8: {  	v10 =	vld [tilespmem:$0x690]  }
0xf9: {  	v11 =	vld [tilespmem:$0x590]  }
0xfa: {  	v12 =	vld [tilespmem:$0x610]  }
0xfb: {  	v13 =	vld [tilespmem:$0x4A0]  }
0xfc: {  	v47 =	vld [tilespmem:$0x5A0]  }
0xfd: {  	v46 =	vld [tilespmem:$0x4B0];
	v3 =	vmul.u32 $0xF, v3  }
0xfe: {  	v49 =	vld [tilespmem:$0x620]  }
0xff: {  	v14 =	vld [tilespmem:$0x520];
	v8 =	vmul.u32 $0xF, v8;
	v3 =	vadd.s32 v4, v3  }
0x100: {  	v16 =	vld [tilespmem:$0x530];
	v6 =	vmul.u32 $0xC8, v6;
	v48 =	vmul.u32 $0xF, v13;
	v3 =	vmul.u32 $0xF, v3  }
0x101: {  	v15 =	vld [tilespmem:$0x6A0];
	v51 =	vmul.u32 $0xC8, v11;
	v57 =	vmul.u32 $0xC8, v47;
	v8 =	vadd.s32 v9, v8  }
0x102: {  	v52 =	vld [tilespmem:$0x5B0];
	v6 =	vadd.s32 v6, v7;
	v4 =	vmul.u32 $0xF, v46;
	v3 =	vadd.s32 v3, v5  }
0x103: {  	v53 =	vld [tilespmem:$0x6B0];
	v54 =	vadd.s32 v51, v12;
	v60 =	vadd.s32 v57, v49;
	v3 =	vadd.s32 v1, v3  }
0x104: {  	v55 =	vld [tilespmem:$0x630];
	v8 =	vmul.u32 $0xF, v8;
	v5 =	vadd.s32 v14, v48;
	[tilespmem:$0x480] =	vst v3;
	v3 =	vadd.s32 v2, v6  }
0x105: {  	v59 =	vadd.s32 v2, v54;
	v5 =	vmul.u32 $0xF, v5;
	[tilespmem:$0x580] =	vst v3;
	v3 =	vadd.s32 v16, v4  }
0x106: {  	v62 =	vadd.s32 v2, v60;
	[tilespmem:$0x590] =	vst v59;
	v50 =	vadd.s32 v8, v10;
	v3 =	vmul.u32 $0xF, v3  }
0x107: {  	v61 =	vmul.u32 $0xC8, v52;
	[tilespmem:$0x5A0] =	vst v62;
	v56 =	vadd.s32 v1, v50;
	v58 =	vadd.s32 v5, v15  }
0x108: {  	[tilespmem:$0x490] =	vst v56;
	v4 =	vadd.s32 v1, v58;
	v3 =	vadd.s32 v3, v53  }
0x109: {  	v63 =	vadd.s32 v61, v55;
	[tilespmem:$0x4A0] =	vst v4;
	v3 =	vadd.s32 v1, v3  }
0x10a: {  	[tilespmem:$0x4B0] =	vst v3;
	v3 =	vadd.s32 v2, v63  }
0x10b: {  	s16 =	simm.s32 $0x400;
	[tilespmem:$0x5B0] =	vst v3  }
0x10c: {  	[tilespmem:s24], [sflag:$0x2] =	stream.indirect.gather.add.f32 [hbm:s1], $0x80, s16, s30, $0xb8;
	[tilespmem:$0x9000] =	vst v63  }
0x10d: {  	s18 =	simm.s32 $0x480  }
0x10e: {  	[tilespmem:s24], [sflag:$0x2] =	stream.indirect.gather.add.f32 [hbm:s5], $0x80, s18, s30, $0xb8;
	[tilespmem:$0x9000] =	vst v63  }
0x10f: {  	s21 =	simm.s32 $0x580  }
0x110: {  	[tilespmem:s24], [sflag:$0x2] =	stream.indirect.gather.add.f32 [hbm:s6], $0x80, s21, s30, $0xb8;
	[tilespmem:$0x9000] =	vst v63  }
0x111: {  	_ =	swait.ge [sflag:s26], $0x2000  }
0x112: {  	[sflag:s26] =	ssyncset.done $0x0  }
0x113: {  	[sflag:s26] =	ssyncadd.s32 $0xFFFFE000  }
0x114: {  	_ =	swait.ge [sflag:s26], $0x2000  }
0x115: {  	[sflag:s26] =	ssyncset.done $0x0  }
0x116: {  	[sflag:s26] =	ssyncadd.s32 $0xFFFFE000  }
0x117: {  	_ =	swait.ge [sflag:s26], $0x2000  }
0x118: {  	s31 =	sshll.u32 s28, $0xF;
	s22 =	rddreg [dreg:$0x10]  }
0x119: {  	s18 =	sadd.s32 s22, s31  }
0x11a: {  	p0 =	seq.s32 s28, $0x18;
	[sflag:s26] =	ssyncset.done $0x0;
	s18 =	sshrl.u32 s18, $0x3  }
0x11b: {  	s16 =	rddreg [dreg:$0x19];
	[sflag:s26] =	ssyncadd.s32 $0xFFFFE000;
	s18 =	sadd.s32 s2, s18  }
0x11c: {  	[hbm4b:s18+s4] =	stream.linear.scatter [tilespmem:s0], [sflag:$0x5], $0x2000, $0x38;
	[tilespmem:$0x9000] =	vst v63  }
0x11d: {  	s18 =	sadd.s32 @!p0 s29, s16  }
0x11e: {  	s18 =	sshrl.u32 @!p0 s18, $0x3  }
0x11f: {  	s22 =	simm.s32 @!p0 $0x0;
	s21 =	sadd.s32 @!p0 s7, s18  }
0x120: {  	[tilespmem:s22], [sflag:$0x9] =	stream.linear.gather @!p0 [hbm4b:s21+s22], $0x40, $0x38;
	[tilespmem:$0x9000] =	vst v63  }
0x121: {  	s16 =	simm.s32 @!p0 $0x80;
	s21 =	sadd.s32 @!p0 s8, s18  }
0x122: {  	[tilespmem:s16], [sflag:$0x9] =	stream.linear.gather @!p0 [hbm4b:s21+s22], $0x40, $0x38;
	[tilespmem:$0x9000] =	vst v63  }
0x123: {  	s16 =	sadd.s32 @!p0 s9, s18;
	s21 =	simm.s32 @!p0 $0x100  }
0x124: {  	[tilespmem:s21], [sflag:$0x9] =	stream.linear.gather @!p0 [hbm4b:s16+s22], $0x40, $0x38;
	[tilespmem:$0x9000] =	vst v63  }
0x125: {  	s16 =	sadd.s32 @!p0 s10, s18;
	s21 =	simm.s32 @!p0 $0x180  }
0x126: {  	[tilespmem:s21], [sflag:$0x9] =	stream.linear.gather @!p0 [hbm4b:s16+s22], $0x40, $0x38;
	[tilespmem:$0x9000] =	vst v63  }
0x127: {  	p1 =	seq.s32 @!p0 s28, $0x0;
	s16 =	sadd.s32 @!p0 s11, s18;
	s21 =	simm.s32 @!p0 $0x200  }
0x128: {  	[tilespmem:s21], [sflag:$0x9] =	stream.linear.gather @!p0 [hbm4b:s16+s22], $0x40, $0x38;
	[tilespmem:$0x9000] =	vst v63  }
0x129: {  	p1 =	por p0, !p1;
	s16 =	sadd.s32 @!p0 s12, s18;
	s18 =	simm.s32 @!p0 $0x280  }
0x12a: {  	[tilespmem:s18], [sflag:$0x9] =	stream.linear.gather @!p0 [hbm4b:s16+s22], $0x40, $0x38;
	[tilespmem:$0x9000] =	vst v63  }
0x12b: {  	s16 =	simm.s32 @p1 $0x7  }
0x12c: {  	_ =	swait.ge @p1 [sflag:s16], $0x2000  }
0x12d: {  	[sflag:s16] =	ssyncset.done @p1 $0x0  }
0x12e: {  	s21 =	simm.s32 $0x200;
	s18 =	simm.s32 $0x0;
	[sflag:s16] =	ssyncadd.s32 @p1 $0xFFFFE000  }
.LBB2_7:
0x12f: {  	p2 =	sne.s32 s21, $0x7E00;
	[tilespmem:s18+$0x5070] =	vst v0  }
0x130: {  	[tilespmem:s18+$0x5000] =	vst v0  }
0x131: {  	[tilespmem:s18+$0x5010] =	vst v0  }
.Ltmp4:
0x132: {  	[tilespmem:s18+$0x5020] =	vst v0;
	(pc) =	sbr.rel @p2 .LBB2_7-.Ltmp4, $4  }
0x133: {  	[tilespmem:s18+$0x5030] =	vst v0  }
0x134: {  	[tilespmem:s18+$0x5040] =	vst v0  }
0x135: {  	[tilespmem:s18+$0x5050] =	vst v0  }
0x136: {  	[tilespmem:s18+$0x5060] =	vst v0;
	s18 =	sshra.s32 s21, $0x2;
	s21 =	sadd.s32 $0x200, s21  }
0x137: {  	[tilespmem:s18+$0x5070] =	vst v0  }
0x138: {  	[tilespmem:s18+$0x5000] =	vst v0  }
0x139: {  	[tilespmem:s18+$0x5010] =	vst v0  }
0x13a: {  	[tilespmem:s18+$0x5020] =	vst v0  }
0x13b: {  	[tilespmem:s18+$0x5030] =	vst v0  }
0x13c: {  	[tilespmem:s18+$0x5040] =	vst v0  }
0x13d: {  	[tilespmem:s18+$0x5050] =	vst v0  }
0x13e: {  	[tilespmem:s18+$0x5060] =	vst v0  }
0x13f: {  	_ =	swait.ge [sflag:s17], $0x40  }
0x140: {  	[sflag:s17] =	ssyncset.done $0x0  }
0x141: {  	[sflag:s17] =	ssyncadd.s32 $0xFFFFFFC0  }
0x142: {  	_ =	swait.ge [sflag:s17], $0x40  }
0x143: {  	[sflag:s17] =	ssyncset.done $0x0  }
0x144: {  	[sflag:s17] =	ssyncadd.s32 $0xFFFFFFC0  }
0x145: {  	_ =	swait.ge [sflag:s17], $0x40  }
0x146: {  	[sflag:s17] =	ssyncset.done $0x0  }
0x147: {  	[sflag:s17] =	ssyncadd.s32 $0xFFFFFFC0  }
0x148: {  	_ =	swait.ge [sflag:s17], $0x40  }
0x149: {  	[sflag:s17] =	ssyncset.done $0x0  }
0x14a: {  	[sflag:s17] =	ssyncadd.s32 $0xFFFFFFC0  }
0x14b: {  	_ =	swait.ge [sflag:s17], $0x40  }
0x14c: {  	[sflag:s17] =	ssyncset.done $0x0  }
0x14d: {  	[sflag:s17] =	ssyncadd.s32 $0xFFFFFFC0  }
0x14e: {  	_ =	swait.ge [sflag:s17], $0x40  }
0x14f: {  	[sflag:s17] =	ssyncset.done $0x0  }
0x150: {  	[sflag:s17] =	ssyncadd.s32 $0xFFFFFFC0  }
0x151: {  	v3 =	vld [tilespmem:$0x880]  }
0x152: {  	v4 =	vld [tilespmem:$0x900]  }
0x153: {  	v5 =	vld [tilespmem:$0xA80]  }
0x154: {  	v6 =	vld [tilespmem:$0x980]  }
0x155: {  	v7 =	vld [tilespmem:$0xA00]  }
0x156: {  	v8 =	vld [tilespmem:$0x890]  }
0x157: {  	v9 =	vld [tilespmem:$0x910]  }
0x158: {  	v10 =	vld [tilespmem:$0xA90]  }
0x159: {  	v11 =	vld [tilespmem:$0x990]  }
0x15a: {  	v12 =	vld [tilespmem:$0xA10]  }
0x15b: {  	v13 =	vld [tilespmem:$0x8A0]  }
0x15c: {  	v47 =	vld [tilespmem:$0x9A0]  }
0x15d: {  	v46 =	vld [tilespmem:$0x8B0];
	v3 =	vmul.u32 $0xF, v3  }
0x15e: {  	v49 =	vld [tilespmem:$0xA20]  }
0x15f: {  	v14 =	vld [tilespmem:$0x920];
	v8 =	vmul.u32 $0xF, v8;
	v3 =	vadd.s32 v4, v3  }
0x160: {  	v16 =	vld [tilespmem:$0x930];
	v6 =	vmul.u32 $0xC8, v6;
	v48 =	vmul.u32 $0xF, v13;
	v3 =	vmul.u32 $0xF, v3  }
0x161: {  	v15 =	vld [tilespmem:$0xAA0];
	v51 =	vmul.u32 $0xC8, v11;
	v57 =	vmul.u32 $0xC8, v47;
	v8 =	vadd.s32 v9, v8  }
0x162: {  	v52 =	vld [tilespmem:$0x9B0];
	v6 =	vadd.s32 v6, v7;
	v4 =	vmul.u32 $0xF, v46;
	v3 =	vadd.s32 v3, v5  }
0x163: {  	v53 =	vld [tilespmem:$0xAB0];
	v54 =	vadd.s32 v51, v12;
	v60 =	vadd.s32 v57, v49;
	v3 =	vadd.s32 v1, v3  }
0x164: {  	v55 =	vld [tilespmem:$0xA30];
	v8 =	vmul.u32 $0xF, v8;
	v5 =	vadd.s32 v14, v48;
	[tilespmem:$0x880] =	vst v3;
	v3 =	vadd.s32 v2, v6  }
0x165: {  	v59 =	vadd.s32 v2, v54;
	v5 =	vmul.u32 $0xF, v5;
	[tilespmem:$0x980] =	vst v3;
	v3 =	vadd.s32 v16, v4  }
0x166: {  	v62 =	vadd.s32 v2, v60;
	[tilespmem:$0x990] =	vst v59;
	v50 =	vadd.s32 v8, v10;
	v3 =	vmul.u32 $0xF, v3  }
0x167: {  	v61 =	vmul.u32 $0xC8, v52;
	[tilespmem:$0x9A0] =	vst v62;
	v56 =	vadd.s32 v1, v50;
	v58 =	vadd.s32 v5, v15  }
0x168: {  	[tilespmem:$0x890] =	vst v56;
	v4 =	vadd.s32 v1, v58;
	v3 =	vadd.s32 v3, v53  }
0x169: {  	v63 =	vadd.s32 v61, v55;
	[tilespmem:$0x8A0] =	vst v4;
	v3 =	vadd.s32 v1, v3  }
0x16a: {  	[tilespmem:$0x8B0] =	vst v3;
	v3 =	vadd.s32 v2, v63  }
0x16b: {  	s16 =	simm.s32 $0x800;
	[tilespmem:$0x9B0] =	vst v3  }
0x16c: {  	[tilespmem:s25], [sflag:$0x3] =	stream.indirect.gather.add.f32 [hbm:s1], $0x80, s16, s30, $0xb8;
	[tilespmem:$0x9000] =	vst v63  }
0x16d: {  	s18 =	simm.s32 $0x880  }
0x16e: {  	[tilespmem:s25], [sflag:$0x3] =	stream.indirect.gather.add.f32 [hbm:s5], $0x80, s18, s30, $0xb8;
	[tilespmem:$0x9000] =	vst v63  }
0x16f: {  	s21 =	simm.s32 $0x980  }
0x170: {  	[tilespmem:s25], [sflag:$0x3] =	stream.indirect.gather.add.f32 [hbm:s6], $0x80, s21, s30, $0xb8;
	[tilespmem:$0x9000] =	vst v63  }
0x171: {  	_ =	swait.ge [sflag:s3], $0x2000  }
0x172: {  	[sflag:s3] =	ssyncset.done $0x0  }
0x173: {  	[sflag:s3] =	ssyncadd.s32 $0xFFFFE000  }
0x174: {  	_ =	swait.ge [sflag:s3], $0x2000  }
0x175: {  	[sflag:s3] =	ssyncset.done $0x0  }
0x176: {  	[sflag:s3] =	ssyncadd.s32 $0xFFFFE000  }
0x177: {  	_ =	swait.ge [sflag:s3], $0x2000  }
0x178: {  	s22 =	rddreg [dreg:$0x1a]  }
0x179: {  	s16 =	sadd.s32 s29, s22  }
0x17a: {  	[sflag:s3] =	ssyncset.done $0x0;
	s16 =	sshll.u32 s16, $0x4  }
0x17b: {  	[sflag:s3] =	ssyncadd.s32 $0xFFFFE000;
	s16 =	sadd.s32 s2, s16  }
0x17c: {  	[hbm4b:s16+s4] =	stream.linear.scatter [tilespmem:s24], [sflag:$0x6], $0x2000, $0x38;
	[tilespmem:$0x9000] =	vst v63  }
0x17d: {  	s16 =	rddreg [dreg:$0x1b]  }
0x17e: {  	s16 =	sadd.s32 @!p0 s29, s16  }
0x17f: {  	s16 =	sshrl.u32 @!p0 s16, $0x3  }
0x180: {  	s21 =	simm.s32 @!p0 $0x0;
	s22 =	simm.s32 @!p0 $0x400;
	s18 =	sadd.s32 @!p0 s7, s16  }
0x181: {  	[tilespmem:s22], [sflag:$0xA] =	stream.linear.gather @!p0 [hbm4b:s18+s21], $0x40, $0x38;
	[tilespmem:$0x9000] =	vst v63  }
0x182: {  	s18 =	sadd.s32 @!p0 s8, s16;
	s22 =	simm.s32 @!p0 $0x480  }
0x183: {  	[tilespmem:s22], [sflag:$0xA] =	stream.linear.gather @!p0 [hbm4b:s18+s21], $0x40, $0x38;
	[tilespmem:$0x9000] =	vst v63  }
0x184: {  	s18 =	sadd.s32 @!p0 s9, s16;
	s22 =	simm.s32 @!p0 $0x500  }
0x185: {  	[tilespmem:s22], [sflag:$0xA] =	stream.linear.gather @!p0 [hbm4b:s18+s21], $0x40, $0x38;
	[tilespmem:$0x9000] =	vst v63  }
0x186: {  	s18 =	sadd.s32 @!p0 s10, s16;
	s22 =	simm.s32 @!p0 $0x580  }
0x187: {  	[tilespmem:s22], [sflag:$0xA] =	stream.linear.gather @!p0 [hbm4b:s18+s21], $0x40, $0x38;
	[tilespmem:$0x9000] =	vst v63  }
0x188: {  	s18 =	sadd.s32 @!p0 s11, s16;
	s22 =	simm.s32 @!p0 $0x600  }
0x189: {  	[tilespmem:s22], [sflag:$0xA] =	stream.linear.gather @!p0 [hbm4b:s18+s21], $0x40, $0x38;
	[tilespmem:$0x9000] =	vst v63  }
0x18a: {  	s16 =	sadd.s32 @!p0 s12, s16;
	s18 =	simm.s32 @!p0 $0x680  }
0x18b: {  	[tilespmem:s18], [sflag:$0xA] =	stream.linear.gather @!p0 [hbm4b:s16+s21], $0x40, $0x38;
	[tilespmem:$0x9000] =	vst v63  }
0x18c: {  	_ =	swait.ge @p1 [sflag:s20], $0x2000  }
0x18d: {  	s22 =	simm.s32 $0xC00;
	[sflag:s20] =	ssyncset.done @p1 $0x0  }
0x18e: {  	s18 =	simm.s32 $0x0;
	s21 =	simm.s32 $0x200;
	[sflag:s20] =	ssyncadd.s32 @p1 $0xFFFFE000  }
.LBB2_9:
0x18f: {  	p1 =	sne.s32 s21, $0x7E00;
	[tilespmem:s18+$0x7070] =	vst v0  }
0x190: {  	[tilespmem:s18+$0x7000] =	vst v0  }
0x191: {  	[tilespmem:s18+$0x7010] =	vst v0  }
.Ltmp5:
0x192: {  	[tilespmem:s18+$0x7020] =	vst v0;
	(pc) =	sbr.rel @p1 .LBB2_9-.Ltmp5, $4  }
0x193: {  	[tilespmem:s18+$0x7030] =	vst v0  }
0x194: {  	[tilespmem:s18+$0x7040] =	vst v0  }
0x195: {  	[tilespmem:s18+$0x7050] =	vst v0  }
0x196: {  	[tilespmem:s18+$0x7060] =	vst v0;
	s18 =	sshra.s32 s21, $0x2;
	s21 =	sadd.s32 $0x200, s21  }
0x197: {  	[tilespmem:s18+$0x7070] =	vst v0  }
0x198: {  	[tilespmem:s18+$0x7000] =	vst v0  }
0x199: {  	[tilespmem:s18+$0x7010] =	vst v0  }
0x19a: {  	[tilespmem:s18+$0x7020] =	vst v0  }
0x19b: {  	[tilespmem:s18+$0x7030] =	vst v0  }
0x19c: {  	[tilespmem:s18+$0x7040] =	vst v0  }
0x19d: {  	[tilespmem:s18+$0x7050] =	vst v0  }
0x19e: {  	[tilespmem:s18+$0x7060] =	vst v0  }
0x19f: {  	_ =	swait.ge [sflag:s13], $0x40  }
0x1a0: {  	[sflag:s13] =	ssyncset.done $0x0  }
0x1a1: {  	[sflag:s13] =	ssyncadd.s32 $0xFFFFFFC0  }
0x1a2: {  	_ =	swait.ge [sflag:s13], $0x40  }
0x1a3: {  	[sflag:s13] =	ssyncset.done $0x0  }
0x1a4: {  	[sflag:s13] =	ssyncadd.s32 $0xFFFFFFC0  }
0x1a5: {  	_ =	swait.ge [sflag:s13], $0x40  }
0x1a6: {  	[sflag:s13] =	ssyncset.done $0x0  }
0x1a7: {  	[sflag:s13] =	ssyncadd.s32 $0xFFFFFFC0  }
0x1a8: {  	_ =	swait.ge [sflag:s13], $0x40  }
0x1a9: {  	[sflag:s13] =	ssyncset.done $0x0  }
0x1aa: {  	[sflag:s13] =	ssyncadd.s32 $0xFFFFFFC0  }
0x1ab: {  	_ =	swait.ge [sflag:s13], $0x40  }
0x1ac: {  	[sflag:s13] =	ssyncset.done $0x0  }
0x1ad: {  	[sflag:s13] =	ssyncadd.s32 $0xFFFFFFC0  }
0x1ae: {  	_ =	swait.ge [sflag:s13], $0x40  }
0x1af: {  	[sflag:s13] =	ssyncset.done $0x0  }
0x1b0: {  	[sflag:s13] =	ssyncadd.s32 $0xFFFFFFC0  }
0x1b1: {  	v3 =	vld [tilespmem:$0xC80]  }
0x1b2: {  	v4 =	vld [tilespmem:$0xD00]  }
0x1b3: {  	v5 =	vld [tilespmem:$0xE80]  }
0x1b4: {  	v6 =	vld [tilespmem:$0xD80]  }
0x1b5: {  	v7 =	vld [tilespmem:$0xE00]  }
0x1b6: {  	v8 =	vld [tilespmem:$0xC90]  }
0x1b7: {  	v9 =	vld [tilespmem:$0xD10]  }
0x1b8: {  	v10 =	vld [tilespmem:$0xE90]  }
0x1b9: {  	v11 =	vld [tilespmem:$0xD90]  }
0x1ba: {  	v12 =	vld [tilespmem:$0xE10]  }
0x1bb: {  	v13 =	vld [tilespmem:$0xCA0]  }
0x1bc: {  	v47 =	vld [tilespmem:$0xDA0]  }
0x1bd: {  	v46 =	vld [tilespmem:$0xCB0];
	v3 =	vmul.u32 $0xF, v3  }
0x1be: {  	v49 =	vld [tilespmem:$0xE20]  }
0x1bf: {  	v14 =	vld [tilespmem:$0xD20];
	v8 =	vmul.u32 $0xF, v8;
	v3 =	vadd.s32 v4, v3  }
0x1c0: {  	v16 =	vld [tilespmem:$0xD30];
	v6 =	vmul.u32 $0xC8, v6;
	v48 =	vmul.u32 $0xF, v13;
	v3 =	vmul.u32 $0xF, v3  }
0x1c1: {  	v15 =	vld [tilespmem:$0xEA0];
	v51 =	vmul.u32 $0xC8, v11;
	v57 =	vmul.u32 $0xC8, v47;
	v8 =	vadd.s32 v9, v8  }
0x1c2: {  	v52 =	vld [tilespmem:$0xDB0];
	v6 =	vadd.s32 v6, v7;
	v4 =	vmul.u32 $0xF, v46;
	v3 =	vadd.s32 v3, v5  }
0x1c3: {  	v53 =	vld [tilespmem:$0xEB0];
	v54 =	vadd.s32 v51, v12;
	v60 =	vadd.s32 v57, v49;
	v3 =	vadd.s32 v1, v3  }
0x1c4: {  	v55 =	vld [tilespmem:$0xE30];
	v8 =	vmul.u32 $0xF, v8;
	v5 =	vadd.s32 v14, v48;
	[tilespmem:$0xC80] =	vst v3;
	v3 =	vadd.s32 v2, v6  }
0x1c5: {  	v59 =	vadd.s32 v2, v54;
	v5 =	vmul.u32 $0xF, v5;
	[tilespmem:$0xD80] =	vst v3;
	v3 =	vadd.s32 v16, v4  }
0x1c6: {  	v62 =	vadd.s32 v2, v60;
	[tilespmem:$0xD90] =	vst v59;
	v50 =	vadd.s32 v8, v10;
	v3 =	vmul.u32 $0xF, v3  }
0x1c7: {  	v61 =	vmul.u32 $0xC8, v52;
	[tilespmem:$0xDA0] =	vst v62;
	v56 =	vadd.s32 v1, v50;
	v58 =	vadd.s32 v5, v15  }
0x1c8: {  	[tilespmem:$0xC90] =	vst v56;
	v4 =	vadd.s32 v1, v58;
	v3 =	vadd.s32 v3, v53  }
0x1c9: {  	v63 =	vadd.s32 v61, v55;
	[tilespmem:$0xCA0] =	vst v4;
	v3 =	vadd.s32 v1, v3  }
0x1ca: {  	[tilespmem:$0xCB0] =	vst v3;
	v3 =	vadd.s32 v2, v63  }
0x1cb: {  	[tilespmem:$0xDB0] =	vst v3  }
0x1cc: {  	[tilespmem:s14], [sflag:$0x4] =	stream.indirect.gather.add.f32 [hbm:s1], $0x80, s22, s30, $0xb8;
	[tilespmem:$0x9000] =	vst v63  }
0x1cd: {  	s16 =	simm.s32 $0xC80  }
0x1ce: {  	[tilespmem:s14], [sflag:$0x4] =	stream.indirect.gather.add.f32 [hbm:s5], $0x80, s16, s30, $0xb8;
	[tilespmem:$0x9000] =	vst v63  }
0x1cf: {  	s18 =	simm.s32 $0xD80  }
0x1d0: {  	[tilespmem:s14], [sflag:$0x4] =	stream.indirect.gather.add.f32 [hbm:s6], $0x80, s18, s30, $0xb8;
	[tilespmem:$0x9000] =	vst v63  }
0x1d1: {  	_ =	swait.ge [sflag:s15], $0x2000  }
0x1d2: {  	[sflag:s15] =	ssyncset.done $0x0  }
0x1d3: {  	[sflag:s15] =	ssyncadd.s32 $0xFFFFE000  }
0x1d4: {  	_ =	swait.ge [sflag:s15], $0x2000  }
0x1d5: {  	[sflag:s15] =	ssyncset.done $0x0  }
0x1d6: {  	[sflag:s15] =	ssyncadd.s32 $0xFFFFE000  }
0x1d7: {  	_ =	swait.ge [sflag:s15], $0x2000  }
.Ltmp6:
0x1d8: {  	s21 =	rddreg [dreg:$0x1f];
	(pc) =	sbr.rel @p0 .LBB2_12-.Ltmp6, $4  }
0x1d9: {  	s16 =	sadd.s32 s31, s21  }
0x1da: {  	[sflag:s15] =	ssyncset.done $0x0;
	s16 =	sshrl.u32 s16, $0x3  }
0x1db: {  	[sflag:s15] =	ssyncadd.s32 $0xFFFFE000;
	s16 =	sadd.s32 s2, s16  }
0x1dc: {  	[hbm4b:s16+s4] =	stream.linear.scatter [tilespmem:s25], [sflag:$0x7], $0x2000, $0x38;
	[tilespmem:$0x9000] =	vst v63  }
0x1dd: {  	s16 =	rddreg [dreg:$0x1c]  }
0x1de: {  	s16 =	sadd.s32 s29, s16  }
0x1df: {  	s16 =	sshrl.u32 s16, $0x3  }
0x1e0: {  	s21 =	simm.s32 $0x800;
	s18 =	sadd.s32 s7, s16  }
0x1e1: {  	[tilespmem:s21], [sflag:$0xB] =	stream.linear.gather [hbm4b:s18+s4], $0x40, $0x38;
	[tilespmem:$0x9000] =	vst v63  }
0x1e2: {  	s31 =	simm.s32 $0x880;
	s29 =	sadd.s32 s8, s16  }
0x1e3: {  	[tilespmem:s31], [sflag:$0xB] =	stream.linear.gather [hbm4b:s29+s4], $0x40, $0x38;
	[tilespmem:$0x9000] =	vst v63  }
0x1e4: {  	s29 =	sadd.s32 s9, s16;
	s31 =	simm.s32 $0x900  }
0x1e5: {  	[tilespmem:s31], [sflag:$0xB] =	stream.linear.gather [hbm4b:s29+s4], $0x40, $0x38;
	[tilespmem:$0x9000] =	vst v63  }
0x1e6: {  	s29 =	sadd.s32 s10, s16;
	s31 =	simm.s32 $0x980  }
0x1e7: {  	[tilespmem:s31], [sflag:$0xB] =	stream.linear.gather [hbm4b:s29+s4], $0x40, $0x38;
	[tilespmem:$0x9000] =	vst v63  }
.Ltmp7:
0x1e8: {  	_ = 	snop;
	(pc) =	sbr.rel .LBB2_2-.Ltmp7, $4  }
0x1e9: {  	s21 =	sadd.s32 s11, s16;
	s29 =	simm.s32 $0xA00  }
0x1ea: {  	[tilespmem:s29], [sflag:$0xB] =	stream.linear.gather [hbm4b:s21+s4], $0x40, $0x38;
	[tilespmem:$0x9000] =	vst v63  }
0x1eb: {  	s28 =	sadd.s32 $0x1, s28;
	s16 =	sadd.s32 s12, s16;
	s31 =	simm.s32 $0xA80  }
0x1ec: {  	[tilespmem:s31], [sflag:$0xB] =	stream.linear.gather [hbm4b:s16+s4], $0x40, $0x38;
	[tilespmem:$0x9000] =	vst v63  }
.LBB2_13:
0x1ed: {  	_ =	sfence.sel $0x180000  }
0x1ee: {  	[bflag:$0x0] =	sbarrier.arrive $0xFFFF  }
0x1ef: {  	_ =	strace $0x90000047  }
0x1f0: {  	s0 =	stileid.u32;
	[bflag:$0x2] =	sbarrier.arrive $0xFFFF  }
0x1f1: {  	p0 =	sne.s32 s0, $0x0;
	s0 =	rddreg [dreg:$0x3]  }
0x1f2: {  	s0 =	sadd.s32 @!p0 $0x100000, s0  }
0x1f3: {  	[sflag:s0] =	ssyncadd.tile.s32 @!p0 $0x1;
	_ =	shalt  }
.Lfunc_end2:
_tile_overlayer_lowered:
.L_overlay_start_2:
0x1f4: {  	(tag) =	ssettag $0x2  }
0x1f5: {  	s0 =	rddreg [dreg:$0x0];
	s2 =	stileid.u32  }
0x1f6: {  	s1 =	rddreg [dreg:$0x1];
	p0 =	sne.s32 s2, $0x0  }
0x1f7: {  	s3 =	rddreg [dreg:$0x2];
	[bflag:$0x3] =	sbarrier.arrive $0xFFFF;
	s2 =	simm.s32 @!p0 $0x1C0D  }
0x1f8: {  	[timem:s3], [sflag:s2] =	dma.local @!p0 [hbm:s0], s1  }
0x1f9: {  	s0 =	simm.s32 @!p0 $0xD  }
0x1fa: {  	_ =	swait.ge @!p0 [sflag:s0], s1  }
0x1fb: {  	s1 =	ssub.s32 @!p0 $0x0, s1;
	[sflag:s0] =	ssyncset.done @!p0 $0x0  }
0x1fc: {  	[sflag:s0] =	ssyncadd.s32 @!p0 s1  }
0x1fd: {  	[bflag:$0x3] =	sbarrier.arrive $0xFFFF  }
0x1fe: {  	_ =	shalt  }

</sc_bundles>
